<compile_context>
chip_gen: v7x
topology: tpu7x:2x2x1
jax: 0.10.2.dev20260603
libtpu: 0.0.44.dev20260713+nightly
codegen_flags: <defaults>
</compile_context>

<pallas_src>
import functools

import jax
import jax.numpy as jnp
from jax import lax
from jax.experimental import pallas as pl
from jax.experimental.pallas import tpu as pltpu
from jax.experimental.pallas import tpu_sc as plsc

N = 10000
E = 320000
D = 128
H = 128
C = 16
G = 64
EPS = 1e-5

NC = 2
NS = 16
NW = NC * NS
EPW = E // NW
K = 100
NCH = EPW // K
HH = H // 2
EPT = E // NS
ACH = EPT // K
STR = 624
LAST = N - (NS - 1) * STR
DW = 16

_mesh = plsc.VectorSubcoreMesh(core_axis_name="c", subcore_axis_name="s")


@functools.partial(
    pl.kernel,
    out_type=jax.ShapeDtypeStruct((NC, N, DW), jnp.float32),
    mesh=_mesh,
    scratch_types=[
        pltpu.VMEM((NCH, K), jnp.int32),
        pltpu.VMEM((K, DW), jnp.float32),
        pltpu.VMEM_SHARED((N, DW), jnp.float32),
        pltpu.SemaphoreType.DMA,
        pltpu.SemaphoreType.DMA,
    ],
    compiler_params=pltpu.CompilerParams(use_tc_tiling_on_sc=False),
)
def _deg_kernel(e4_hbm, ones_hbm, zeros_hbm, dpart_hbm, dst_v, ones_v, accd,
                s0, s1):
    cid = lax.axis_index("c")
    sid = lax.axis_index("s")
    row0 = sid * STR
    pltpu.sync_copy(e4_hbm.at[1, sid, pl.ds(cid * NCH, NCH)], dst_v)
    pltpu.sync_copy(ones_hbm, ones_v)

    @pl.when(sid < NS - 1)
    def _():
        pltpu.sync_copy(zeros_hbm.at[pl.ds(0, STR)],
                        accd.at[pl.ds(row0, STR)])

    @pl.when(sid == NS - 1)
    def _():
        pltpu.sync_copy(zeros_hbm, accd.at[pl.ds((NS - 1) * STR, LAST)])

    plsc.subcore_barrier()

    def body(jj, carry):
        c0 = pltpu.async_copy(ones_v, accd.at[dst_v.at[2 * jj]], s0, add=True)
        c1 = pltpu.async_copy(ones_v, accd.at[dst_v.at[2 * jj + 1]], s1,
                              add=True)
        c0.wait()
        c1.wait()
        return carry

    lax.fori_loop(0, NCH // 2, body, 0)
    plsc.subcore_barrier()

    @pl.when(sid < NS - 1)
    def _():
        pltpu.sync_copy(accd.at[pl.ds(row0, STR)],
                        dpart_hbm.at[cid, pl.ds(row0, STR)])

    @pl.when(sid == NS - 1)
    def _():
        pltpu.sync_copy(accd.at[pl.ds((NS - 1) * STR, LAST)],
                        dpart_hbm.at[cid, pl.ds((NS - 1) * STR, LAST)])


@functools.partial(
    pl.kernel,
    out_type=(jax.ShapeDtypeStruct((N, HH), jnp.bfloat16),
              jax.ShapeDtypeStruct((N, HH), jnp.bfloat16)),
    mesh=_mesh,
    scratch_types=[
        pltpu.VMEM((ACH, K), jnp.int32),
        pltpu.VMEM((ACH, K), jnp.int32),
    ] + [pltpu.VMEM((K, HH), jnp.bfloat16)] * 10
      + [pltpu.VMEM_SHARED((N, HH), jnp.bfloat16)]
      + [pltpu.SemaphoreType.DMA] * 20,
    compiler_params=pltpu.CompilerParams(use_tc_tiling_on_sc=False),
)
def _agg_kernel(ga_hbm, gb_hbm, e4_hbm,
                pa_hbm, pb_hbm,
                src_v, dst_v, *rest):
    bufs = rest[0:10]
    acc = rest[10]
    gsems = rest[11:21]
    ssems = rest[21:31]
    cid = lax.axis_index("c")
    sid = lax.axis_index("s")
    row0 = sid * STR
    pltpu.sync_copy(e4_hbm.at[0, sid], src_v)
    pltpu.sync_copy(e4_hbm.at[1, sid], dst_v)

    @pl.when((cid == 0) & (sid < NS - 1))
    def _():
        pltpu.sync_copy(ga_hbm.at[pl.ds(row0, STR)], acc.at[pl.ds(row0, STR)])

    @pl.when((cid == 0) & (sid == NS - 1))
    def _():
        pltpu.sync_copy(ga_hbm.at[pl.ds((NS - 1) * STR, LAST)],
                        acc.at[pl.ds((NS - 1) * STR, LAST)])

    @pl.when((cid != 0) & (sid < NS - 1))
    def _():
        pltpu.sync_copy(gb_hbm.at[pl.ds(row0, STR)], acc.at[pl.ds(row0, STR)])

    @pl.when((cid != 0) & (sid == NS - 1))
    def _():
        pltpu.sync_copy(gb_hbm.at[pl.ds((NS - 1) * STR, LAST)],
                        acc.at[pl.ds((NS - 1) * STR, LAST)])

    plsc.subcore_barrier()

    NB = 10

    def gather(j, buf, sem):
        @pl.when(cid == 0)
        def _():
            pltpu.async_copy(ga_hbm.at[src_v.at[j]], buf, sem)

        @pl.when(cid != 0)
        def _():
            pltpu.async_copy(gb_hbm.at[src_v.at[j]], buf, sem)

    for b in range(NB):
        gather(b, bufs[b], gsems[b])

    def body(jj, carry):
        scs = []
        for b in range(NB):
            j = NB * jj + b
            pltpu.make_async_copy(ga_hbm.at[src_v.at[0]], bufs[b],
                                  gsems[b]).wait()
            scs.append(pltpu.async_copy(bufs[b], acc.at[dst_v.at[j]],
                                        ssems[b], add=True))
        for b in range(NB):
            j = NB * jj + b
            scs[b].wait()

            @pl.when(j + NB < ACH)
            def _(b=b, j=j):
                gather(j + NB, bufs[b], gsems[b])

        return carry

    lax.fori_loop(0, ACH // NB, body, 0)
    plsc.subcore_barrier()

    def writeback(out_hbm):
        @pl.when(sid < NS - 1)
        def _():
            pltpu.sync_copy(acc.at[pl.ds(row0, STR)],
                            out_hbm.at[pl.ds(row0, STR)])

        @pl.when(sid == NS - 1)
        def _():
            pltpu.sync_copy(acc.at[pl.ds((NS - 1) * STR, LAST)],
                            out_hbm.at[pl.ds((NS - 1) * STR, LAST)])

    @pl.when(cid == 0)
    def _():
        writeback(pa_hbm)

    @pl.when(cid != 0)
    def _():
        writeback(pb_hbm)


BN = 2000
NBLK = N // BN


def _mm_body(x_ref, w_ref, dp_ref, ga_ref, gb_ref):
    deg = dp_ref[0, :, 0:1] + dp_ref[1, :, 0:1] + 1.0
    dinv = lax.rsqrt(deg)
    h = jnp.dot(x_ref[...], w_ref[...], preferred_element_type=jnp.float32,
                precision=lax.Precision.HIGHEST)
    g = (h * dinv).astype(jnp.bfloat16)
    ga_ref[...] = g[:, :HH]
    gb_ref[...] = g[:, HH:]


_matmul_scale = pl.pallas_call(
    _mm_body,
    grid=(NBLK,),
    in_specs=[
        pl.BlockSpec((BN, D), lambda i: (i, 0)),
        pl.BlockSpec((D, H), lambda i: (0, 0)),
        pl.BlockSpec((NC, BN, DW), lambda i: (0, i, 0)),
    ],
    out_specs=[
        pl.BlockSpec((BN, HH), lambda i: (i, 0)),
        pl.BlockSpec((BN, HH), lambda i: (i, 0)),
    ],
    out_shape=[
        jax.ShapeDtypeStruct((N, HH), jnp.bfloat16),
        jax.ShapeDtypeStruct((N, HH), jnp.bfloat16),
    ],
)


def _head_body(pa_ref, pb_ref, dp_ref, batch_ref, bgb_ref,
               wc_ref, bc_ref, out_ref, ssum, ssq, pooled):
    i = pl.program_id(0)
    deg = dp_ref[0, :, 0:1] + dp_ref[1, :, 0:1] + 1.0
    dinv = lax.rsqrt(deg)
    p = jnp.concatenate([pa_ref[...], pb_ref[...]],
                        axis=1).astype(jnp.float32)
    z = dinv * p + bgb_ref[0:1, :]

    @pl.when(i == 0)
    def _():
        ssum[...] = jnp.zeros_like(ssum)
        ssq[...] = jnp.zeros_like(ssq)
        pooled[...] = jnp.zeros_like(pooled)

    @pl.when(i < NBLK)
    def _():
        ssum[...] += jnp.sum(z, axis=0, keepdims=True)
        ssq[...] += jnp.sum(z * z, axis=0, keepdims=True)

    @pl.when(i >= NBLK)
    def _():
        mean = ssum[...] * (1.0 / N)
        var = ssq[...] * (1.0 / N) - mean * mean
        hn = ((z - mean) * lax.rsqrt(var + EPS) * bgb_ref[1:2, :]
              + bgb_ref[2:3, :])
        h2 = jnp.maximum(hn, 0.0)
        gid = lax.broadcasted_iota(jnp.int32, (G, 1), 0)
        oht = (gid == batch_ref[0]).astype(jnp.float32)
        pooled[...] += lax.dot_general(
            oht, h2, (((1,), (0,)), ((), ())),
            preferred_element_type=jnp.float32,
            precision=lax.Precision.HIGHEST)

    @pl.when(i == 2 * NBLK - 1)
    def _():
        out_ref[...] = jnp.dot(
            pooled[...], wc_ref[...], preferred_element_type=jnp.float32,
            precision=lax.Precision.HIGHEST) + bc_ref[...]


_head = pl.pallas_call(
    _head_body,
    grid=(2 * NBLK,),
    in_specs=[
        pl.BlockSpec((BN, HH), lambda i: (i % NBLK, 0)),
        pl.BlockSpec((BN, HH), lambda i: (i % NBLK, 0)),
        pl.BlockSpec((NC, BN, DW), lambda i: (0, i % NBLK, 0)),
        pl.BlockSpec((1, 1, BN), lambda i: (i % NBLK, 0, 0)),
        pl.BlockSpec((3, H), lambda i: (0, 0)),
        pl.BlockSpec((H, C), lambda i: (0, 0)),
        pl.BlockSpec((1, C), lambda i: (0, 0)),
    ],
    out_specs=pl.BlockSpec((G, C), lambda i: (0, 0)),
    out_shape=jax.ShapeDtypeStruct((G, C), jnp.float32),
    scratch_shapes=[
        pltpu.VMEM((1, H), jnp.float32),
        pltpu.VMEM((1, H), jnp.float32),
        pltpu.VMEM((G, H), jnp.float32),
    ],
)


def kernel(x, edge_index, batch, W1, b1, gamma, beta, Wc, bc):
    e4 = edge_index.reshape(2, NS, ACH, K)
    ones_d = jnp.ones((K, DW), jnp.float32)
    zeros_d = jnp.zeros((LAST, DW), jnp.float32)
    bgb = jnp.stack([b1, gamma, beta])

    dpart = _deg_kernel(e4, ones_d, zeros_d)
    ga, gb = _matmul_scale(x, W1, dpart)
    pa, pb = _agg_kernel(ga, gb, e4)
    logits = _head(pa, pb, dpart, batch.reshape(NBLK, 1, BN), bgb,
                   Wc, bc.reshape(1, C))
    return logits

# --- scband reference (transcript-rebuilt; emitter-appended) ---
"""Pipeline reference for scband-graph-classifier-gcn1-38517266711098 (READ-ONLY COPY).

The authoritative reference and input builder live on the scoring server;
editing this copy changes nothing except your own understanding.
"""

import jax, jax.numpy as jnp
import numpy as np

N = 10000   # nodes
E = 320000  # edges
D = 128     # input_dim
H = 128     # hidden_dim
C = 16      # num_classes
G = 64      # graphs in batch
EPS = 1e-5


def setup_inputs(seed: int = 0) -> dict:
    key = jax.random.key(seed)
    ks = jax.random.split(key, 9)
    x = jax.random.normal(ks[0], (N, D), dtype=jnp.float32)
    edge_index = jax.random.randint(ks[1], (2, E), 0, N, dtype=jnp.int32)
    batch = jnp.sort(jax.random.randint(ks[2], (N,), 0, G, dtype=jnp.int32))
    # GCNConv weight (glorot-ish) and bias
    W1 = jax.random.normal(ks[3], (D, H), dtype=jnp.float32) * (1.0 / np.sqrt(D))
    b1 = jnp.zeros((H,), dtype=jnp.float32)
    # BatchNorm1d affine params
    gamma = jnp.ones((H,), dtype=jnp.float32)
    beta = jnp.zeros((H,), dtype=jnp.float32)
    # classifier Linear
    Wc = jax.random.normal(ks[4], (H, C), dtype=jnp.float32) * (1.0 / np.sqrt(H))
    bc = jnp.zeros((C,), dtype=jnp.float32)
    return {"x": x, "edge_index": edge_index, "batch": batch,
            "W1": W1, "b1": b1, "gamma": gamma, "beta": beta,
            "Wc": Wc, "bc": bc}


def _gcn_conv(x, edge_index, W, b):
    # PyG GCNConv: add self-loops, symmetric normalization, scatter-add aggregation
    loop = jnp.arange(N, dtype=edge_index.dtype)
    src = jnp.concatenate([edge_index[0], loop])
    dst = jnp.concatenate([edge_index[1], loop])
    ones = jnp.ones(src.shape[0], dtype=jnp.float32)
    deg = jax.ops.segment_sum(ones, dst, num_segments=N)
    dinv = jnp.where(deg > 0, jax.lax.rsqrt(deg), 0.0)
    norm = dinv[src] * dinv[dst]
    h = x @ W
    msg = jnp.take(h, src, axis=0) * norm[:, None]
    out = jax.ops.segment_sum(msg, dst, num_segments=N)
    return out + b


def reference(x, edge_index, batch, W1, b1, gamma, beta, Wc, bc):
    h = _gcn_conv(x, edge_index, W1, b1)
    # BatchNorm1d (training mode: batch statistics, biased variance)
    mean = jnp.mean(h, axis=0)
    var = jnp.mean((h - mean) ** 2, axis=0)
    h = (h - mean) * jax.lax.rsqrt(var + EPS) * gamma + beta
    h = jax.nn.relu(h)
    # dropout_rate = 0.0 -> identity
    pooled = jax.ops.segment_sum(h, batch, num_segments=G)  # global_add_pool
    logits = pooled @ Wc + bc
    return logits

if __name__ == "__main__":
    import jax
    _d = setup_inputs()
    print(jax.jit(kernel)(*tuple(_d.values())))

</pallas_src>

<mosaic_0001>
#map = affine_map<(d0, d1) -> (0, 0)>
#map1 = affine_map<(d0, d1) -> (0, 0, 0, 0)>
module attributes {stable_mosaic.version = 14 : i64} {
  func.func @_agg_kernel(%arg0: i32, %arg1: i32, %arg2: memref<10000x64xbf16, #tpu.memory_space<hbm>>, %arg3: memref<10000x64xbf16, #tpu.memory_space<hbm>>, %arg4: memref<2x16x200x100xi32, #tpu.memory_space<hbm>>, %arg5: memref<10000x64xbf16, #tpu.memory_space<hbm>>, %arg6: memref<10000x64xbf16, #tpu.memory_space<hbm>>, %arg7: memref<200x100xi32, #tpu.memory_space<vmem>>, %arg8: memref<200x100xi32, #tpu.memory_space<vmem>>, %arg9: memref<100x64xbf16, #tpu.memory_space<vmem>>, %arg10: memref<100x64xbf16, #tpu.memory_space<vmem>>, %arg11: memref<100x64xbf16, #tpu.memory_space<vmem>>, %arg12: memref<100x64xbf16, #tpu.memory_space<vmem>>, %arg13: memref<100x64xbf16, #tpu.memory_space<vmem>>, %arg14: memref<100x64xbf16, #tpu.memory_space<vmem>>, %arg15: memref<100x64xbf16, #tpu.memory_space<vmem>>, %arg16: memref<100x64xbf16, #tpu.memory_space<vmem>>, %arg17: memref<100x64xbf16, #tpu.memory_space<vmem>>, %arg18: memref<100x64xbf16, #tpu.memory_space<vmem>>, %arg19: memref<10000x64xbf16, #tpu.memory_space<vmem_shared>>, %arg20: memref<!tpu.dma_semaphore, #tpu.memory_space<semaphore_mem>>, %arg21: memref<!tpu.dma_semaphore, #tpu.memory_space<semaphore_mem>>, %arg22: memref<!tpu.dma_semaphore, #tpu.memory_space<semaphore_mem>>, %arg23: memref<!tpu.dma_semaphore, #tpu.memory_space<semaphore_mem>>, %arg24: memref<!tpu.dma_semaphore, #tpu.memory_space<semaphore_mem>>, %arg25: memref<!tpu.dma_semaphore, #tpu.memory_space<semaphore_mem>>, %arg26: memref<!tpu.dma_semaphore, #tpu.memory_space<semaphore_mem>>, %arg27: memref<!tpu.dma_semaphore, #tpu.memory_space<semaphore_mem>>, %arg28: memref<!tpu.dma_semaphore, #tpu.memory_space<semaphore_mem>>, %arg29: memref<!tpu.dma_semaphore, #tpu.memory_space<semaphore_mem>>, %arg30: memref<!tpu.dma_semaphore, #tpu.memory_space<semaphore_mem>>, %arg31: memref<!tpu.dma_semaphore, #tpu.memory_space<semaphore_mem>>, %arg32: memref<!tpu.dma_semaphore, #tpu.memory_space<semaphore_mem>>, %arg33: memref<!tpu.dma_semaphore, #tpu.memory_space<semaphore_mem>>, %arg34: memref<!tpu.dma_semaphore, #tpu.memory_space<semaphore_mem>>, %arg35: memref<!tpu.dma_semaphore, #tpu.memory_space<semaphore_mem>>, %arg36: memref<!tpu.dma_semaphore, #tpu.memory_space<semaphore_mem>>, %arg37: memref<!tpu.dma_semaphore, #tpu.memory_space<semaphore_mem>>, %arg38: memref<!tpu.dma_semaphore, #tpu.memory_space<semaphore_mem>>, %arg39: memref<!tpu.dma_semaphore, #tpu.memory_space<semaphore_mem>>) attributes {dimension_semantics = [#tpu.dimension_semantics<core_parallel>, #tpu.dimension_semantics<subcore_parallel>], iteration_bounds = array<i64: 2, 16>, scalar_prefetch = 0 : i64, scratch_operands = 33 : i64, tpu.core_type = #tpu.core_type<sc_vector_subcore>, window_params = [{transform_indices = #map}, {transform_indices = #map}, {transform_indices = #map1}, {transform_indices = #map}, {transform_indices = #map}]} {
    %mul3A = arith.constant 624 : i32
    %mul3A_0 = arith.muli %arg1, %mul3A : i32
    %run_scoped3A = arith.constant 0 : i32
    "tpu.region"() ({
      %run_scoped3A_144 = tpu.sem_alloc : memref<!tpu.dma_semaphore, #tpu.memory_space<semaphore_mem>>
      %dma_start3A = arith.constant 0 : i32
      %dma_start3A_145 = arith.constant 0 : i32
      %dma_start3A_146 = tpu.memref_slice %arg4[%run_scoped3A, %arg1, %dma_start3A, %dma_start3A_145] : memref<2x16x200x100xi32, #tpu.memory_space<hbm>> -> memref<1x1x200x100xi32, #tpu.memory_space<hbm>>
      %dma_start3A_147 = tpu.memref_squeeze %dma_start3A_146 : memref<1x1x200x100xi32, #tpu.memory_space<hbm>> -> memref<200x100xi32, #tpu.memory_space<hbm>>
      %dma_start3A_148 = arith.constant 0 : i32
      %dma_start3A_149 = arith.constant 0 : i32
      %dma_start3A_150 = tpu.memref_slice %arg4[%run_scoped3A, %arg1, %dma_start3A_148, %dma_start3A_149] : memref<2x16x200x100xi32, #tpu.memory_space<hbm>> -> memref<1x1x200x100xi32, #tpu.memory_space<hbm>>
      %dma_start3A_151 = tpu.memref_squeeze %dma_start3A_150 : memref<1x1x200x100xi32, #tpu.memory_space<hbm>> -> memref<200x100xi32, #tpu.memory_space<hbm>>
      tpu.enqueue_dma source(%dma_start3A_151 : memref<200x100xi32, #tpu.memory_space<hbm>>) target(%arg7 : memref<200x100xi32, #tpu.memory_space<vmem>>) target_semaphore(%run_scoped3A_144 : memref<!tpu.dma_semaphore, #tpu.memory_space<semaphore_mem>>)
      %dma_wait3A = arith.constant 0 : i32
      %dma_wait3A_152 = arith.constant 0 : i32
      %dma_wait3A_153 = tpu.memref_slice %arg4[%run_scoped3A, %arg1, %dma_wait3A, %dma_wait3A_152] : memref<2x16x200x100xi32, #tpu.memory_space<hbm>> -> memref<1x1x200x100xi32, #tpu.memory_space<hbm>>
      %dma_wait3A_154 = tpu.memref_squeeze %dma_wait3A_153 : memref<1x1x200x100xi32, #tpu.memory_space<hbm>> -> memref<200x100xi32, #tpu.memory_space<hbm>>
      %dma_wait3A_155 = arith.constant 0 : i32
      %dma_wait3A_156 = arith.constant 0 : i32
      %dma_wait3A_157 = tpu.memref_slice %arg4[%run_scoped3A, %arg1, %dma_wait3A_155, %dma_wait3A_156] : memref<2x16x200x100xi32, #tpu.memory_space<hbm>> -> memref<1x1x200x100xi32, #tpu.memory_space<hbm>>
      %dma_wait3A_158 = tpu.memref_squeeze %dma_wait3A_157 : memref<1x1x200x100xi32, #tpu.memory_space<hbm>> -> memref<200x100xi32, #tpu.memory_space<hbm>>
      tpu.wait_dma2 semaphore(%run_scoped3A_144 : memref<!tpu.dma_semaphore, #tpu.memory_space<semaphore_mem>>) src(%dma_wait3A_158 : memref<200x100xi32, #tpu.memory_space<hbm>>) dst(%arg7 : memref<200x100xi32, #tpu.memory_space<vmem>>)
      tpu.yield
    }) : () -> ()
    %run_scoped3A_1 = arith.constant 1 : i32
    "tpu.region"() ({
      %run_scoped3A_144 = tpu.sem_alloc : memref<!tpu.dma_semaphore, #tpu.memory_space<semaphore_mem>>
      %dma_start3A = arith.constant 0 : i32
      %dma_start3A_145 = arith.constant 0 : i32
      %dma_start3A_146 = tpu.memref_slice %arg4[%run_scoped3A_1, %arg1, %dma_start3A, %dma_start3A_145] : memref<2x16x200x100xi32, #tpu.memory_space<hbm>> -> memref<1x1x200x100xi32, #tpu.memory_space<hbm>>
      %dma_start3A_147 = tpu.memref_squeeze %dma_start3A_146 : memref<1x1x200x100xi32, #tpu.memory_space<hbm>> -> memref<200x100xi32, #tpu.memory_space<hbm>>
      %dma_start3A_148 = arith.constant 0 : i32
      %dma_start3A_149 = arith.constant 0 : i32
      %dma_start3A_150 = tpu.memref_slice %arg4[%run_scoped3A_1, %arg1, %dma_start3A_148, %dma_start3A_149] : memref<2x16x200x100xi32, #tpu.memory_space<hbm>> -> memref<1x1x200x100xi32, #tpu.memory_space<hbm>>
      %dma_start3A_151 = tpu.memref_squeeze %dma_start3A_150 : memref<1x1x200x100xi32, #tpu.memory_space<hbm>> -> memref<200x100xi32, #tpu.memory_space<hbm>>
      tpu.enqueue_dma source(%dma_start3A_151 : memref<200x100xi32, #tpu.memory_space<hbm>>) target(%arg8 : memref<200x100xi32, #tpu.memory_space<vmem>>) target_semaphore(%run_scoped3A_144 : memref<!tpu.dma_semaphore, #tpu.memory_space<semaphore_mem>>)
      %dma_wait3A = arith.constant 0 : i32
      %dma_wait3A_152 = arith.constant 0 : i32
      %dma_wait3A_153 = tpu.memref_slice %arg4[%run_scoped3A_1, %arg1, %dma_wait3A, %dma_wait3A_152] : memref<2x16x200x100xi32, #tpu.memory_space<hbm>> -> memref<1x1x200x100xi32, #tpu.memory_space<hbm>>
      %dma_wait3A_154 = tpu.memref_squeeze %dma_wait3A_153 : memref<1x1x200x100xi32, #tpu.memory_space<hbm>> -> memref<200x100xi32, #tpu.memory_space<hbm>>
      %dma_wait3A_155 = arith.constant 0 : i32
      %dma_wait3A_156 = arith.constant 0 : i32
      %dma_wait3A_157 = tpu.memref_slice %arg4[%run_scoped3A_1, %arg1, %dma_wait3A_155, %dma_wait3A_156] : memref<2x16x200x100xi32, #tpu.memory_space<hbm>> -> memref<1x1x200x100xi32, #tpu.memory_space<hbm>>
      %dma_wait3A_158 = tpu.memref_squeeze %dma_wait3A_157 : memref<1x1x200x100xi32, #tpu.memory_space<hbm>> -> memref<200x100xi32, #tpu.memory_space<hbm>>
      tpu.wait_dma2 semaphore(%run_scoped3A_144 : memref<!tpu.dma_semaphore, #tpu.memory_space<semaphore_mem>>) src(%dma_wait3A_158 : memref<200x100xi32, #tpu.memory_space<hbm>>) dst(%arg8 : memref<200x100xi32, #tpu.memory_space<vmem>>)
      tpu.yield
    }) : () -> ()
    %eq3A = arith.constant 0 : i32
    %eq3A_2 = arith.cmpi eq, %arg0, %eq3A : i32
    %lt3A = arith.constant 15 : i32
    %lt3A_3 = arith.cmpi slt, %arg1, %lt3A : i32
    %and3A = arith.andi %eq3A_2, %lt3A_3 : i1
    %convert_element_type3A = arith.extui %and3A : i1 to i32
    %cond3A = arith.constant 0 : i32
    %cond3A_4 = arith.cmpi ne, %convert_element_type3A, %cond3A : i32
    scf.if %cond3A_4 {
      "tpu.region"() ({
        %run_scoped3A_144 = tpu.sem_alloc : memref<!tpu.dma_semaphore, #tpu.memory_space<semaphore_mem>>
        %dma_start3A = arith.constant 0 : i32
        %dma_start3A_145 = tpu.memref_slice %arg19[%mul3A_0, %dma_start3A] : memref<10000x64xbf16, #tpu.memory_space<vmem_shared>> -> memref<624x64xbf16, #tpu.memory_space<vmem_shared>>
        %dma_start3A_146 = arith.constant 0 : i32
        %dma_start3A_147 = tpu.memref_slice %arg2[%mul3A_0, %dma_start3A_146] : memref<10000x64xbf16, #tpu.memory_space<hbm>> -> memref<624x64xbf16, #tpu.memory_space<hbm>>
        tpu.enqueue_dma source(%dma_start3A_147 : memref<624x64xbf16, #tpu.memory_space<hbm>>) target(%dma_start3A_145 : memref<624x64xbf16, #tpu.memory_space<vmem_shared>>) target_semaphore(%run_scoped3A_144 : memref<!tpu.dma_semaphore, #tpu.memory_space<semaphore_mem>>)
        %dma_wait3A = arith.constant 0 : i32
        %dma_wait3A_148 = tpu.memref_slice %arg19[%mul3A_0, %dma_wait3A] : memref<10000x64xbf16, #tpu.memory_space<vmem_shared>> -> memref<624x64xbf16, #tpu.memory_space<vmem_shared>>
        %dma_wait3A_149 = arith.constant 0 : i32
        %dma_wait3A_150 = tpu.memref_slice %arg2[%mul3A_0, %dma_wait3A_149] : memref<10000x64xbf16, #tpu.memory_space<hbm>> -> memref<624x64xbf16, #tpu.memory_space<hbm>>
        tpu.wait_dma2 semaphore(%run_scoped3A_144 : memref<!tpu.dma_semaphore, #tpu.memory_space<semaphore_mem>>) src(%dma_wait3A_150 : memref<624x64xbf16, #tpu.memory_space<hbm>>) dst(%dma_wait3A_148 : memref<624x64xbf16, #tpu.memory_space<vmem_shared>>)
        tpu.yield
      }) : () -> ()
    } else {
    }
    %eq3A_5 = arith.constant 0 : i32
    %eq3A_6 = arith.cmpi eq, %arg0, %eq3A_5 : i32
    %eq3A_7 = arith.constant 15 : i32
    %eq3A_8 = arith.cmpi eq, %arg1, %eq3A_7 : i32
    %and3A_9 = arith.andi %eq3A_6, %eq3A_8 : i1
    %convert_element_type3A_10 = arith.extui %and3A_9 : i1 to i32
    %cond3A_11 = arith.constant 0 : i32
    %cond3A_12 = arith.cmpi ne, %convert_element_type3A_10, %cond3A_11 : i32
    scf.if %cond3A_12 {
      "tpu.region"() ({
        %run_scoped3A_144 = tpu.sem_alloc : memref<!tpu.dma_semaphore, #tpu.memory_space<semaphore_mem>>
        %dma_start3A = arith.constant 9360 : i32
        %dma_start3A_145 = arith.constant 0 : i32
        %dma_start3A_146 = tpu.memref_slice %arg19[%dma_start3A, %dma_start3A_145] : memref<10000x64xbf16, #tpu.memory_space<vmem_shared>> -> memref<640x64xbf16, #tpu.memory_space<vmem_shared>>
        %dma_start3A_147 = arith.constant 9360 : i32
        %dma_start3A_148 = arith.constant 0 : i32
        %dma_start3A_149 = tpu.memref_slice %arg2[%dma_start3A_147, %dma_start3A_148] : memref<10000x64xbf16, #tpu.memory_space<hbm>> -> memref<640x64xbf16, #tpu.memory_space<hbm>>
        tpu.enqueue_dma source(%dma_start3A_149 : memref<640x64xbf16, #tpu.memory_space<hbm>>) target(%dma_start3A_146 : memref<640x64xbf16, #tpu.memory_space<vmem_shared>>) target_semaphore(%run_scoped3A_144 : memref<!tpu.dma_semaphore, #tpu.memory_space<semaphore_mem>>)
        %dma_wait3A = arith.constant 9360 : i32
        %dma_wait3A_150 = arith.constant 0 : i32
        %dma_wait3A_151 = tpu.memref_slice %arg19[%dma_wait3A, %dma_wait3A_150] : memref<10000x64xbf16, #tpu.memory_space<vmem_shared>> -> memref<640x64xbf16, #tpu.memory_space<vmem_shared>>
        %dma_wait3A_152 = arith.constant 9360 : i32
        %dma_wait3A_153 = arith.constant 0 : i32
        %dma_wait3A_154 = tpu.memref_slice %arg2[%dma_wait3A_152, %dma_wait3A_153] : memref<10000x64xbf16, #tpu.memory_space<hbm>> -> memref<640x64xbf16, #tpu.memory_space<hbm>>
        tpu.wait_dma2 semaphore(%run_scoped3A_144 : memref<!tpu.dma_semaphore, #tpu.memory_space<semaphore_mem>>) src(%dma_wait3A_154 : memref<640x64xbf16, #tpu.memory_space<hbm>>) dst(%dma_wait3A_151 : memref<640x64xbf16, #tpu.memory_space<vmem_shared>>)
        tpu.yield
      }) : () -> ()
    } else {
    }
    %ne3A = arith.constant 0 : i32
    %ne3A_13 = arith.cmpi ne, %arg0, %ne3A : i32
    %lt3A_14 = arith.constant 15 : i32
    %lt3A_15 = arith.cmpi slt, %arg1, %lt3A_14 : i32
    %and3A_16 = arith.andi %ne3A_13, %lt3A_15 : i1
    %convert_element_type3A_17 = arith.extui %and3A_16 : i1 to i32
    %cond3A_18 = arith.constant 0 : i32
    %cond3A_19 = arith.cmpi ne, %convert_element_type3A_17, %cond3A_18 : i32
    scf.if %cond3A_19 {
      "tpu.region"() ({
        %run_scoped3A_144 = tpu.sem_alloc : memref<!tpu.dma_semaphore, #tpu.memory_space<semaphore_mem>>
        %dma_start3A = arith.constant 0 : i32
        %dma_start3A_145 = tpu.memref_slice %arg19[%mul3A_0, %dma_start3A] : memref<10000x64xbf16, #tpu.memory_space<vmem_shared>> -> memref<624x64xbf16, #tpu.memory_space<vmem_shared>>
        %dma_start3A_146 = arith.constant 0 : i32
        %dma_start3A_147 = tpu.memref_slice %arg3[%mul3A_0, %dma_start3A_146] : memref<10000x64xbf16, #tpu.memory_space<hbm>> -> memref<624x64xbf16, #tpu.memory_space<hbm>>
        tpu.enqueue_dma source(%dma_start3A_147 : memref<624x64xbf16, #tpu.memory_space<hbm>>) target(%dma_start3A_145 : memref<624x64xbf16, #tpu.memory_space<vmem_shared>>) target_semaphore(%run_scoped3A_144 : memref<!tpu.dma_semaphore, #tpu.memory_space<semaphore_mem>>)
        %dma_wait3A = arith.constant 0 : i32
        %dma_wait3A_148 = tpu.memref_slice %arg19[%mul3A_0, %dma_wait3A] : memref<10000x64xbf16, #tpu.memory_space<vmem_shared>> -> memref<624x64xbf16, #tpu.memory_space<vmem_shared>>
        %dma_wait3A_149 = arith.constant 0 : i32
        %dma_wait3A_150 = tpu.memref_slice %arg3[%mul3A_0, %dma_wait3A_149] : memref<10000x64xbf16, #tpu.memory_space<hbm>> -> memref<624x64xbf16, #tpu.memory_space<hbm>>
        tpu.wait_dma2 semaphore(%run_scoped3A_144 : memref<!tpu.dma_semaphore, #tpu.memory_space<semaphore_mem>>) src(%dma_wait3A_150 : memref<624x64xbf16, #tpu.memory_space<hbm>>) dst(%dma_wait3A_148 : memref<624x64xbf16, #tpu.memory_space<vmem_shared>>)
        tpu.yield
      }) : () -> ()
    } else {
    }
    %ne3A_20 = arith.constant 0 : i32
    %ne3A_21 = arith.cmpi ne, %arg0, %ne3A_20 : i32
    %eq3A_22 = arith.constant 15 : i32
    %eq3A_23 = arith.cmpi eq, %arg1, %eq3A_22 : i32
    %and3A_24 = arith.andi %ne3A_21, %eq3A_23 : i1
    %convert_element_type3A_25 = arith.extui %and3A_24 : i1 to i32
    %cond3A_26 = arith.constant 0 : i32
    %cond3A_27 = arith.cmpi ne, %convert_element_type3A_25, %cond3A_26 : i32
    scf.if %cond3A_27 {
      "tpu.region"() ({
        %run_scoped3A_144 = tpu.sem_alloc : memref<!tpu.dma_semaphore, #tpu.memory_space<semaphore_mem>>
        %dma_start3A = arith.constant 9360 : i32
        %dma_start3A_145 = arith.constant 0 : i32
        %dma_start3A_146 = tpu.memref_slice %arg19[%dma_start3A, %dma_start3A_145] : memref<10000x64xbf16, #tpu.memory_space<vmem_shared>> -> memref<640x64xbf16, #tpu.memory_space<vmem_shared>>
        %dma_start3A_147 = arith.constant 9360 : i32
        %dma_start3A_148 = arith.constant 0 : i32
        %dma_start3A_149 = tpu.memref_slice %arg3[%dma_start3A_147, %dma_start3A_148] : memref<10000x64xbf16, #tpu.memory_space<hbm>> -> memref<640x64xbf16, #tpu.memory_space<hbm>>
        tpu.enqueue_dma source(%dma_start3A_149 : memref<640x64xbf16, #tpu.memory_space<hbm>>) target(%dma_start3A_146 : memref<640x64xbf16, #tpu.memory_space<vmem_shared>>) target_semaphore(%run_scoped3A_144 : memref<!tpu.dma_semaphore, #tpu.memory_space<semaphore_mem>>)
        %dma_wait3A = arith.constant 9360 : i32
        %dma_wait3A_150 = arith.constant 0 : i32
        %dma_wait3A_151 = tpu.memref_slice %arg19[%dma_wait3A, %dma_wait3A_150] : memref<10000x64xbf16, #tpu.memory_space<vmem_shared>> -> memref<640x64xbf16, #tpu.memory_space<vmem_shared>>
        %dma_wait3A_152 = arith.constant 9360 : i32
        %dma_wait3A_153 = arith.constant 0 : i32
        %dma_wait3A_154 = tpu.memref_slice %arg3[%dma_wait3A_152, %dma_wait3A_153] : memref<10000x64xbf16, #tpu.memory_space<hbm>> -> memref<640x64xbf16, #tpu.memory_space<hbm>>
        tpu.wait_dma2 semaphore(%run_scoped3A_144 : memref<!tpu.dma_semaphore, #tpu.memory_space<semaphore_mem>>) src(%dma_wait3A_154 : memref<640x64xbf16, #tpu.memory_space<hbm>>) dst(%dma_wait3A_151 : memref<640x64xbf16, #tpu.memory_space<vmem_shared>>)
        tpu.yield
      }) : () -> ()
    } else {
    }
    %barrier3A = arith.constant 0 : index
    tpu.barrier barrier_id(%barrier3A)
    %eq3A_28 = arith.constant 0 : i32
    %eq3A_29 = arith.cmpi eq, %arg0, %eq3A_28 : i32
    %convert_element_type3A_30 = arith.extui %eq3A_29 : i1 to i32
    %cond3A_31 = arith.constant 0 : i32
    %cond3A_32 = arith.cmpi ne, %convert_element_type3A_30, %cond3A_31 : i32
    scf.if %cond3A_32 {
      %dma_start3A = arith.constant 0 : i32
      %dma_start3A_144 = arith.constant 0 : i32
      %dma_start3A_145 = tpu.memref_slice %arg7[%dma_start3A, %dma_start3A_144] : memref<200x100xi32, #tpu.memory_space<vmem>> -> memref<1x100xi32, #tpu.memory_space<vmem>>
      %dma_start3A_146 = tpu.memref_squeeze %dma_start3A_145 : memref<1x100xi32, #tpu.memory_space<vmem>> -> memref<100xi32, #tpu.memory_space<vmem>>
      %dma_start3A_147 = arith.constant 0 : i32
      %dma_start3A_148 = arith.constant 0 : i32
      %dma_start3A_149 = tpu.memref_slice %arg2[%dma_start3A_147, %dma_start3A_148] : memref<10000x64xbf16, #tpu.memory_space<hbm>> -> memref<10000x64xbf16, #tpu.memory_space<hbm>>
      tpu.enqueue_indirect_dma source(%dma_start3A_149 : memref<10000x64xbf16, #tpu.memory_space<hbm>>) target(%arg9 : memref<100x64xbf16, #tpu.memory_space<vmem>>) offsets(%dma_start3A_146 : memref<100xi32, #tpu.memory_space<vmem>>) semaphore(%arg20 : memref<!tpu.dma_semaphore, #tpu.memory_space<semaphore_mem>>)
    } else {
    }
    %ne3A_33 = arith.constant 0 : i32
    %ne3A_34 = arith.cmpi ne, %arg0, %ne3A_33 : i32
    %convert_element_type3A_35 = arith.extui %ne3A_34 : i1 to i32
    %cond3A_36 = arith.constant 0 : i32
    %cond3A_37 = arith.cmpi ne, %convert_element_type3A_35, %cond3A_36 : i32
    scf.if %cond3A_37 {
      %dma_start3A = arith.constant 0 : i32
      %dma_start3A_144 = arith.constant 0 : i32
      %dma_start3A_145 = tpu.memref_slice %arg7[%dma_start3A, %dma_start3A_144] : memref<200x100xi32, #tpu.memory_space<vmem>> -> memref<1x100xi32, #tpu.memory_space<vmem>>
      %dma_start3A_146 = tpu.memref_squeeze %dma_start3A_145 : memref<1x100xi32, #tpu.memory_space<vmem>> -> memref<100xi32, #tpu.memory_space<vmem>>
      %dma_start3A_147 = arith.constant 0 : i32
      %dma_start3A_148 = arith.constant 0 : i32
      %dma_start3A_149 = tpu.memref_slice %arg3[%dma_start3A_147, %dma_start3A_148] : memref<10000x64xbf16, #tpu.memory_space<hbm>> -> memref<10000x64xbf16, #tpu.memory_space<hbm>>
      tpu.enqueue_indirect_dma source(%dma_start3A_149 : memref<10000x64xbf16, #tpu.memory_space<hbm>>) target(%arg9 : memref<100x64xbf16, #tpu.memory_space<vmem>>) offsets(%dma_start3A_146 : memref<100xi32, #tpu.memory_space<vmem>>) semaphore(%arg20 : memref<!tpu.dma_semaphore, #tpu.memory_space<semaphore_mem>>)
    } else {
    }
    %eq3A_38 = arith.constant 0 : i32
    %eq3A_39 = arith.cmpi eq, %arg0, %eq3A_38 : i32
    %convert_element_type3A_40 = arith.extui %eq3A_39 : i1 to i32
    %cond3A_41 = arith.constant 0 : i32
    %cond3A_42 = arith.cmpi ne, %convert_element_type3A_40, %cond3A_41 : i32
    scf.if %cond3A_42 {
      %dma_start3A = arith.constant 1 : i32
      %dma_start3A_144 = arith.constant 0 : i32
      %dma_start3A_145 = tpu.memref_slice %arg7[%dma_start3A, %dma_start3A_144] : memref<200x100xi32, #tpu.memory_space<vmem>> -> memref<1x100xi32, #tpu.memory_space<vmem>>
      %dma_start3A_146 = tpu.memref_squeeze %dma_start3A_145 : memref<1x100xi32, #tpu.memory_space<vmem>> -> memref<100xi32, #tpu.memory_space<vmem>>
      %dma_start3A_147 = arith.constant 0 : i32
      %dma_start3A_148 = arith.constant 0 : i32
      %dma_start3A_149 = tpu.memref_slice %arg2[%dma_start3A_147, %dma_start3A_148] : memref<10000x64xbf16, #tpu.memory_space<hbm>> -> memref<10000x64xbf16, #tpu.memory_space<hbm>>
      tpu.enqueue_indirect_dma source(%dma_start3A_149 : memref<10000x64xbf16, #tpu.memory_space<hbm>>) target(%arg10 : memref<100x64xbf16, #tpu.memory_space<vmem>>) offsets(%dma_start3A_146 : memref<100xi32, #tpu.memory_space<vmem>>) semaphore(%arg21 : memref<!tpu.dma_semaphore, #tpu.memory_space<semaphore_mem>>)
    } else {
    }
    %ne3A_43 = arith.constant 0 : i32
    %ne3A_44 = arith.cmpi ne, %arg0, %ne3A_43 : i32
    %convert_element_type3A_45 = arith.extui %ne3A_44 : i1 to i32
    %cond3A_46 = arith.constant 0 : i32
    %cond3A_47 = arith.cmpi ne, %convert_element_type3A_45, %cond3A_46 : i32
    scf.if %cond3A_47 {
      %dma_start3A = arith.constant 1 : i32
      %dma_start3A_144 = arith.constant 0 : i32
      %dma_start3A_145 = tpu.memref_slice %arg7[%dma_start3A, %dma_start3A_144] : memref<200x100xi32, #tpu.memory_space<vmem>> -> memref<1x100xi32, #tpu.memory_space<vmem>>
      %dma_start3A_146 = tpu.memref_squeeze %dma_start3A_145 : memref<1x100xi32, #tpu.memory_space<vmem>> -> memref<100xi32, #tpu.memory_space<vmem>>
      %dma_start3A_147 = arith.constant 0 : i32
      %dma_start3A_148 = arith.constant 0 : i32
      %dma_start3A_149 = tpu.memref_slice %arg3[%dma_start3A_147, %dma_start3A_148] : memref<10000x64xbf16, #tpu.memory_space<hbm>> -> memref<10000x64xbf16, #tpu.memory_space<hbm>>
      tpu.enqueue_indirect_dma source(%dma_start3A_149 : memref<10000x64xbf16, #tpu.memory_space<hbm>>) target(%arg10 : memref<100x64xbf16, #tpu.memory_space<vmem>>) offsets(%dma_start3A_146 : memref<100xi32, #tpu.memory_space<vmem>>) semaphore(%arg21 : memref<!tpu.dma_semaphore, #tpu.memory_space<semaphore_mem>>)
    } else {
    }
    %eq3A_48 = arith.constant 0 : i32
    %eq3A_49 = arith.cmpi eq, %arg0, %eq3A_48 : i32
    %convert_element_type3A_50 = arith.extui %eq3A_49 : i1 to i32
    %cond3A_51 = arith.constant 0 : i32
    %cond3A_52 = arith.cmpi ne, %convert_element_type3A_50, %cond3A_51 : i32
    scf.if %cond3A_52 {
      %dma_start3A = arith.constant 2 : i32
      %dma_start3A_144 = arith.constant 0 : i32
      %dma_start3A_145 = tpu.memref_slice %arg7[%dma_start3A, %dma_start3A_144] : memref<200x100xi32, #tpu.memory_space<vmem>> -> memref<1x100xi32, #tpu.memory_space<vmem>>
      %dma_start3A_146 = tpu.memref_squeeze %dma_start3A_145 : memref<1x100xi32, #tpu.memory_space<vmem>> -> memref<100xi32, #tpu.memory_space<vmem>>
      %dma_start3A_147 = arith.constant 0 : i32
      %dma_start3A_148 = arith.constant 0 : i32
      %dma_start3A_149 = tpu.memref_slice %arg2[%dma_start3A_147, %dma_start3A_148] : memref<10000x64xbf16, #tpu.memory_space<hbm>> -> memref<10000x64xbf16, #tpu.memory_space<hbm>>
      tpu.enqueue_indirect_dma source(%dma_start3A_149 : memref<10000x64xbf16, #tpu.memory_space<hbm>>) target(%arg11 : memref<100x64xbf16, #tpu.memory_space<vmem>>) offsets(%dma_start3A_146 : memref<100xi32, #tpu.memory_space<vmem>>) semaphore(%arg22 : memref<!tpu.dma_semaphore, #tpu.memory_space<semaphore_mem>>)
    } else {
    }
    %ne3A_53 = arith.constant 0 : i32
    %ne3A_54 = arith.cmpi ne, %arg0, %ne3A_53 : i32
    %convert_element_type3A_55 = arith.extui %ne3A_54 : i1 to i32
    %cond3A_56 = arith.constant 0 : i32
    %cond3A_57 = arith.cmpi ne, %convert_element_type3A_55, %cond3A_56 : i32
    scf.if %cond3A_57 {
      %dma_start3A = arith.constant 2 : i32
      %dma_start3A_144 = arith.constant 0 : i32
      %dma_start3A_145 = tpu.memref_slice %arg7[%dma_start3A, %dma_start3A_144] : memref<200x100xi32, #tpu.memory_space<vmem>> -> memref<1x100xi32, #tpu.memory_space<vmem>>
      %dma_start3A_146 = tpu.memref_squeeze %dma_start3A_145 : memref<1x100xi32, #tpu.memory_space<vmem>> -> memref<100xi32, #tpu.memory_space<vmem>>
      %dma_start3A_147 = arith.constant 0 : i32
      %dma_start3A_148 = arith.constant 0 : i32
      %dma_start3A_149 = tpu.memref_slice %arg3[%dma_start3A_147, %dma_start3A_148] : memref<10000x64xbf16, #tpu.memory_space<hbm>> -> memref<10000x64xbf16, #tpu.memory_space<hbm>>
      tpu.enqueue_indirect_dma source(%dma_start3A_149 : memref<10000x64xbf16, #tpu.memory_space<hbm>>) target(%arg11 : memref<100x64xbf16, #tpu.memory_space<vmem>>) offsets(%dma_start3A_146 : memref<100xi32, #tpu.memory_space<vmem>>) semaphore(%arg22 : memref<!tpu.dma_semaphore, #tpu.memory_space<semaphore_mem>>)
    } else {
    }
    %eq3A_58 = arith.constant 0 : i32
    %eq3A_59 = arith.cmpi eq, %arg0, %eq3A_58 : i32
    %convert_element_type3A_60 = arith.extui %eq3A_59 : i1 to i32
    %cond3A_61 = arith.constant 0 : i32
    %cond3A_62 = arith.cmpi ne, %convert_element_type3A_60, %cond3A_61 : i32
    scf.if %cond3A_62 {
      %dma_start3A = arith.constant 3 : i32
      %dma_start3A_144 = arith.constant 0 : i32
      %dma_start3A_145 = tpu.memref_slice %arg7[%dma_start3A, %dma_start3A_144] : memref<200x100xi32, #tpu.memory_space<vmem>> -> memref<1x100xi32, #tpu.memory_space<vmem>>
      %dma_start3A_146 = tpu.memref_squeeze %dma_start3A_145 : memref<1x100xi32, #tpu.memory_space<vmem>> -> memref<100xi32, #tpu.memory_space<vmem>>
      %dma_start3A_147 = arith.constant 0 : i32
      %dma_start3A_148 = arith.constant 0 : i32
      %dma_start3A_149 = tpu.memref_slice %arg2[%dma_start3A_147, %dma_start3A_148] : memref<10000x64xbf16, #tpu.memory_space<hbm>> -> memref<10000x64xbf16, #tpu.memory_space<hbm>>
      tpu.enqueue_indirect_dma source(%dma_start3A_149 : memref<10000x64xbf16, #tpu.memory_space<hbm>>) target(%arg12 : memref<100x64xbf16, #tpu.memory_space<vmem>>) offsets(%dma_start3A_146 : memref<100xi32, #tpu.memory_space<vmem>>) semaphore(%arg23 : memref<!tpu.dma_semaphore, #tpu.memory_space<semaphore_mem>>)
    } else {
    }
    %ne3A_63 = arith.constant 0 : i32
    %ne3A_64 = arith.cmpi ne, %arg0, %ne3A_63 : i32
    %convert_element_type3A_65 = arith.extui %ne3A_64 : i1 to i32
    %cond3A_66 = arith.constant 0 : i32
    %cond3A_67 = arith.cmpi ne, %convert_element_type3A_65, %cond3A_66 : i32
    scf.if %cond3A_67 {
      %dma_start3A = arith.constant 3 : i32
      %dma_start3A_144 = arith.constant 0 : i32
      %dma_start3A_145 = tpu.memref_slice %arg7[%dma_start3A, %dma_start3A_144] : memref<200x100xi32, #tpu.memory_space<vmem>> -> memref<1x100xi32, #tpu.memory_space<vmem>>
      %dma_start3A_146 = tpu.memref_squeeze %dma_start3A_145 : memref<1x100xi32, #tpu.memory_space<vmem>> -> memref<100xi32, #tpu.memory_space<vmem>>
      %dma_start3A_147 = arith.constant 0 : i32
      %dma_start3A_148 = arith.constant 0 : i32
      %dma_start3A_149 = tpu.memref_slice %arg3[%dma_start3A_147, %dma_start3A_148] : memref<10000x64xbf16, #tpu.memory_space<hbm>> -> memref<10000x64xbf16, #tpu.memory_space<hbm>>
      tpu.enqueue_indirect_dma source(%dma_start3A_149 : memref<10000x64xbf16, #tpu.memory_space<hbm>>) target(%arg12 : memref<100x64xbf16, #tpu.memory_space<vmem>>) offsets(%dma_start3A_146 : memref<100xi32, #tpu.memory_space<vmem>>) semaphore(%arg23 : memref<!tpu.dma_semaphore, #tpu.memory_space<semaphore_mem>>)
    } else {
    }
    %eq3A_68 = arith.constant 0 : i32
    %eq3A_69 = arith.cmpi eq, %arg0, %eq3A_68 : i32
    %convert_element_type3A_70 = arith.extui %eq3A_69 : i1 to i32
    %cond3A_71 = arith.constant 0 : i32
    %cond3A_72 = arith.cmpi ne, %convert_element_type3A_70, %cond3A_71 : i32
    scf.if %cond3A_72 {
      %dma_start3A = arith.constant 4 : i32
      %dma_start3A_144 = arith.constant 0 : i32
      %dma_start3A_145 = tpu.memref_slice %arg7[%dma_start3A, %dma_start3A_144] : memref<200x100xi32, #tpu.memory_space<vmem>> -> memref<1x100xi32, #tpu.memory_space<vmem>>
      %dma_start3A_146 = tpu.memref_squeeze %dma_start3A_145 : memref<1x100xi32, #tpu.memory_space<vmem>> -> memref<100xi32, #tpu.memory_space<vmem>>
      %dma_start3A_147 = arith.constant 0 : i32
      %dma_start3A_148 = arith.constant 0 : i32
      %dma_start3A_149 = tpu.memref_slice %arg2[%dma_start3A_147, %dma_start3A_148] : memref<10000x64xbf16, #tpu.memory_space<hbm>> -> memref<10000x64xbf16, #tpu.memory_space<hbm>>
      tpu.enqueue_indirect_dma source(%dma_start3A_149 : memref<10000x64xbf16, #tpu.memory_space<hbm>>) target(%arg13 : memref<100x64xbf16, #tpu.memory_space<vmem>>) offsets(%dma_start3A_146 : memref<100xi32, #tpu.memory_space<vmem>>) semaphore(%arg24 : memref<!tpu.dma_semaphore, #tpu.memory_space<semaphore_mem>>)
    } else {
    }
    %ne3A_73 = arith.constant 0 : i32
    %ne3A_74 = arith.cmpi ne, %arg0, %ne3A_73 : i32
    %convert_element_type3A_75 = arith.extui %ne3A_74 : i1 to i32
    %cond3A_76 = arith.constant 0 : i32
    %cond3A_77 = arith.cmpi ne, %convert_element_type3A_75, %cond3A_76 : i32
    scf.if %cond3A_77 {
      %dma_start3A = arith.constant 4 : i32
      %dma_start3A_144 = arith.constant 0 : i32
      %dma_start3A_145 = tpu.memref_slice %arg7[%dma_start3A, %dma_start3A_144] : memref<200x100xi32, #tpu.memory_space<vmem>> -> memref<1x100xi32, #tpu.memory_space<vmem>>
      %dma_start3A_146 = tpu.memref_squeeze %dma_start3A_145 : memref<1x100xi32, #tpu.memory_space<vmem>> -> memref<100xi32, #tpu.memory_space<vmem>>
      %dma_start3A_147 = arith.constant 0 : i32
      %dma_start3A_148 = arith.constant 0 : i32
      %dma_start3A_149 = tpu.memref_slice %arg3[%dma_start3A_147, %dma_start3A_148] : memref<10000x64xbf16, #tpu.memory_space<hbm>> -> memref<10000x64xbf16, #tpu.memory_space<hbm>>
      tpu.enqueue_indirect_dma source(%dma_start3A_149 : memref<10000x64xbf16, #tpu.memory_space<hbm>>) target(%arg13 : memref<100x64xbf16, #tpu.memory_space<vmem>>) offsets(%dma_start3A_146 : memref<100xi32, #tpu.memory_space<vmem>>) semaphore(%arg24 : memref<!tpu.dma_semaphore, #tpu.memory_space<semaphore_mem>>)
    } else {
    }
    %eq3A_78 = arith.constant 0 : i32
    %eq3A_79 = arith.cmpi eq, %arg0, %eq3A_78 : i32
    %convert_element_type3A_80 = arith.extui %eq3A_79 : i1 to i32
    %cond3A_81 = arith.constant 0 : i32
    %cond3A_82 = arith.cmpi ne, %convert_element_type3A_80, %cond3A_81 : i32
    scf.if %cond3A_82 {
      %dma_start3A = arith.constant 5 : i32
      %dma_start3A_144 = arith.constant 0 : i32
      %dma_start3A_145 = tpu.memref_slice %arg7[%dma_start3A, %dma_start3A_144] : memref<200x100xi32, #tpu.memory_space<vmem>> -> memref<1x100xi32, #tpu.memory_space<vmem>>
      %dma_start3A_146 = tpu.memref_squeeze %dma_start3A_145 : memref<1x100xi32, #tpu.memory_space<vmem>> -> memref<100xi32, #tpu.memory_space<vmem>>
      %dma_start3A_147 = arith.constant 0 : i32
      %dma_start3A_148 = arith.constant 0 : i32
      %dma_start3A_149 = tpu.memref_slice %arg2[%dma_start3A_147, %dma_start3A_148] : memref<10000x64xbf16, #tpu.memory_space<hbm>> -> memref<10000x64xbf16, #tpu.memory_space<hbm>>
      tpu.enqueue_indirect_dma source(%dma_start3A_149 : memref<10000x64xbf16, #tpu.memory_space<hbm>>) target(%arg14 : memref<100x64xbf16, #tpu.memory_space<vmem>>) offsets(%dma_start3A_146 : memref<100xi32, #tpu.memory_space<vmem>>) semaphore(%arg25 : memref<!tpu.dma_semaphore, #tpu.memory_space<semaphore_mem>>)
    } else {
    }
    %ne3A_83 = arith.constant 0 : i32
    %ne3A_84 = arith.cmpi ne, %arg0, %ne3A_83 : i32
    %convert_element_type3A_85 = arith.extui %ne3A_84 : i1 to i32
    %cond3A_86 = arith.constant 0 : i32
    %cond3A_87 = arith.cmpi ne, %convert_element_type3A_85, %cond3A_86 : i32
    scf.if %cond3A_87 {
      %dma_start3A = arith.constant 5 : i32
      %dma_start3A_144 = arith.constant 0 : i32
      %dma_start3A_145 = tpu.memref_slice %arg7[%dma_start3A, %dma_start3A_144] : memref<200x100xi32, #tpu.memory_space<vmem>> -> memref<1x100xi32, #tpu.memory_space<vmem>>
      %dma_start3A_146 = tpu.memref_squeeze %dma_start3A_145 : memref<1x100xi32, #tpu.memory_space<vmem>> -> memref<100xi32, #tpu.memory_space<vmem>>
      %dma_start3A_147 = arith.constant 0 : i32
      %dma_start3A_148 = arith.constant 0 : i32
      %dma_start3A_149 = tpu.memref_slice %arg3[%dma_start3A_147, %dma_start3A_148] : memref<10000x64xbf16, #tpu.memory_space<hbm>> -> memref<10000x64xbf16, #tpu.memory_space<hbm>>
      tpu.enqueue_indirect_dma source(%dma_start3A_149 : memref<10000x64xbf16, #tpu.memory_space<hbm>>) target(%arg14 : memref<100x64xbf16, #tpu.memory_space<vmem>>) offsets(%dma_start3A_146 : memref<100xi32, #tpu.memory_space<vmem>>) semaphore(%arg25 : memref<!tpu.dma_semaphore, #tpu.memory_space<semaphore_mem>>)
    } else {
    }
    %eq3A_88 = arith.constant 0 : i32
    %eq3A_89 = arith.cmpi eq, %arg0, %eq3A_88 : i32
    %convert_element_type3A_90 = arith.extui %eq3A_89 : i1 to i32
    %cond3A_91 = arith.constant 0 : i32
    %cond3A_92 = arith.cmpi ne, %convert_element_type3A_90, %cond3A_91 : i32
    scf.if %cond3A_92 {
      %dma_start3A = arith.constant 6 : i32
      %dma_start3A_144 = arith.constant 0 : i32
      %dma_start3A_145 = tpu.memref_slice %arg7[%dma_start3A, %dma_start3A_144] : memref<200x100xi32, #tpu.memory_space<vmem>> -> memref<1x100xi32, #tpu.memory_space<vmem>>
      %dma_start3A_146 = tpu.memref_squeeze %dma_start3A_145 : memref<1x100xi32, #tpu.memory_space<vmem>> -> memref<100xi32, #tpu.memory_space<vmem>>
      %dma_start3A_147 = arith.constant 0 : i32
      %dma_start3A_148 = arith.constant 0 : i32
      %dma_start3A_149 = tpu.memref_slice %arg2[%dma_start3A_147, %dma_start3A_148] : memref<10000x64xbf16, #tpu.memory_space<hbm>> -> memref<10000x64xbf16, #tpu.memory_space<hbm>>
      tpu.enqueue_indirect_dma source(%dma_start3A_149 : memref<10000x64xbf16, #tpu.memory_space<hbm>>) target(%arg15 : memref<100x64xbf16, #tpu.memory_space<vmem>>) offsets(%dma_start3A_146 : memref<100xi32, #tpu.memory_space<vmem>>) semaphore(%arg26 : memref<!tpu.dma_semaphore, #tpu.memory_space<semaphore_mem>>)
    } else {
    }
    %ne3A_93 = arith.constant 0 : i32
    %ne3A_94 = arith.cmpi ne, %arg0, %ne3A_93 : i32
    %convert_element_type3A_95 = arith.extui %ne3A_94 : i1 to i32
    %cond3A_96 = arith.constant 0 : i32
    %cond3A_97 = arith.cmpi ne, %convert_element_type3A_95, %cond3A_96 : i32
    scf.if %cond3A_97 {
      %dma_start3A = arith.constant 6 : i32
      %dma_start3A_144 = arith.constant 0 : i32
      %dma_start3A_145 = tpu.memref_slice %arg7[%dma_start3A, %dma_start3A_144] : memref<200x100xi32, #tpu.memory_space<vmem>> -> memref<1x100xi32, #tpu.memory_space<vmem>>
      %dma_start3A_146 = tpu.memref_squeeze %dma_start3A_145 : memref<1x100xi32, #tpu.memory_space<vmem>> -> memref<100xi32, #tpu.memory_space<vmem>>
      %dma_start3A_147 = arith.constant 0 : i32
      %dma_start3A_148 = arith.constant 0 : i32
      %dma_start3A_149 = tpu.memref_slice %arg3[%dma_start3A_147, %dma_start3A_148] : memref<10000x64xbf16, #tpu.memory_space<hbm>> -> memref<10000x64xbf16, #tpu.memory_space<hbm>>
      tpu.enqueue_indirect_dma source(%dma_start3A_149 : memref<10000x64xbf16, #tpu.memory_space<hbm>>) target(%arg15 : memref<100x64xbf16, #tpu.memory_space<vmem>>) offsets(%dma_start3A_146 : memref<100xi32, #tpu.memory_space<vmem>>) semaphore(%arg26 : memref<!tpu.dma_semaphore, #tpu.memory_space<semaphore_mem>>)
    } else {
    }
    %eq3A_98 = arith.constant 0 : i32
    %eq3A_99 = arith.cmpi eq, %arg0, %eq3A_98 : i32
    %convert_element_type3A_100 = arith.extui %eq3A_99 : i1 to i32
    %cond3A_101 = arith.constant 0 : i32
    %cond3A_102 = arith.cmpi ne, %convert_element_type3A_100, %cond3A_101 : i32
    scf.if %cond3A_102 {
      %dma_start3A = arith.constant 7 : i32
      %dma_start3A_144 = arith.constant 0 : i32
      %dma_start3A_145 = tpu.memref_slice %arg7[%dma_start3A, %dma_start3A_144] : memref<200x100xi32, #tpu.memory_space<vmem>> -> memref<1x100xi32, #tpu.memory_space<vmem>>
      %dma_start3A_146 = tpu.memref_squeeze %dma_start3A_145 : memref<1x100xi32, #tpu.memory_space<vmem>> -> memref<100xi32, #tpu.memory_space<vmem>>
      %dma_start3A_147 = arith.constant 0 : i32
      %dma_start3A_148 = arith.constant 0 : i32
      %dma_start3A_149 = tpu.memref_slice %arg2[%dma_start3A_147, %dma_start3A_148] : memref<10000x64xbf16, #tpu.memory_space<hbm>> -> memref<10000x64xbf16, #tpu.memory_space<hbm>>
      tpu.enqueue_indirect_dma source(%dma_start3A_149 : memref<10000x64xbf16, #tpu.memory_space<hbm>>) target(%arg16 : memref<100x64xbf16, #tpu.memory_space<vmem>>) offsets(%dma_start3A_146 : memref<100xi32, #tpu.memory_space<vmem>>) semaphore(%arg27 : memref<!tpu.dma_semaphore, #tpu.memory_space<semaphore_mem>>)
    } else {
    }
    %ne3A_103 = arith.constant 0 : i32
    %ne3A_104 = arith.cmpi ne, %arg0, %ne3A_103 : i32
    %convert_element_type3A_105 = arith.extui %ne3A_104 : i1 to i32
    %cond3A_106 = arith.constant 0 : i32
    %cond3A_107 = arith.cmpi ne, %convert_element_type3A_105, %cond3A_106 : i32
    scf.if %cond3A_107 {
      %dma_start3A = arith.constant 7 : i32
      %dma_start3A_144 = arith.constant 0 : i32
      %dma_start3A_145 = tpu.memref_slice %arg7[%dma_start3A, %dma_start3A_144] : memref<200x100xi32, #tpu.memory_space<vmem>> -> memref<1x100xi32, #tpu.memory_space<vmem>>
      %dma_start3A_146 = tpu.memref_squeeze %dma_start3A_145 : memref<1x100xi32, #tpu.memory_space<vmem>> -> memref<100xi32, #tpu.memory_space<vmem>>
      %dma_start3A_147 = arith.constant 0 : i32
      %dma_start3A_148 = arith.constant 0 : i32
      %dma_start3A_149 = tpu.memref_slice %arg3[%dma_start3A_147, %dma_start3A_148] : memref<10000x64xbf16, #tpu.memory_space<hbm>> -> memref<10000x64xbf16, #tpu.memory_space<hbm>>
      tpu.enqueue_indirect_dma source(%dma_start3A_149 : memref<10000x64xbf16, #tpu.memory_space<hbm>>) target(%arg16 : memref<100x64xbf16, #tpu.memory_space<vmem>>) offsets(%dma_start3A_146 : memref<100xi32, #tpu.memory_space<vmem>>) semaphore(%arg27 : memref<!tpu.dma_semaphore, #tpu.memory_space<semaphore_mem>>)
    } else {
    }
    %eq3A_108 = arith.constant 0 : i32
    %eq3A_109 = arith.cmpi eq, %arg0, %eq3A_108 : i32
    %convert_element_type3A_110 = arith.extui %eq3A_109 : i1 to i32
    %cond3A_111 = arith.constant 0 : i32
    %cond3A_112 = arith.cmpi ne, %convert_element_type3A_110, %cond3A_111 : i32
    scf.if %cond3A_112 {
      %dma_start3A = arith.constant 8 : i32
      %dma_start3A_144 = arith.constant 0 : i32
      %dma_start3A_145 = tpu.memref_slice %arg7[%dma_start3A, %dma_start3A_144] : memref<200x100xi32, #tpu.memory_space<vmem>> -> memref<1x100xi32, #tpu.memory_space<vmem>>
      %dma_start3A_146 = tpu.memref_squeeze %dma_start3A_145 : memref<1x100xi32, #tpu.memory_space<vmem>> -> memref<100xi32, #tpu.memory_space<vmem>>
      %dma_start3A_147 = arith.constant 0 : i32
      %dma_start3A_148 = arith.constant 0 : i32
      %dma_start3A_149 = tpu.memref_slice %arg2[%dma_start3A_147, %dma_start3A_148] : memref<10000x64xbf16, #tpu.memory_space<hbm>> -> memref<10000x64xbf16, #tpu.memory_space<hbm>>
      tpu.enqueue_indirect_dma source(%dma_start3A_149 : memref<10000x64xbf16, #tpu.memory_space<hbm>>) target(%arg17 : memref<100x64xbf16, #tpu.memory_space<vmem>>) offsets(%dma_start3A_146 : memref<100xi32, #tpu.memory_space<vmem>>) semaphore(%arg28 : memref<!tpu.dma_semaphore, #tpu.memory_space<semaphore_mem>>)
    } else {
    }
    %ne3A_113 = arith.constant 0 : i32
    %ne3A_114 = arith.cmpi ne, %arg0, %ne3A_113 : i32
    %convert_element_type3A_115 = arith.extui %ne3A_114 : i1 to i32
    %cond3A_116 = arith.constant 0 : i32
    %cond3A_117 = arith.cmpi ne, %convert_element_type3A_115, %cond3A_116 : i32
    scf.if %cond3A_117 {
      %dma_start3A = arith.constant 8 : i32
      %dma_start3A_144 = arith.constant 0 : i32
      %dma_start3A_145 = tpu.memref_slice %arg7[%dma_start3A, %dma_start3A_144] : memref<200x100xi32, #tpu.memory_space<vmem>> -> memref<1x100xi32, #tpu.memory_space<vmem>>
      %dma_start3A_146 = tpu.memref_squeeze %dma_start3A_145 : memref<1x100xi32, #tpu.memory_space<vmem>> -> memref<100xi32, #tpu.memory_space<vmem>>
      %dma_start3A_147 = arith.constant 0 : i32
      %dma_start3A_148 = arith.constant 0 : i32
      %dma_start3A_149 = tpu.memref_slice %arg3[%dma_start3A_147, %dma_start3A_148] : memref<10000x64xbf16, #tpu.memory_space<hbm>> -> memref<10000x64xbf16, #tpu.memory_space<hbm>>
      tpu.enqueue_indirect_dma source(%dma_start3A_149 : memref<10000x64xbf16, #tpu.memory_space<hbm>>) target(%arg17 : memref<100x64xbf16, #tpu.memory_space<vmem>>) offsets(%dma_start3A_146 : memref<100xi32, #tpu.memory_space<vmem>>) semaphore(%arg28 : memref<!tpu.dma_semaphore, #tpu.memory_space<semaphore_mem>>)
    } else {
    }
    %eq3A_118 = arith.constant 0 : i32
    %eq3A_119 = arith.cmpi eq, %arg0, %eq3A_118 : i32
    %convert_element_type3A_120 = arith.extui %eq3A_119 : i1 to i32
    %cond3A_121 = arith.constant 0 : i32
    %cond3A_122 = arith.cmpi ne, %convert_element_type3A_120, %cond3A_121 : i32
    scf.if %cond3A_122 {
      %dma_start3A = arith.constant 9 : i32
      %dma_start3A_144 = arith.constant 0 : i32
      %dma_start3A_145 = tpu.memref_slice %arg7[%dma_start3A, %dma_start3A_144] : memref<200x100xi32, #tpu.memory_space<vmem>> -> memref<1x100xi32, #tpu.memory_space<vmem>>
      %dma_start3A_146 = tpu.memref_squeeze %dma_start3A_145 : memref<1x100xi32, #tpu.memory_space<vmem>> -> memref<100xi32, #tpu.memory_space<vmem>>
      %dma_start3A_147 = arith.constant 0 : i32
      %dma_start3A_148 = arith.constant 0 : i32
      %dma_start3A_149 = tpu.memref_slice %arg2[%dma_start3A_147, %dma_start3A_148] : memref<10000x64xbf16, #tpu.memory_space<hbm>> -> memref<10000x64xbf16, #tpu.memory_space<hbm>>
      tpu.enqueue_indirect_dma source(%dma_start3A_149 : memref<10000x64xbf16, #tpu.memory_space<hbm>>) target(%arg18 : memref<100x64xbf16, #tpu.memory_space<vmem>>) offsets(%dma_start3A_146 : memref<100xi32, #tpu.memory_space<vmem>>) semaphore(%arg29 : memref<!tpu.dma_semaphore, #tpu.memory_space<semaphore_mem>>)
    } else {
    }
    %ne3A_123 = arith.constant 0 : i32
    %ne3A_124 = arith.cmpi ne, %arg0, %ne3A_123 : i32
    %convert_element_type3A_125 = arith.extui %ne3A_124 : i1 to i32
    %cond3A_126 = arith.constant 0 : i32
    %cond3A_127 = arith.cmpi ne, %convert_element_type3A_125, %cond3A_126 : i32
    scf.if %cond3A_127 {
      %dma_start3A = arith.constant 9 : i32
      %dma_start3A_144 = arith.constant 0 : i32
      %dma_start3A_145 = tpu.memref_slice %arg7[%dma_start3A, %dma_start3A_144] : memref<200x100xi32, #tpu.memory_space<vmem>> -> memref<1x100xi32, #tpu.memory_space<vmem>>
      %dma_start3A_146 = tpu.memref_squeeze %dma_start3A_145 : memref<1x100xi32, #tpu.memory_space<vmem>> -> memref<100xi32, #tpu.memory_space<vmem>>
      %dma_start3A_147 = arith.constant 0 : i32
      %dma_start3A_148 = arith.constant 0 : i32
      %dma_start3A_149 = tpu.memref_slice %arg3[%dma_start3A_147, %dma_start3A_148] : memref<10000x64xbf16, #tpu.memory_space<hbm>> -> memref<10000x64xbf16, #tpu.memory_space<hbm>>
      tpu.enqueue_indirect_dma source(%dma_start3A_149 : memref<10000x64xbf16, #tpu.memory_space<hbm>>) target(%arg18 : memref<100x64xbf16, #tpu.memory_space<vmem>>) offsets(%dma_start3A_146 : memref<100xi32, #tpu.memory_space<vmem>>) semaphore(%arg29 : memref<!tpu.dma_semaphore, #tpu.memory_space<semaphore_mem>>)
    } else {
    }
    %scan3A = arith.constant 0 : i32
    %scan3A_128 = arith.constant 0 : i32
    %scan3A_129 = arith.constant 20 : i32
    %scan3A_130 = arith.addi %scan3A_128, %scan3A_129 : i32
    %scan3A_131 = arith.constant 1 : i32
    scf.for %scan3A_144 = %scan3A_128 to %scan3A_130 step %scan3A_131  : i32 {
      %mul3A_145 = arith.constant 10 : i32
      %mul3A_146 = arith.muli %mul3A_145, %scan3A_144 : i32
      %add3A = arith.constant 0 : i32
      %add3A_147 = arith.addi %mul3A_146, %add3A : i32
      %dma_wait3A = arith.constant 0 : i32
      %dma_wait3A_148 = arith.constant 0 : i32
      %dma_wait3A_149 = tpu.memref_slice %arg7[%dma_wait3A, %dma_wait3A_148] : memref<200x100xi32, #tpu.memory_space<vmem>> -> memref<1x100xi32, #tpu.memory_space<vmem>>
      %dma_wait3A_150 = tpu.memref_squeeze %dma_wait3A_149 : memref<1x100xi32, #tpu.memory_space<vmem>> -> memref<100xi32, #tpu.memory_space<vmem>>
      %dma_wait3A_151 = arith.constant 0 : i32
      %dma_wait3A_152 = arith.constant 0 : i32
      %dma_wait3A_153 = tpu.memref_slice %arg2[%dma_wait3A_151, %dma_wait3A_152] : memref<10000x64xbf16, #tpu.memory_space<hbm>> -> memref<10000x64xbf16, #tpu.memory_space<hbm>>
      tpu.wait_indirect_dma semaphore(%arg20 : memref<!tpu.dma_semaphore, #tpu.memory_space<semaphore_mem>>) src(%dma_wait3A_153 : memref<10000x64xbf16, #tpu.memory_space<hbm>>) dst(%arg9 : memref<100x64xbf16, #tpu.memory_space<vmem>>)
      %dma_start3A = arith.constant 0 : i32
      %dma_start3A_154 = tpu.memref_slice %arg8[%add3A_147, %dma_start3A] : memref<200x100xi32, #tpu.memory_space<vmem>> -> memref<1x100xi32, #tpu.memory_space<vmem>>
      %dma_start3A_155 = tpu.memref_squeeze %dma_start3A_154 : memref<1x100xi32, #tpu.memory_space<vmem>> -> memref<100xi32, #tpu.memory_space<vmem>>
      %dma_start3A_156 = arith.constant 0 : i32
      %dma_start3A_157 = arith.constant 0 : i32
      %dma_start3A_158 = tpu.memref_slice %arg19[%dma_start3A_156, %dma_start3A_157] : memref<10000x64xbf16, #tpu.memory_space<vmem_shared>> -> memref<10000x64xbf16, #tpu.memory_space<vmem_shared>>
      tpu.enqueue_indirect_dma source(%arg9 : memref<100x64xbf16, #tpu.memory_space<vmem>>) target(%dma_start3A_158 : memref<10000x64xbf16, #tpu.memory_space<vmem_shared>>) offsets(%dma_start3A_155 : memref<100xi32, #tpu.memory_space<vmem>>) semaphore(%arg30 : memref<!tpu.dma_semaphore, #tpu.memory_space<semaphore_mem>>) {add = true}
      %mul3A_159 = arith.constant 10 : i32
      %mul3A_160 = arith.muli %mul3A_159, %scan3A_144 : i32
      %add3A_161 = arith.constant 1 : i32
      %add3A_162 = arith.addi %mul3A_160, %add3A_161 : i32
      %dma_wait3A_163 = arith.constant 0 : i32
      %dma_wait3A_164 = arith.constant 0 : i32
      %dma_wait3A_165 = tpu.memref_slice %arg7[%dma_wait3A_163, %dma_wait3A_164] : memref<200x100xi32, #tpu.memory_space<vmem>> -> memref<1x100xi32, #tpu.memory_space<vmem>>
      %dma_wait3A_166 = tpu.memref_squeeze %dma_wait3A_165 : memref<1x100xi32, #tpu.memory_space<vmem>> -> memref<100xi32, #tpu.memory_space<vmem>>
      %dma_wait3A_167 = arith.constant 0 : i32
      %dma_wait3A_168 = arith.constant 0 : i32
      %dma_wait3A_169 = tpu.memref_slice %arg2[%dma_wait3A_167, %dma_wait3A_168] : memref<10000x64xbf16, #tpu.memory_space<hbm>> -> memref<10000x64xbf16, #tpu.memory_space<hbm>>
      tpu.wait_indirect_dma semaphore(%arg21 : memref<!tpu.dma_semaphore, #tpu.memory_space<semaphore_mem>>) src(%dma_wait3A_169 : memref<10000x64xbf16, #tpu.memory_space<hbm>>) dst(%arg10 : memref<100x64xbf16, #tpu.memory_space<vmem>>)
      %dma_start3A_170 = arith.constant 0 : i32
      %dma_start3A_171 = tpu.memref_slice %arg8[%add3A_162, %dma_start3A_170] : memref<200x100xi32, #tpu.memory_space<vmem>> -> memref<1x100xi32, #tpu.memory_space<vmem>>
      %dma_start3A_172 = tpu.memref_squeeze %dma_start3A_171 : memref<1x100xi32, #tpu.memory_space<vmem>> -> memref<100xi32, #tpu.memory_space<vmem>>
      %dma_start3A_173 = arith.constant 0 : i32
      %dma_start3A_174 = arith.constant 0 : i32
      %dma_start3A_175 = tpu.memref_slice %arg19[%dma_start3A_173, %dma_start3A_174] : memref<10000x64xbf16, #tpu.memory_space<vmem_shared>> -> memref<10000x64xbf16, #tpu.memory_space<vmem_shared>>
      tpu.enqueue_indirect_dma source(%arg10 : memref<100x64xbf16, #tpu.memory_space<vmem>>) target(%dma_start3A_175 : memref<10000x64xbf16, #tpu.memory_space<vmem_shared>>) offsets(%dma_start3A_172 : memref<100xi32, #tpu.memory_space<vmem>>) semaphore(%arg31 : memref<!tpu.dma_semaphore, #tpu.memory_space<semaphore_mem>>) {add = true}
      %mul3A_176 = arith.constant 10 : i32
      %mul3A_177 = arith.muli %mul3A_176, %scan3A_144 : i32
      %add3A_178 = arith.constant 2 : i32
      %add3A_179 = arith.addi %mul3A_177, %add3A_178 : i32
      %dma_wait3A_180 = arith.constant 0 : i32
      %dma_wait3A_181 = arith.constant 0 : i32
      %dma_wait3A_182 = tpu.memref_slice %arg7[%dma_wait3A_180, %dma_wait3A_181] : memref<200x100xi32, #tpu.memory_space<vmem>> -> memref<1x100xi32, #tpu.memory_space<vmem>>
      %dma_wait3A_183 = tpu.memref_squeeze %dma_wait3A_182 : memref<1x100xi32, #tpu.memory_space<vmem>> -> memref<100xi32, #tpu.memory_space<vmem>>
      %dma_wait3A_184 = arith.constant 0 : i32
      %dma_wait3A_185 = arith.constant 0 : i32
      %dma_wait3A_186 = tpu.memref_slice %arg2[%dma_wait3A_184, %dma_wait3A_185] : memref<10000x64xbf16, #tpu.memory_space<hbm>> -> memref<10000x64xbf16, #tpu.memory_space<hbm>>
      tpu.wait_indirect_dma semaphore(%arg22 : memref<!tpu.dma_semaphore, #tpu.memory_space<semaphore_mem>>) src(%dma_wait3A_186 : memref<10000x64xbf16, #tpu.memory_space<hbm>>) dst(%arg11 : memref<100x64xbf16, #tpu.memory_space<vmem>>)
      %dma_start3A_187 = arith.constant 0 : i32
      %dma_start3A_188 = tpu.memref_slice %arg8[%add3A_179, %dma_start3A_187] : memref<200x100xi32, #tpu.memory_space<vmem>> -> memref<1x100xi32, #tpu.memory_space<vmem>>
      %dma_start3A_189 = tpu.memref_squeeze %dma_start3A_188 : memref<1x100xi32, #tpu.memory_space<vmem>> -> memref<100xi32, #tpu.memory_space<vmem>>
      %dma_start3A_190 = arith.constant 0 : i32
      %dma_start3A_191 = arith.constant 0 : i32
      %dma_start3A_192 = tpu.memref_slice %arg19[%dma_start3A_190, %dma_start3A_191] : memref<10000x64xbf16, #tpu.memory_space<vmem_shared>> -> memref<10000x64xbf16, #tpu.memory_space<vmem_shared>>
      tpu.enqueue_indirect_dma source(%arg11 : memref<100x64xbf16, #tpu.memory_space<vmem>>) target(%dma_start3A_192 : memref<10000x64xbf16, #tpu.memory_space<vmem_shared>>) offsets(%dma_start3A_189 : memref<100xi32, #tpu.memory_space<vmem>>) semaphore(%arg32 : memref<!tpu.dma_semaphore, #tpu.memory_space<semaphore_mem>>) {add = true}
      %mul3A_193 = arith.constant 10 : i32
      %mul3A_194 = arith.muli %mul3A_193, %scan3A_144 : i32
      %add3A_195 = arith.constant 3 : i32
      %add3A_196 = arith.addi %mul3A_194, %add3A_195 : i32
      %dma_wait3A_197 = arith.constant 0 : i32
      %dma_wait3A_198 = arith.constant 0 : i32
      %dma_wait3A_199 = tpu.memref_slice %arg7[%dma_wait3A_197, %dma_wait3A_198] : memref<200x100xi32, #tpu.memory_space<vmem>> -> memref<1x100xi32, #tpu.memory_space<vmem>>
      %dma_wait3A_200 = tpu.memref_squeeze %dma_wait3A_199 : memref<1x100xi32, #tpu.memory_space<vmem>> -> memref<100xi32, #tpu.memory_space<vmem>>
      %dma_wait3A_201 = arith.constant 0 : i32
      %dma_wait3A_202 = arith.constant 0 : i32
      %dma_wait3A_203 = tpu.memref_slice %arg2[%dma_wait3A_201, %dma_wait3A_202] : memref<10000x64xbf16, #tpu.memory_space<hbm>> -> memref<10000x64xbf16, #tpu.memory_space<hbm>>
      tpu.wait_indirect_dma semaphore(%arg23 : memref<!tpu.dma_semaphore, #tpu.memory_space<semaphore_mem>>) src(%dma_wait3A_203 : memref<10000x64xbf16, #tpu.memory_space<hbm>>) dst(%arg12 : memref<100x64xbf16, #tpu.memory_space<vmem>>)
      %dma_start3A_204 = arith.constant 0 : i32
      %dma_start3A_205 = tpu.memref_slice %arg8[%add3A_196, %dma_start3A_204] : memref<200x100xi32, #tpu.memory_space<vmem>> -> memref<1x100xi32, #tpu.memory_space<vmem>>
      %dma_start3A_206 = tpu.memref_squeeze %dma_start3A_205 : memref<1x100xi32, #tpu.memory_space<vmem>> -> memref<100xi32, #tpu.memory_space<vmem>>
      %dma_start3A_207 = arith.constant 0 : i32
      %dma_start3A_208 = arith.constant 0 : i32
      %dma_start3A_209 = tpu.memref_slice %arg19[%dma_start3A_207, %dma_start3A_208] : memref<10000x64xbf16, #tpu.memory_space<vmem_shared>> -> memref<10000x64xbf16, #tpu.memory_space<vmem_shared>>
      tpu.enqueue_indirect_dma source(%arg12 : memref<100x64xbf16, #tpu.memory_space<vmem>>) target(%dma_start3A_209 : memref<10000x64xbf16, #tpu.memory_space<vmem_shared>>) offsets(%dma_start3A_206 : memref<100xi32, #tpu.memory_space<vmem>>) semaphore(%arg33 : memref<!tpu.dma_semaphore, #tpu.memory_space<semaphore_mem>>) {add = true}
      %mul3A_210 = arith.constant 10 : i32
      %mul3A_211 = arith.muli %mul3A_210, %scan3A_144 : i32
      %add3A_212 = arith.constant 4 : i32
      %add3A_213 = arith.addi %mul3A_211, %add3A_212 : i32
      %dma_wait3A_214 = arith.constant 0 : i32
      %dma_wait3A_215 = arith.constant 0 : i32
      %dma_wait3A_216 = tpu.memref_slice %arg7[%dma_wait3A_214, %dma_wait3A_215] : memref<200x100xi32, #tpu.memory_space<vmem>> -> memref<1x100xi32, #tpu.memory_space<vmem>>
      %dma_wait3A_217 = tpu.memref_squeeze %dma_wait3A_216 : memref<1x100xi32, #tpu.memory_space<vmem>> -> memref<100xi32, #tpu.memory_space<vmem>>
      %dma_wait3A_218 = arith.constant 0 : i32
      %dma_wait3A_219 = arith.constant 0 : i32
      %dma_wait3A_220 = tpu.memref_slice %arg2[%dma_wait3A_218, %dma_wait3A_219] : memref<10000x64xbf16, #tpu.memory_space<hbm>> -> memref<10000x64xbf16, #tpu.memory_space<hbm>>
      tpu.wait_indirect_dma semaphore(%arg24 : memref<!tpu.dma_semaphore, #tpu.memory_space<semaphore_mem>>) src(%dma_wait3A_220 : memref<10000x64xbf16, #tpu.memory_space<hbm>>) dst(%arg13 : memref<100x64xbf16, #tpu.memory_space<vmem>>)
      %dma_start3A_221 = arith.constant 0 : i32
      %dma_start3A_222 = tpu.memref_slice %arg8[%add3A_213, %dma_start3A_221] : memref<200x100xi32, #tpu.memory_space<vmem>> -> memref<1x100xi32, #tpu.memory_space<vmem>>
      %dma_start3A_223 = tpu.memref_squeeze %dma_start3A_222 : memref<1x100xi32, #tpu.memory_space<vmem>> -> memref<100xi32, #tpu.memory_space<vmem>>
      %dma_start3A_224 = arith.constant 0 : i32
      %dma_start3A_225 = arith.constant 0 : i32
      %dma_start3A_226 = tpu.memref_slice %arg19[%dma_start3A_224, %dma_start3A_225] : memref<10000x64xbf16, #tpu.memory_space<vmem_shared>> -> memref<10000x64xbf16, #tpu.memory_space<vmem_shared>>
      tpu.enqueue_indirect_dma source(%arg13 : memref<100x64xbf16, #tpu.memory_space<vmem>>) target(%dma_start3A_226 : memref<10000x64xbf16, #tpu.memory_space<vmem_shared>>) offsets(%dma_start3A_223 : memref<100xi32, #tpu.memory_space<vmem>>) semaphore(%arg34 : memref<!tpu.dma_semaphore, #tpu.memory_space<semaphore_mem>>) {add = true}
      %mul3A_227 = arith.constant 10 : i32
      %mul3A_228 = arith.muli %mul3A_227, %scan3A_144 : i32
      %add3A_229 = arith.constant 5 : i32
      %add3A_230 = arith.addi %mul3A_228, %add3A_229 : i32
      %dma_wait3A_231 = arith.constant 0 : i32
      %dma_wait3A_232 = arith.constant 0 : i32
      %dma_wait3A_233 = tpu.memref_slice %arg7[%dma_wait3A_231, %dma_wait3A_232] : memref<200x100xi32, #tpu.memory_space<vmem>> -> memref<1x100xi32, #tpu.memory_space<vmem>>
      %dma_wait3A_234 = tpu.memref_squeeze %dma_wait3A_233 : memref<1x100xi32, #tpu.memory_space<vmem>> -> memref<100xi32, #tpu.memory_space<vmem>>
      %dma_wait3A_235 = arith.constant 0 : i32
      %dma_wait3A_236 = arith.constant 0 : i32
      %dma_wait3A_237 = tpu.memref_slice %arg2[%dma_wait3A_235, %dma_wait3A_236] : memref<10000x64xbf16, #tpu.memory_space<hbm>> -> memref<10000x64xbf16, #tpu.memory_space<hbm>>
      tpu.wait_indirect_dma semaphore(%arg25 : memref<!tpu.dma_semaphore, #tpu.memory_space<semaphore_mem>>) src(%dma_wait3A_237 : memref<10000x64xbf16, #tpu.memory_space<hbm>>) dst(%arg14 : memref<100x64xbf16, #tpu.memory_space<vmem>>)
      %dma_start3A_238 = arith.constant 0 : i32
      %dma_start3A_239 = tpu.memref_slice %arg8[%add3A_230, %dma_start3A_238] : memref<200x100xi32, #tpu.memory_space<vmem>> -> memref<1x100xi32, #tpu.memory_space<vmem>>
      %dma_start3A_240 = tpu.memref_squeeze %dma_start3A_239 : memref<1x100xi32, #tpu.memory_space<vmem>> -> memref<100xi32, #tpu.memory_space<vmem>>
      %dma_start3A_241 = arith.constant 0 : i32
      %dma_start3A_242 = arith.constant 0 : i32
      %dma_start3A_243 = tpu.memref_slice %arg19[%dma_start3A_241, %dma_start3A_242] : memref<10000x64xbf16, #tpu.memory_space<vmem_shared>> -> memref<10000x64xbf16, #tpu.memory_space<vmem_shared>>
      tpu.enqueue_indirect_dma source(%arg14 : memref<100x64xbf16, #tpu.memory_space<vmem>>) target(%dma_start3A_243 : memref<10000x64xbf16, #tpu.memory_space<vmem_shared>>) offsets(%dma_start3A_240 : memref<100xi32, #tpu.memory_space<vmem>>) semaphore(%arg35 : memref<!tpu.dma_semaphore, #tpu.memory_space<semaphore_mem>>) {add = true}
      %mul3A_244 = arith.constant 10 : i32
      %mul3A_245 = arith.muli %mul3A_244, %scan3A_144 : i32
      %add3A_246 = arith.constant 6 : i32
      %add3A_247 = arith.addi %mul3A_245, %add3A_246 : i32
      %dma_wait3A_248 = arith.constant 0 : i32
      %dma_wait3A_249 = arith.constant 0 : i32
      %dma_wait3A_250 = tpu.memref_slice %arg7[%dma_wait3A_248, %dma_wait3A_249] : memref<200x100xi32, #tpu.memory_space<vmem>> -> memref<1x100xi32, #tpu.memory_space<vmem>>
      %dma_wait3A_251 = tpu.memref_squeeze %dma_wait3A_250 : memref<1x100xi32, #tpu.memory_space<vmem>> -> memref<100xi32, #tpu.memory_space<vmem>>
      %dma_wait3A_252 = arith.constant 0 : i32
      %dma_wait3A_253 = arith.constant 0 : i32
      %dma_wait3A_254 = tpu.memref_slice %arg2[%dma_wait3A_252, %dma_wait3A_253] : memref<10000x64xbf16, #tpu.memory_space<hbm>> -> memref<10000x64xbf16, #tpu.memory_space<hbm>>
      tpu.wait_indirect_dma semaphore(%arg26 : memref<!tpu.dma_semaphore, #tpu.memory_space<semaphore_mem>>) src(%dma_wait3A_254 : memref<10000x64xbf16, #tpu.memory_space<hbm>>) dst(%arg15 : memref<100x64xbf16, #tpu.memory_space<vmem>>)
      %dma_start3A_255 = arith.constant 0 : i32
      %dma_start3A_256 = tpu.memref_slice %arg8[%add3A_247, %dma_start3A_255] : memref<200x100xi32, #tpu.memory_space<vmem>> -> memref<1x100xi32, #tpu.memory_space<vmem>>
      %dma_start3A_257 = tpu.memref_squeeze %dma_start3A_256 : memref<1x100xi32, #tpu.memory_space<vmem>> -> memref<100xi32, #tpu.memory_space<vmem>>
      %dma_start3A_258 = arith.constant 0 : i32
      %dma_start3A_259 = arith.constant 0 : i32
      %dma_start3A_260 = tpu.memref_slice %arg19[%dma_start3A_258, %dma_start3A_259] : memref<10000x64xbf16, #tpu.memory_space<vmem_shared>> -> memref<10000x64xbf16, #tpu.memory_space<vmem_shared>>
      tpu.enqueue_indirect_dma source(%arg15 : memref<100x64xbf16, #tpu.memory_space<vmem>>) target(%dma_start3A_260 : memref<10000x64xbf16, #tpu.memory_space<vmem_shared>>) offsets(%dma_start3A_257 : memref<100xi32, #tpu.memory_space<vmem>>) semaphore(%arg36 : memref<!tpu.dma_semaphore, #tpu.memory_space<semaphore_mem>>) {add = true}
      %mul3A_261 = arith.constant 10 : i32
      %mul3A_262 = arith.muli %mul3A_261, %scan3A_144 : i32
      %add3A_263 = arith.constant 7 : i32
      %add3A_264 = arith.addi %mul3A_262, %add3A_263 : i32
      %dma_wait3A_265 = arith.constant 0 : i32
      %dma_wait3A_266 = arith.constant 0 : i32
      %dma_wait3A_267 = tpu.memref_slice %arg7[%dma_wait3A_265, %dma_wait3A_266] : memref<200x100xi32, #tpu.memory_space<vmem>> -> memref<1x100xi32, #tpu.memory_space<vmem>>
      %dma_wait3A_268 = tpu.memref_squeeze %dma_wait3A_267 : memref<1x100xi32, #tpu.memory_space<vmem>> -> memref<100xi32, #tpu.memory_space<vmem>>
      %dma_wait3A_269 = arith.constant 0 : i32
      %dma_wait3A_270 = arith.constant 0 : i32
      %dma_wait3A_271 = tpu.memref_slice %arg2[%dma_wait3A_269, %dma_wait3A_270] : memref<10000x64xbf16, #tpu.memory_space<hbm>> -> memref<10000x64xbf16, #tpu.memory_space<hbm>>
      tpu.wait_indirect_dma semaphore(%arg27 : memref<!tpu.dma_semaphore, #tpu.memory_space<semaphore_mem>>) src(%dma_wait3A_271 : memref<10000x64xbf16, #tpu.memory_space<hbm>>) dst(%arg16 : memref<100x64xbf16, #tpu.memory_space<vmem>>)
      %dma_start3A_272 = arith.constant 0 : i32
      %dma_start3A_273 = tpu.memref_slice %arg8[%add3A_264, %dma_start3A_272] : memref<200x100xi32, #tpu.memory_space<vmem>> -> memref<1x100xi32, #tpu.memory_space<vmem>>
      %dma_start3A_274 = tpu.memref_squeeze %dma_start3A_273 : memref<1x100xi32, #tpu.memory_space<vmem>> -> memref<100xi32, #tpu.memory_space<vmem>>
      %dma_start3A_275 = arith.constant 0 : i32
      %dma_start3A_276 = arith.constant 0 : i32
      %dma_start3A_277 = tpu.memref_slice %arg19[%dma_start3A_275, %dma_start3A_276] : memref<10000x64xbf16, #tpu.memory_space<vmem_shared>> -> memref<10000x64xbf16, #tpu.memory_space<vmem_shared>>
      tpu.enqueue_indirect_dma source(%arg16 : memref<100x64xbf16, #tpu.memory_space<vmem>>) target(%dma_start3A_277 : memref<10000x64xbf16, #tpu.memory_space<vmem_shared>>) offsets(%dma_start3A_274 : memref<100xi32, #tpu.memory_space<vmem>>) semaphore(%arg37 : memref<!tpu.dma_semaphore, #tpu.memory_space<semaphore_mem>>) {add = true}
      %mul3A_278 = arith.constant 10 : i32
      %mul3A_279 = arith.muli %mul3A_278, %scan3A_144 : i32
      %add3A_280 = arith.constant 8 : i32
      %add3A_281 = arith.addi %mul3A_279, %add3A_280 : i32
      %dma_wait3A_282 = arith.constant 0 : i32
      %dma_wait3A_283 = arith.constant 0 : i32
      %dma_wait3A_284 = tpu.memref_slice %arg7[%dma_wait3A_282, %dma_wait3A_283] : memref<200x100xi32, #tpu.memory_space<vmem>> -> memref<1x100xi32, #tpu.memory_space<vmem>>
      %dma_wait3A_285 = tpu.memref_squeeze %dma_wait3A_284 : memref<1x100xi32, #tpu.memory_space<vmem>> -> memref<100xi32, #tpu.memory_space<vmem>>
      %dma_wait3A_286 = arith.constant 0 : i32
      %dma_wait3A_287 = arith.constant 0 : i32
      %dma_wait3A_288 = tpu.memref_slice %arg2[%dma_wait3A_286, %dma_wait3A_287] : memref<10000x64xbf16, #tpu.memory_space<hbm>> -> memref<10000x64xbf16, #tpu.memory_space<hbm>>
      tpu.wait_indirect_dma semaphore(%arg28 : memref<!tpu.dma_semaphore, #tpu.memory_space<semaphore_mem>>) src(%dma_wait3A_288 : memref<10000x64xbf16, #tpu.memory_space<hbm>>) dst(%arg17 : memref<100x64xbf16, #tpu.memory_space<vmem>>)
      %dma_start3A_289 = arith.constant 0 : i32
      %dma_start3A_290 = tpu.memref_slice %arg8[%add3A_281, %dma_start3A_289] : memref<200x100xi32, #tpu.memory_space<vmem>> -> memref<1x100xi32, #tpu.memory_space<vmem>>
      %dma_start3A_291 = tpu.memref_squeeze %dma_start3A_290 : memref<1x100xi32, #tpu.memory_space<vmem>> -> memref<100xi32, #tpu.memory_space<vmem>>
      %dma_start3A_292 = arith.constant 0 : i32
      %dma_start3A_293 = arith.constant 0 : i32
      %dma_start3A_294 = tpu.memref_slice %arg19[%dma_start3A_292, %dma_start3A_293] : memref<10000x64xbf16, #tpu.memory_space<vmem_shared>> -> memref<10000x64xbf16, #tpu.memory_space<vmem_shared>>
      tpu.enqueue_indirect_dma source(%arg17 : memref<100x64xbf16, #tpu.memory_space<vmem>>) target(%dma_start3A_294 : memref<10000x64xbf16, #tpu.memory_space<vmem_shared>>) offsets(%dma_start3A_291 : memref<100xi32, #tpu.memory_space<vmem>>) semaphore(%arg38 : memref<!tpu.dma_semaphore, #tpu.memory_space<semaphore_mem>>) {add = true}
      %mul3A_295 = arith.constant 10 : i32
      %mul3A_296 = arith.muli %mul3A_295, %scan3A_144 : i32
      %add3A_297 = arith.constant 9 : i32
      %add3A_298 = arith.addi %mul3A_296, %add3A_297 : i32
      %dma_wait3A_299 = arith.constant 0 : i32
      %dma_wait3A_300 = arith.constant 0 : i32
      %dma_wait3A_301 = tpu.memref_slice %arg7[%dma_wait3A_299, %dma_wait3A_300] : memref<200x100xi32, #tpu.memory_space<vmem>> -> memref<1x100xi32, #tpu.memory_space<vmem>>
      %dma_wait3A_302 = tpu.memref_squeeze %dma_wait3A_301 : memref<1x100xi32, #tpu.memory_space<vmem>> -> memref<100xi32, #tpu.memory_space<vmem>>
      %dma_wait3A_303 = arith.constant 0 : i32
      %dma_wait3A_304 = arith.constant 0 : i32
      %dma_wait3A_305 = tpu.memref_slice %arg2[%dma_wait3A_303, %dma_wait3A_304] : memref<10000x64xbf16, #tpu.memory_space<hbm>> -> memref<10000x64xbf16, #tpu.memory_space<hbm>>
      tpu.wait_indirect_dma semaphore(%arg29 : memref<!tpu.dma_semaphore, #tpu.memory_space<semaphore_mem>>) src(%dma_wait3A_305 : memref<10000x64xbf16, #tpu.memory_space<hbm>>) dst(%arg18 : memref<100x64xbf16, #tpu.memory_space<vmem>>)
      %dma_start3A_306 = arith.constant 0 : i32
      %dma_start3A_307 = tpu.memref_slice %arg8[%add3A_298, %dma_start3A_306] : memref<200x100xi32, #tpu.memory_space<vmem>> -> memref<1x100xi32, #tpu.memory_space<vmem>>
      %dma_start3A_308 = tpu.memref_squeeze %dma_start3A_307 : memref<1x100xi32, #tpu.memory_space<vmem>> -> memref<100xi32, #tpu.memory_space<vmem>>
      %dma_start3A_309 = arith.constant 0 : i32
      %dma_start3A_310 = arith.constant 0 : i32
      %dma_start3A_311 = tpu.memref_slice %arg19[%dma_start3A_309, %dma_start3A_310] : memref<10000x64xbf16, #tpu.memory_space<vmem_shared>> -> memref<10000x64xbf16, #tpu.memory_space<vmem_shared>>
      tpu.enqueue_indirect_dma source(%arg18 : memref<100x64xbf16, #tpu.memory_space<vmem>>) target(%dma_start3A_311 : memref<10000x64xbf16, #tpu.memory_space<vmem_shared>>) offsets(%dma_start3A_308 : memref<100xi32, #tpu.memory_space<vmem>>) semaphore(%arg39 : memref<!tpu.dma_semaphore, #tpu.memory_space<semaphore_mem>>) {add = true}
      %mul3A_312 = arith.constant 10 : i32
      %mul3A_313 = arith.muli %mul3A_312, %scan3A_144 : i32
      %add3A_314 = arith.constant 0 : i32
      %add3A_315 = arith.addi %mul3A_313, %add3A_314 : i32
      %dma_wait3A_316 = arith.constant 0 : i32
      %dma_wait3A_317 = tpu.memref_slice %arg8[%add3A_147, %dma_wait3A_316] : memref<200x100xi32, #tpu.memory_space<vmem>> -> memref<1x100xi32, #tpu.memory_space<vmem>>
      %dma_wait3A_318 = tpu.memref_squeeze %dma_wait3A_317 : memref<1x100xi32, #tpu.memory_space<vmem>> -> memref<100xi32, #tpu.memory_space<vmem>>
      %dma_wait3A_319 = arith.constant 0 : i32
      %dma_wait3A_320 = arith.constant 0 : i32
      %dma_wait3A_321 = tpu.memref_slice %arg19[%dma_wait3A_319, %dma_wait3A_320] : memref<10000x64xbf16, #tpu.memory_space<vmem_shared>> -> memref<10000x64xbf16, #tpu.memory_space<vmem_shared>>
      tpu.wait_indirect_dma semaphore(%arg30 : memref<!tpu.dma_semaphore, #tpu.memory_space<semaphore_mem>>) src(%arg9 : memref<100x64xbf16, #tpu.memory_space<vmem>>) dst(%dma_wait3A_321 : memref<10000x64xbf16, #tpu.memory_space<vmem_shared>>)
      %add3A_322 = arith.constant 10 : i32
      %add3A_323 = arith.addi %add3A_315, %add3A_322 : i32
      %lt3A_324 = arith.constant 200 : i32
      %lt3A_325 = arith.cmpi slt, %add3A_323, %lt3A_324 : i32
      %convert_element_type3A_326 = arith.extui %lt3A_325 : i1 to i32
      %cond3A_327 = arith.constant 0 : i32
      %cond3A_328 = arith.cmpi ne, %convert_element_type3A_326, %cond3A_327 : i32
      scf.if %cond3A_328 {
        %add3A_482 = arith.constant 10 : i32
        %add3A_483 = arith.addi %add3A_315, %add3A_482 : i32
        %eq3A_484 = arith.constant 0 : i32
        %eq3A_485 = arith.cmpi eq, %arg0, %eq3A_484 : i32
        %convert_element_type3A_486 = arith.extui %eq3A_485 : i1 to i32
        %cond3A_487 = arith.constant 0 : i32
        %cond3A_488 = arith.cmpi ne, %convert_element_type3A_486, %cond3A_487 : i32
        scf.if %cond3A_488 {
          %dma_start3A_494 = arith.constant 0 : i32
          %dma_start3A_495 = tpu.memref_slice %arg7[%add3A_483, %dma_start3A_494] : memref<200x100xi32, #tpu.memory_space<vmem>> -> memref<1x100xi32, #tpu.memory_space<vmem>>
          %dma_start3A_496 = tpu.memref_squeeze %dma_start3A_495 : memref<1x100xi32, #tpu.memory_space<vmem>> -> memref<100xi32, #tpu.memory_space<vmem>>
          %dma_start3A_497 = arith.constant 0 : i32
          %dma_start3A_498 = arith.constant 0 : i32
          %dma_start3A_499 = tpu.memref_slice %arg2[%dma_start3A_497, %dma_start3A_498] : memref<10000x64xbf16, #tpu.memory_space<hbm>> -> memref<10000x64xbf16, #tpu.memory_space<hbm>>
          tpu.enqueue_indirect_dma source(%dma_start3A_499 : memref<10000x64xbf16, #tpu.memory_space<hbm>>) target(%arg9 : memref<100x64xbf16, #tpu.memory_space<vmem>>) offsets(%dma_start3A_496 : memref<100xi32, #tpu.memory_space<vmem>>) semaphore(%arg20 : memref<!tpu.dma_semaphore, #tpu.memory_space<semaphore_mem>>)
        } else {
        }
        %ne3A_489 = arith.constant 0 : i32
        %ne3A_490 = arith.cmpi ne, %arg0, %ne3A_489 : i32
        %convert_element_type3A_491 = arith.extui %ne3A_490 : i1 to i32
        %cond3A_492 = arith.constant 0 : i32
        %cond3A_493 = arith.cmpi ne, %convert_element_type3A_491, %cond3A_492 : i32
        scf.if %cond3A_493 {
          %dma_start3A_494 = arith.constant 0 : i32
          %dma_start3A_495 = tpu.memref_slice %arg7[%add3A_483, %dma_start3A_494] : memref<200x100xi32, #tpu.memory_space<vmem>> -> memref<1x100xi32, #tpu.memory_space<vmem>>
          %dma_start3A_496 = tpu.memref_squeeze %dma_start3A_495 : memref<1x100xi32, #tpu.memory_space<vmem>> -> memref<100xi32, #tpu.memory_space<vmem>>
          %dma_start3A_497 = arith.constant 0 : i32
          %dma_start3A_498 = arith.constant 0 : i32
          %dma_start3A_499 = tpu.memref_slice %arg3[%dma_start3A_497, %dma_start3A_498] : memref<10000x64xbf16, #tpu.memory_space<hbm>> -> memref<10000x64xbf16, #tpu.memory_space<hbm>>
          tpu.enqueue_indirect_dma source(%dma_start3A_499 : memref<10000x64xbf16, #tpu.memory_space<hbm>>) target(%arg9 : memref<100x64xbf16, #tpu.memory_space<vmem>>) offsets(%dma_start3A_496 : memref<100xi32, #tpu.memory_space<vmem>>) semaphore(%arg20 : memref<!tpu.dma_semaphore, #tpu.memory_space<semaphore_mem>>)
        } else {
        }
      } else {
      }
      %mul3A_329 = arith.constant 10 : i32
      %mul3A_330 = arith.muli %mul3A_329, %scan3A_144 : i32
      %add3A_331 = arith.constant 1 : i32
      %add3A_332 = arith.addi %mul3A_330, %add3A_331 : i32
      %dma_wait3A_333 = arith.constant 0 : i32
      %dma_wait3A_334 = tpu.memref_slice %arg8[%add3A_162, %dma_wait3A_333] : memref<200x100xi32, #tpu.memory_space<vmem>> -> memref<1x100xi32, #tpu.memory_space<vmem>>
      %dma_wait3A_335 = tpu.memref_squeeze %dma_wait3A_334 : memref<1x100xi32, #tpu.memory_space<vmem>> -> memref<100xi32, #tpu.memory_space<vmem>>
      %dma_wait3A_336 = arith.constant 0 : i32
      %dma_wait3A_337 = arith.constant 0 : i32
      %dma_wait3A_338 = tpu.memref_slice %arg19[%dma_wait3A_336, %dma_wait3A_337] : memref<10000x64xbf16, #tpu.memory_space<vmem_shared>> -> memref<10000x64xbf16, #tpu.memory_space<vmem_shared>>
      tpu.wait_indirect_dma semaphore(%arg31 : memref<!tpu.dma_semaphore, #tpu.memory_space<semaphore_mem>>) src(%arg10 : memref<100x64xbf16, #tpu.memory_space<vmem>>) dst(%dma_wait3A_338 : memref<10000x64xbf16, #tpu.memory_space<vmem_shared>>)
      %add3A_339 = arith.constant 10 : i32
      %add3A_340 = arith.addi %add3A_332, %add3A_339 : i32
      %lt3A_341 = arith.constant 200 : i32
      %lt3A_342 = arith.cmpi slt, %add3A_340, %lt3A_341 : i32
      %convert_element_type3A_343 = arith.extui %lt3A_342 : i1 to i32
      %cond3A_344 = arith.constant 0 : i32
      %cond3A_345 = arith.cmpi ne, %convert_element_type3A_343, %cond3A_344 : i32
      scf.if %cond3A_345 {
        %add3A_482 = arith.constant 10 : i32
        %add3A_483 = arith.addi %add3A_332, %add3A_482 : i32
        %eq3A_484 = arith.constant 0 : i32
        %eq3A_485 = arith.cmpi eq, %arg0, %eq3A_484 : i32
        %convert_element_type3A_486 = arith.extui %eq3A_485 : i1 to i32
        %cond3A_487 = arith.constant 0 : i32
        %cond3A_488 = arith.cmpi ne, %convert_element_type3A_486, %cond3A_487 : i32
        scf.if %cond3A_488 {
          %dma_start3A_494 = arith.constant 0 : i32
          %dma_start3A_495 = tpu.memref_slice %arg7[%add3A_483, %dma_start3A_494] : memref<200x100xi32, #tpu.memory_space<vmem>> -> memref<1x100xi32, #tpu.memory_space<vmem>>
          %dma_start3A_496 = tpu.memref_squeeze %dma_start3A_495 : memref<1x100xi32, #tpu.memory_space<vmem>> -> memref<100xi32, #tpu.memory_space<vmem>>
          %dma_start3A_497 = arith.constant 0 : i32
          %dma_start3A_498 = arith.constant 0 : i32
          %dma_start3A_499 = tpu.memref_slice %arg2[%dma_start3A_497, %dma_start3A_498] : memref<10000x64xbf16, #tpu.memory_space<hbm>> -> memref<10000x64xbf16, #tpu.memory_space<hbm>>
          tpu.enqueue_indirect_dma source(%dma_start3A_499 : memref<10000x64xbf16, #tpu.memory_space<hbm>>) target(%arg10 : memref<100x64xbf16, #tpu.memory_space<vmem>>) offsets(%dma_start3A_496 : memref<100xi32, #tpu.memory_space<vmem>>) semaphore(%arg21 : memref<!tpu.dma_semaphore, #tpu.memory_space<semaphore_mem>>)
        } else {
        }
        %ne3A_489 = arith.constant 0 : i32
        %ne3A_490 = arith.cmpi ne, %arg0, %ne3A_489 : i32
        %convert_element_type3A_491 = arith.extui %ne3A_490 : i1 to i32
        %cond3A_492 = arith.constant 0 : i32
        %cond3A_493 = arith.cmpi ne, %convert_element_type3A_491, %cond3A_492 : i32
        scf.if %cond3A_493 {
          %dma_start3A_494 = arith.constant 0 : i32
          %dma_start3A_495 = tpu.memref_slice %arg7[%add3A_483, %dma_start3A_494] : memref<200x100xi32, #tpu.memory_space<vmem>> -> memref<1x100xi32, #tpu.memory_space<vmem>>
          %dma_start3A_496 = tpu.memref_squeeze %dma_start3A_495 : memref<1x100xi32, #tpu.memory_space<vmem>> -> memref<100xi32, #tpu.memory_space<vmem>>
          %dma_start3A_497 = arith.constant 0 : i32
          %dma_start3A_498 = arith.constant 0 : i32
          %dma_start3A_499 = tpu.memref_slice %arg3[%dma_start3A_497, %dma_start3A_498] : memref<10000x64xbf16, #tpu.memory_space<hbm>> -> memref<10000x64xbf16, #tpu.memory_space<hbm>>
          tpu.enqueue_indirect_dma source(%dma_start3A_499 : memref<10000x64xbf16, #tpu.memory_space<hbm>>) target(%arg10 : memref<100x64xbf16, #tpu.memory_space<vmem>>) offsets(%dma_start3A_496 : memref<100xi32, #tpu.memory_space<vmem>>) semaphore(%arg21 : memref<!tpu.dma_semaphore, #tpu.memory_space<semaphore_mem>>)
        } else {
        }
      } else {
      }
      %mul3A_346 = arith.constant 10 : i32
      %mul3A_347 = arith.muli %mul3A_346, %scan3A_144 : i32
      %add3A_348 = arith.constant 2 : i32
      %add3A_349 = arith.addi %mul3A_347, %add3A_348 : i32
      %dma_wait3A_350 = arith.constant 0 : i32
      %dma_wait3A_351 = tpu.memref_slice %arg8[%add3A_179, %dma_wait3A_350] : memref<200x100xi32, #tpu.memory_space<vmem>> -> memref<1x100xi32, #tpu.memory_space<vmem>>
      %dma_wait3A_352 = tpu.memref_squeeze %dma_wait3A_351 : memref<1x100xi32, #tpu.memory_space<vmem>> -> memref<100xi32, #tpu.memory_space<vmem>>
      %dma_wait3A_353 = arith.constant 0 : i32
      %dma_wait3A_354 = arith.constant 0 : i32
      %dma_wait3A_355 = tpu.memref_slice %arg19[%dma_wait3A_353, %dma_wait3A_354] : memref<10000x64xbf16, #tpu.memory_space<vmem_shared>> -> memref<10000x64xbf16, #tpu.memory_space<vmem_shared>>
      tpu.wait_indirect_dma semaphore(%arg32 : memref<!tpu.dma_semaphore, #tpu.memory_space<semaphore_mem>>) src(%arg11 : memref<100x64xbf16, #tpu.memory_space<vmem>>) dst(%dma_wait3A_355 : memref<10000x64xbf16, #tpu.memory_space<vmem_shared>>)
      %add3A_356 = arith.constant 10 : i32
      %add3A_357 = arith.addi %add3A_349, %add3A_356 : i32
      %lt3A_358 = arith.constant 200 : i32
      %lt3A_359 = arith.cmpi slt, %add3A_357, %lt3A_358 : i32
      %convert_element_type3A_360 = arith.extui %lt3A_359 : i1 to i32
      %cond3A_361 = arith.constant 0 : i32
      %cond3A_362 = arith.cmpi ne, %convert_element_type3A_360, %cond3A_361 : i32
      scf.if %cond3A_362 {
        %add3A_482 = arith.constant 10 : i32
        %add3A_483 = arith.addi %add3A_349, %add3A_482 : i32
        %eq3A_484 = arith.constant 0 : i32
        %eq3A_485 = arith.cmpi eq, %arg0, %eq3A_484 : i32
        %convert_element_type3A_486 = arith.extui %eq3A_485 : i1 to i32
        %cond3A_487 = arith.constant 0 : i32
        %cond3A_488 = arith.cmpi ne, %convert_element_type3A_486, %cond3A_487 : i32
        scf.if %cond3A_488 {
          %dma_start3A_494 = arith.constant 0 : i32
          %dma_start3A_495 = tpu.memref_slice %arg7[%add3A_483, %dma_start3A_494] : memref<200x100xi32, #tpu.memory_space<vmem>> -> memref<1x100xi32, #tpu.memory_space<vmem>>
          %dma_start3A_496 = tpu.memref_squeeze %dma_start3A_495 : memref<1x100xi32, #tpu.memory_space<vmem>> -> memref<100xi32, #tpu.memory_space<vmem>>
          %dma_start3A_497 = arith.constant 0 : i32
          %dma_start3A_498 = arith.constant 0 : i32
          %dma_start3A_499 = tpu.memref_slice %arg2[%dma_start3A_497, %dma_start3A_498] : memref<10000x64xbf16, #tpu.memory_space<hbm>> -> memref<10000x64xbf16, #tpu.memory_space<hbm>>
          tpu.enqueue_indirect_dma source(%dma_start3A_499 : memref<10000x64xbf16, #tpu.memory_space<hbm>>) target(%arg11 : memref<100x64xbf16, #tpu.memory_space<vmem>>) offsets(%dma_start3A_496 : memref<100xi32, #tpu.memory_space<vmem>>) semaphore(%arg22 : memref<!tpu.dma_semaphore, #tpu.memory_space<semaphore_mem>>)
        } else {
        }
        %ne3A_489 = arith.constant 0 : i32
        %ne3A_490 = arith.cmpi ne, %arg0, %ne3A_489 : i32
        %convert_element_type3A_491 = arith.extui %ne3A_490 : i1 to i32
        %cond3A_492 = arith.constant 0 : i32
        %cond3A_493 = arith.cmpi ne, %convert_element_type3A_491, %cond3A_492 : i32
        scf.if %cond3A_493 {
          %dma_start3A_494 = arith.constant 0 : i32
          %dma_start3A_495 = tpu.memref_slice %arg7[%add3A_483, %dma_start3A_494] : memref<200x100xi32, #tpu.memory_space<vmem>> -> memref<1x100xi32, #tpu.memory_space<vmem>>
          %dma_start3A_496 = tpu.memref_squeeze %dma_start3A_495 : memref<1x100xi32, #tpu.memory_space<vmem>> -> memref<100xi32, #tpu.memory_space<vmem>>
          %dma_start3A_497 = arith.constant 0 : i32
          %dma_start3A_498 = arith.constant 0 : i32
          %dma_start3A_499 = tpu.memref_slice %arg3[%dma_start3A_497, %dma_start3A_498] : memref<10000x64xbf16, #tpu.memory_space<hbm>> -> memref<10000x64xbf16, #tpu.memory_space<hbm>>
          tpu.enqueue_indirect_dma source(%dma_start3A_499 : memref<10000x64xbf16, #tpu.memory_space<hbm>>) target(%arg11 : memref<100x64xbf16, #tpu.memory_space<vmem>>) offsets(%dma_start3A_496 : memref<100xi32, #tpu.memory_space<vmem>>) semaphore(%arg22 : memref<!tpu.dma_semaphore, #tpu.memory_space<semaphore_mem>>)
        } else {
        }
      } else {
      }
      %mul3A_363 = arith.constant 10 : i32
      %mul3A_364 = arith.muli %mul3A_363, %scan3A_144 : i32
      %add3A_365 = arith.constant 3 : i32
      %add3A_366 = arith.addi %mul3A_364, %add3A_365 : i32
      %dma_wait3A_367 = arith.constant 0 : i32
      %dma_wait3A_368 = tpu.memref_slice %arg8[%add3A_196, %dma_wait3A_367] : memref<200x100xi32, #tpu.memory_space<vmem>> -> memref<1x100xi32, #tpu.memory_space<vmem>>
      %dma_wait3A_369 = tpu.memref_squeeze %dma_wait3A_368 : memref<1x100xi32, #tpu.memory_space<vmem>> -> memref<100xi32, #tpu.memory_space<vmem>>
      %dma_wait3A_370 = arith.constant 0 : i32
      %dma_wait3A_371 = arith.constant 0 : i32
      %dma_wait3A_372 = tpu.memref_slice %arg19[%dma_wait3A_370, %dma_wait3A_371] : memref<10000x64xbf16, #tpu.memory_space<vmem_shared>> -> memref<10000x64xbf16, #tpu.memory_space<vmem_shared>>
      tpu.wait_indirect_dma semaphore(%arg33 : memref<!tpu.dma_semaphore, #tpu.memory_space<semaphore_mem>>) src(%arg12 : memref<100x64xbf16, #tpu.memory_space<vmem>>) dst(%dma_wait3A_372 : memref<10000x64xbf16, #tpu.memory_space<vmem_shared>>)
      %add3A_373 = arith.constant 10 : i32
      %add3A_374 = arith.addi %add3A_366, %add3A_373 : i32
      %lt3A_375 = arith.constant 200 : i32
      %lt3A_376 = arith.cmpi slt, %add3A_374, %lt3A_375 : i32
      %convert_element_type3A_377 = arith.extui %lt3A_376 : i1 to i32
      %cond3A_378 = arith.constant 0 : i32
      %cond3A_379 = arith.cmpi ne, %convert_element_type3A_377, %cond3A_378 : i32
      scf.if %cond3A_379 {
        %add3A_482 = arith.constant 10 : i32
        %add3A_483 = arith.addi %add3A_366, %add3A_482 : i32
        %eq3A_484 = arith.constant 0 : i32
        %eq3A_485 = arith.cmpi eq, %arg0, %eq3A_484 : i32
        %convert_element_type3A_486 = arith.extui %eq3A_485 : i1 to i32
        %cond3A_487 = arith.constant 0 : i32
        %cond3A_488 = arith.cmpi ne, %convert_element_type3A_486, %cond3A_487 : i32
        scf.if %cond3A_488 {
          %dma_start3A_494 = arith.constant 0 : i32
          %dma_start3A_495 = tpu.memref_slice %arg7[%add3A_483, %dma_start3A_494] : memref<200x100xi32, #tpu.memory_space<vmem>> -> memref<1x100xi32, #tpu.memory_space<vmem>>
          %dma_start3A_496 = tpu.memref_squeeze %dma_start3A_495 : memref<1x100xi32, #tpu.memory_space<vmem>> -> memref<100xi32, #tpu.memory_space<vmem>>
          %dma_start3A_497 = arith.constant 0 : i32
          %dma_start3A_498 = arith.constant 0 : i32
          %dma_start3A_499 = tpu.memref_slice %arg2[%dma_start3A_497, %dma_start3A_498] : memref<10000x64xbf16, #tpu.memory_space<hbm>> -> memref<10000x64xbf16, #tpu.memory_space<hbm>>
          tpu.enqueue_indirect_dma source(%dma_start3A_499 : memref<10000x64xbf16, #tpu.memory_space<hbm>>) target(%arg12 : memref<100x64xbf16, #tpu.memory_space<vmem>>) offsets(%dma_start3A_496 : memref<100xi32, #tpu.memory_space<vmem>>) semaphore(%arg23 : memref<!tpu.dma_semaphore, #tpu.memory_space<semaphore_mem>>)
        } else {
        }
        %ne3A_489 = arith.constant 0 : i32
        %ne3A_490 = arith.cmpi ne, %arg0, %ne3A_489 : i32
        %convert_element_type3A_491 = arith.extui %ne3A_490 : i1 to i32
        %cond3A_492 = arith.constant 0 : i32
        %cond3A_493 = arith.cmpi ne, %convert_element_type3A_491, %cond3A_492 : i32
        scf.if %cond3A_493 {
          %dma_start3A_494 = arith.constant 0 : i32
          %dma_start3A_495 = tpu.memref_slice %arg7[%add3A_483, %dma_start3A_494] : memref<200x100xi32, #tpu.memory_space<vmem>> -> memref<1x100xi32, #tpu.memory_space<vmem>>
          %dma_start3A_496 = tpu.memref_squeeze %dma_start3A_495 : memref<1x100xi32, #tpu.memory_space<vmem>> -> memref<100xi32, #tpu.memory_space<vmem>>
          %dma_start3A_497 = arith.constant 0 : i32
          %dma_start3A_498 = arith.constant 0 : i32
          %dma_start3A_499 = tpu.memref_slice %arg3[%dma_start3A_497, %dma_start3A_498] : memref<10000x64xbf16, #tpu.memory_space<hbm>> -> memref<10000x64xbf16, #tpu.memory_space<hbm>>
          tpu.enqueue_indirect_dma source(%dma_start3A_499 : memref<10000x64xbf16, #tpu.memory_space<hbm>>) target(%arg12 : memref<100x64xbf16, #tpu.memory_space<vmem>>) offsets(%dma_start3A_496 : memref<100xi32, #tpu.memory_space<vmem>>) semaphore(%arg23 : memref<!tpu.dma_semaphore, #tpu.memory_space<semaphore_mem>>)
        } else {
        }
      } else {
      }
      %mul3A_380 = arith.constant 10 : i32
      %mul3A_381 = arith.muli %mul3A_380, %scan3A_144 : i32
      %add3A_382 = arith.constant 4 : i32
      %add3A_383 = arith.addi %mul3A_381, %add3A_382 : i32
      %dma_wait3A_384 = arith.constant 0 : i32
      %dma_wait3A_385 = tpu.memref_slice %arg8[%add3A_213, %dma_wait3A_384] : memref<200x100xi32, #tpu.memory_space<vmem>> -> memref<1x100xi32, #tpu.memory_space<vmem>>
      %dma_wait3A_386 = tpu.memref_squeeze %dma_wait3A_385 : memref<1x100xi32, #tpu.memory_space<vmem>> -> memref<100xi32, #tpu.memory_space<vmem>>
      %dma_wait3A_387 = arith.constant 0 : i32
      %dma_wait3A_388 = arith.constant 0 : i32
      %dma_wait3A_389 = tpu.memref_slice %arg19[%dma_wait3A_387, %dma_wait3A_388] : memref<10000x64xbf16, #tpu.memory_space<vmem_shared>> -> memref<10000x64xbf16, #tpu.memory_space<vmem_shared>>
      tpu.wait_indirect_dma semaphore(%arg34 : memref<!tpu.dma_semaphore, #tpu.memory_space<semaphore_mem>>) src(%arg13 : memref<100x64xbf16, #tpu.memory_space<vmem>>) dst(%dma_wait3A_389 : memref<10000x64xbf16, #tpu.memory_space<vmem_shared>>)
      %add3A_390 = arith.constant 10 : i32
      %add3A_391 = arith.addi %add3A_383, %add3A_390 : i32
      %lt3A_392 = arith.constant 200 : i32
      %lt3A_393 = arith.cmpi slt, %add3A_391, %lt3A_392 : i32
      %convert_element_type3A_394 = arith.extui %lt3A_393 : i1 to i32
      %cond3A_395 = arith.constant 0 : i32
      %cond3A_396 = arith.cmpi ne, %convert_element_type3A_394, %cond3A_395 : i32
      scf.if %cond3A_396 {
        %add3A_482 = arith.constant 10 : i32
        %add3A_483 = arith.addi %add3A_383, %add3A_482 : i32
        %eq3A_484 = arith.constant 0 : i32
        %eq3A_485 = arith.cmpi eq, %arg0, %eq3A_484 : i32
        %convert_element_type3A_486 = arith.extui %eq3A_485 : i1 to i32
        %cond3A_487 = arith.constant 0 : i32
        %cond3A_488 = arith.cmpi ne, %convert_element_type3A_486, %cond3A_487 : i32
        scf.if %cond3A_488 {
          %dma_start3A_494 = arith.constant 0 : i32
          %dma_start3A_495 = tpu.memref_slice %arg7[%add3A_483, %dma_start3A_494] : memref<200x100xi32, #tpu.memory_space<vmem>> -> memref<1x100xi32, #tpu.memory_space<vmem>>
          %dma_start3A_496 = tpu.memref_squeeze %dma_start3A_495 : memref<1x100xi32, #tpu.memory_space<vmem>> -> memref<100xi32, #tpu.memory_space<vmem>>
          %dma_start3A_497 = arith.constant 0 : i32
          %dma_start3A_498 = arith.constant 0 : i32
          %dma_start3A_499 = tpu.memref_slice %arg2[%dma_start3A_497, %dma_start3A_498] : memref<10000x64xbf16, #tpu.memory_space<hbm>> -> memref<10000x64xbf16, #tpu.memory_space<hbm>>
          tpu.enqueue_indirect_dma source(%dma_start3A_499 : memref<10000x64xbf16, #tpu.memory_space<hbm>>) target(%arg13 : memref<100x64xbf16, #tpu.memory_space<vmem>>) offsets(%dma_start3A_496 : memref<100xi32, #tpu.memory_space<vmem>>) semaphore(%arg24 : memref<!tpu.dma_semaphore, #tpu.memory_space<semaphore_mem>>)
        } else {
        }
        %ne3A_489 = arith.constant 0 : i32
        %ne3A_490 = arith.cmpi ne, %arg0, %ne3A_489 : i32
        %convert_element_type3A_491 = arith.extui %ne3A_490 : i1 to i32
        %cond3A_492 = arith.constant 0 : i32
        %cond3A_493 = arith.cmpi ne, %convert_element_type3A_491, %cond3A_492 : i32
        scf.if %cond3A_493 {
          %dma_start3A_494 = arith.constant 0 : i32
          %dma_start3A_495 = tpu.memref_slice %arg7[%add3A_483, %dma_start3A_494] : memref<200x100xi32, #tpu.memory_space<vmem>> -> memref<1x100xi32, #tpu.memory_space<vmem>>
          %dma_start3A_496 = tpu.memref_squeeze %dma_start3A_495 : memref<1x100xi32, #tpu.memory_space<vmem>> -> memref<100xi32, #tpu.memory_space<vmem>>
          %dma_start3A_497 = arith.constant 0 : i32
          %dma_start3A_498 = arith.constant 0 : i32
          %dma_start3A_499 = tpu.memref_slice %arg3[%dma_start3A_497, %dma_start3A_498] : memref<10000x64xbf16, #tpu.memory_space<hbm>> -> memref<10000x64xbf16, #tpu.memory_space<hbm>>
          tpu.enqueue_indirect_dma source(%dma_start3A_499 : memref<10000x64xbf16, #tpu.memory_space<hbm>>) target(%arg13 : memref<100x64xbf16, #tpu.memory_space<vmem>>) offsets(%dma_start3A_496 : memref<100xi32, #tpu.memory_space<vmem>>) semaphore(%arg24 : memref<!tpu.dma_semaphore, #tpu.memory_space<semaphore_mem>>)
        } else {
        }
      } else {
      }
      %mul3A_397 = arith.constant 10 : i32
      %mul3A_398 = arith.muli %mul3A_397, %scan3A_144 : i32
      %add3A_399 = arith.constant 5 : i32
      %add3A_400 = arith.addi %mul3A_398, %add3A_399 : i32
      %dma_wait3A_401 = arith.constant 0 : i32
      %dma_wait3A_402 = tpu.memref_slice %arg8[%add3A_230, %dma_wait3A_401] : memref<200x100xi32, #tpu.memory_space<vmem>> -> memref<1x100xi32, #tpu.memory_space<vmem>>
      %dma_wait3A_403 = tpu.memref_squeeze %dma_wait3A_402 : memref<1x100xi32, #tpu.memory_space<vmem>> -> memref<100xi32, #tpu.memory_space<vmem>>
      %dma_wait3A_404 = arith.constant 0 : i32
      %dma_wait3A_405 = arith.constant 0 : i32
      %dma_wait3A_406 = tpu.memref_slice %arg19[%dma_wait3A_404, %dma_wait3A_405] : memref<10000x64xbf16, #tpu.memory_space<vmem_shared>> -> memref<10000x64xbf16, #tpu.memory_space<vmem_shared>>
      tpu.wait_indirect_dma semaphore(%arg35 : memref<!tpu.dma_semaphore, #tpu.memory_space<semaphore_mem>>) src(%arg14 : memref<100x64xbf16, #tpu.memory_space<vmem>>) dst(%dma_wait3A_406 : memref<10000x64xbf16, #tpu.memory_space<vmem_shared>>)
      %add3A_407 = arith.constant 10 : i32
      %add3A_408 = arith.addi %add3A_400, %add3A_407 : i32
      %lt3A_409 = arith.constant 200 : i32
      %lt3A_410 = arith.cmpi slt, %add3A_408, %lt3A_409 : i32
      %convert_element_type3A_411 = arith.extui %lt3A_410 : i1 to i32
      %cond3A_412 = arith.constant 0 : i32
      %cond3A_413 = arith.cmpi ne, %convert_element_type3A_411, %cond3A_412 : i32
      scf.if %cond3A_413 {
        %add3A_482 = arith.constant 10 : i32
        %add3A_483 = arith.addi %add3A_400, %add3A_482 : i32
        %eq3A_484 = arith.constant 0 : i32
        %eq3A_485 = arith.cmpi eq, %arg0, %eq3A_484 : i32
        %convert_element_type3A_486 = arith.extui %eq3A_485 : i1 to i32
        %cond3A_487 = arith.constant 0 : i32
        %cond3A_488 = arith.cmpi ne, %convert_element_type3A_486, %cond3A_487 : i32
        scf.if %cond3A_488 {
          %dma_start3A_494 = arith.constant 0 : i32
          %dma_start3A_495 = tpu.memref_slice %arg7[%add3A_483, %dma_start3A_494] : memref<200x100xi32, #tpu.memory_space<vmem>> -> memref<1x100xi32, #tpu.memory_space<vmem>>
          %dma_start3A_496 = tpu.memref_squeeze %dma_start3A_495 : memref<1x100xi32, #tpu.memory_space<vmem>> -> memref<100xi32, #tpu.memory_space<vmem>>
          %dma_start3A_497 = arith.constant 0 : i32
          %dma_start3A_498 = arith.constant 0 : i32
          %dma_start3A_499 = tpu.memref_slice %arg2[%dma_start3A_497, %dma_start3A_498] : memref<10000x64xbf16, #tpu.memory_space<hbm>> -> memref<10000x64xbf16, #tpu.memory_space<hbm>>
          tpu.enqueue_indirect_dma source(%dma_start3A_499 : memref<10000x64xbf16, #tpu.memory_space<hbm>>) target(%arg14 : memref<100x64xbf16, #tpu.memory_space<vmem>>) offsets(%dma_start3A_496 : memref<100xi32, #tpu.memory_space<vmem>>) semaphore(%arg25 : memref<!tpu.dma_semaphore, #tpu.memory_space<semaphore_mem>>)
        } else {
        }
        %ne3A_489 = arith.constant 0 : i32
        %ne3A_490 = arith.cmpi ne, %arg0, %ne3A_489 : i32
        %convert_element_type3A_491 = arith.extui %ne3A_490 : i1 to i32
        %cond3A_492 = arith.constant 0 : i32
        %cond3A_493 = arith.cmpi ne, %convert_element_type3A_491, %cond3A_492 : i32
        scf.if %cond3A_493 {
          %dma_start3A_494 = arith.constant 0 : i32
          %dma_start3A_495 = tpu.memref_slice %arg7[%add3A_483, %dma_start3A_494] : memref<200x100xi32, #tpu.memory_space<vmem>> -> memref<1x100xi32, #tpu.memory_space<vmem>>
          %dma_start3A_496 = tpu.memref_squeeze %dma_start3A_495 : memref<1x100xi32, #tpu.memory_space<vmem>> -> memref<100xi32, #tpu.memory_space<vmem>>
          %dma_start3A_497 = arith.constant 0 : i32
          %dma_start3A_498 = arith.constant 0 : i32
          %dma_start3A_499 = tpu.memref_slice %arg3[%dma_start3A_497, %dma_start3A_498] : memref<10000x64xbf16, #tpu.memory_space<hbm>> -> memref<10000x64xbf16, #tpu.memory_space<hbm>>
          tpu.enqueue_indirect_dma source(%dma_start3A_499 : memref<10000x64xbf16, #tpu.memory_space<hbm>>) target(%arg14 : memref<100x64xbf16, #tpu.memory_space<vmem>>) offsets(%dma_start3A_496 : memref<100xi32, #tpu.memory_space<vmem>>) semaphore(%arg25 : memref<!tpu.dma_semaphore, #tpu.memory_space<semaphore_mem>>)
        } else {
        }
      } else {
      }
      %mul3A_414 = arith.constant 10 : i32
      %mul3A_415 = arith.muli %mul3A_414, %scan3A_144 : i32
      %add3A_416 = arith.constant 6 : i32
      %add3A_417 = arith.addi %mul3A_415, %add3A_416 : i32
      %dma_wait3A_418 = arith.constant 0 : i32
      %dma_wait3A_419 = tpu.memref_slice %arg8[%add3A_247, %dma_wait3A_418] : memref<200x100xi32, #tpu.memory_space<vmem>> -> memref<1x100xi32, #tpu.memory_space<vmem>>
      %dma_wait3A_420 = tpu.memref_squeeze %dma_wait3A_419 : memref<1x100xi32, #tpu.memory_space<vmem>> -> memref<100xi32, #tpu.memory_space<vmem>>
      %dma_wait3A_421 = arith.constant 0 : i32
      %dma_wait3A_422 = arith.constant 0 : i32
      %dma_wait3A_423 = tpu.memref_slice %arg19[%dma_wait3A_421, %dma_wait3A_422] : memref<10000x64xbf16, #tpu.memory_space<vmem_shared>> -> memref<10000x64xbf16, #tpu.memory_space<vmem_shared>>
      tpu.wait_indirect_dma semaphore(%arg36 : memref<!tpu.dma_semaphore, #tpu.memory_space<semaphore_mem>>) src(%arg15 : memref<100x64xbf16, #tpu.memory_space<vmem>>) dst(%dma_wait3A_423 : memref<10000x64xbf16, #tpu.memory_space<vmem_shared>>)
      %add3A_424 = arith.constant 10 : i32
      %add3A_425 = arith.addi %add3A_417, %add3A_424 : i32
      %lt3A_426 = arith.constant 200 : i32
      %lt3A_427 = arith.cmpi slt, %add3A_425, %lt3A_426 : i32
      %convert_element_type3A_428 = arith.extui %lt3A_427 : i1 to i32
      %cond3A_429 = arith.constant 0 : i32
      %cond3A_430 = arith.cmpi ne, %convert_element_type3A_428, %cond3A_429 : i32
      scf.if %cond3A_430 {
        %add3A_482 = arith.constant 10 : i32
        %add3A_483 = arith.addi %add3A_417, %add3A_482 : i32
        %eq3A_484 = arith.constant 0 : i32
        %eq3A_485 = arith.cmpi eq, %arg0, %eq3A_484 : i32
        %convert_element_type3A_486 = arith.extui %eq3A_485 : i1 to i32
        %cond3A_487 = arith.constant 0 : i32
        %cond3A_488 = arith.cmpi ne, %convert_element_type3A_486, %cond3A_487 : i32
        scf.if %cond3A_488 {
          %dma_start3A_494 = arith.constant 0 : i32
          %dma_start3A_495 = tpu.memref_slice %arg7[%add3A_483, %dma_start3A_494] : memref<200x100xi32, #tpu.memory_space<vmem>> -> memref<1x100xi32, #tpu.memory_space<vmem>>
          %dma_start3A_496 = tpu.memref_squeeze %dma_start3A_495 : memref<1x100xi32, #tpu.memory_space<vmem>> -> memref<100xi32, #tpu.memory_space<vmem>>
          %dma_start3A_497 = arith.constant 0 : i32
          %dma_start3A_498 = arith.constant 0 : i32
          %dma_start3A_499 = tpu.memref_slice %arg2[%dma_start3A_497, %dma_start3A_498] : memref<10000x64xbf16, #tpu.memory_space<hbm>> -> memref<10000x64xbf16, #tpu.memory_space<hbm>>
          tpu.enqueue_indirect_dma source(%dma_start3A_499 : memref<10000x64xbf16, #tpu.memory_space<hbm>>) target(%arg15 : memref<100x64xbf16, #tpu.memory_space<vmem>>) offsets(%dma_start3A_496 : memref<100xi32, #tpu.memory_space<vmem>>) semaphore(%arg26 : memref<!tpu.dma_semaphore, #tpu.memory_space<semaphore_mem>>)
        } else {
        }
        %ne3A_489 = arith.constant 0 : i32
        %ne3A_490 = arith.cmpi ne, %arg0, %ne3A_489 : i32
        %convert_element_type3A_491 = arith.extui %ne3A_490 : i1 to i32
        %cond3A_492 = arith.constant 0 : i32
        %cond3A_493 = arith.cmpi ne, %convert_element_type3A_491, %cond3A_492 : i32
        scf.if %cond3A_493 {
          %dma_start3A_494 = arith.constant 0 : i32
          %dma_start3A_495 = tpu.memref_slice %arg7[%add3A_483, %dma_start3A_494] : memref<200x100xi32, #tpu.memory_space<vmem>> -> memref<1x100xi32, #tpu.memory_space<vmem>>
          %dma_start3A_496 = tpu.memref_squeeze %dma_start3A_495 : memref<1x100xi32, #tpu.memory_space<vmem>> -> memref<100xi32, #tpu.memory_space<vmem>>
          %dma_start3A_497 = arith.constant 0 : i32
          %dma_start3A_498 = arith.constant 0 : i32
          %dma_start3A_499 = tpu.memref_slice %arg3[%dma_start3A_497, %dma_start3A_498] : memref<10000x64xbf16, #tpu.memory_space<hbm>> -> memref<10000x64xbf16, #tpu.memory_space<hbm>>
          tpu.enqueue_indirect_dma source(%dma_start3A_499 : memref<10000x64xbf16, #tpu.memory_space<hbm>>) target(%arg15 : memref<100x64xbf16, #tpu.memory_space<vmem>>) offsets(%dma_start3A_496 : memref<100xi32, #tpu.memory_space<vmem>>) semaphore(%arg26 : memref<!tpu.dma_semaphore, #tpu.memory_space<semaphore_mem>>)
        } else {
        }
      } else {
      }
      %mul3A_431 = arith.constant 10 : i32
      %mul3A_432 = arith.muli %mul3A_431, %scan3A_144 : i32
      %add3A_433 = arith.constant 7 : i32
      %add3A_434 = arith.addi %mul3A_432, %add3A_433 : i32
      %dma_wait3A_435 = arith.constant 0 : i32
      %dma_wait3A_436 = tpu.memref_slice %arg8[%add3A_264, %dma_wait3A_435] : memref<200x100xi32, #tpu.memory_space<vmem>> -> memref<1x100xi32, #tpu.memory_space<vmem>>
      %dma_wait3A_437 = tpu.memref_squeeze %dma_wait3A_436 : memref<1x100xi32, #tpu.memory_space<vmem>> -> memref<100xi32, #tpu.memory_space<vmem>>
      %dma_wait3A_438 = arith.constant 0 : i32
      %dma_wait3A_439 = arith.constant 0 : i32
      %dma_wait3A_440 = tpu.memref_slice %arg19[%dma_wait3A_438, %dma_wait3A_439] : memref<10000x64xbf16, #tpu.memory_space<vmem_shared>> -> memref<10000x64xbf16, #tpu.memory_space<vmem_shared>>
      tpu.wait_indirect_dma semaphore(%arg37 : memref<!tpu.dma_semaphore, #tpu.memory_space<semaphore_mem>>) src(%arg16 : memref<100x64xbf16, #tpu.memory_space<vmem>>) dst(%dma_wait3A_440 : memref<10000x64xbf16, #tpu.memory_space<vmem_shared>>)
      %add3A_441 = arith.constant 10 : i32
      %add3A_442 = arith.addi %add3A_434, %add3A_441 : i32
      %lt3A_443 = arith.constant 200 : i32
      %lt3A_444 = arith.cmpi slt, %add3A_442, %lt3A_443 : i32
      %convert_element_type3A_445 = arith.extui %lt3A_444 : i1 to i32
      %cond3A_446 = arith.constant 0 : i32
      %cond3A_447 = arith.cmpi ne, %convert_element_type3A_445, %cond3A_446 : i32
      scf.if %cond3A_447 {
        %add3A_482 = arith.constant 10 : i32
        %add3A_483 = arith.addi %add3A_434, %add3A_482 : i32
        %eq3A_484 = arith.constant 0 : i32
        %eq3A_485 = arith.cmpi eq, %arg0, %eq3A_484 : i32
        %convert_element_type3A_486 = arith.extui %eq3A_485 : i1 to i32
        %cond3A_487 = arith.constant 0 : i32
        %cond3A_488 = arith.cmpi ne, %convert_element_type3A_486, %cond3A_487 : i32
        scf.if %cond3A_488 {
          %dma_start3A_494 = arith.constant 0 : i32
          %dma_start3A_495 = tpu.memref_slice %arg7[%add3A_483, %dma_start3A_494] : memref<200x100xi32, #tpu.memory_space<vmem>> -> memref<1x100xi32, #tpu.memory_space<vmem>>
          %dma_start3A_496 = tpu.memref_squeeze %dma_start3A_495 : memref<1x100xi32, #tpu.memory_space<vmem>> -> memref<100xi32, #tpu.memory_space<vmem>>
          %dma_start3A_497 = arith.constant 0 : i32
          %dma_start3A_498 = arith.constant 0 : i32
          %dma_start3A_499 = tpu.memref_slice %arg2[%dma_start3A_497, %dma_start3A_498] : memref<10000x64xbf16, #tpu.memory_space<hbm>> -> memref<10000x64xbf16, #tpu.memory_space<hbm>>
          tpu.enqueue_indirect_dma source(%dma_start3A_499 : memref<10000x64xbf16, #tpu.memory_space<hbm>>) target(%arg16 : memref<100x64xbf16, #tpu.memory_space<vmem>>) offsets(%dma_start3A_496 : memref<100xi32, #tpu.memory_space<vmem>>) semaphore(%arg27 : memref<!tpu.dma_semaphore, #tpu.memory_space<semaphore_mem>>)
        } else {
        }
        %ne3A_489 = arith.constant 0 : i32
        %ne3A_490 = arith.cmpi ne, %arg0, %ne3A_489 : i32
        %convert_element_type3A_491 = arith.extui %ne3A_490 : i1 to i32
        %cond3A_492 = arith.constant 0 : i32
        %cond3A_493 = arith.cmpi ne, %convert_element_type3A_491, %cond3A_492 : i32
        scf.if %cond3A_493 {
          %dma_start3A_494 = arith.constant 0 : i32
          %dma_start3A_495 = tpu.memref_slice %arg7[%add3A_483, %dma_start3A_494] : memref<200x100xi32, #tpu.memory_space<vmem>> -> memref<1x100xi32, #tpu.memory_space<vmem>>
          %dma_start3A_496 = tpu.memref_squeeze %dma_start3A_495 : memref<1x100xi32, #tpu.memory_space<vmem>> -> memref<100xi32, #tpu.memory_space<vmem>>
          %dma_start3A_497 = arith.constant 0 : i32
          %dma_start3A_498 = arith.constant 0 : i32
          %dma_start3A_499 = tpu.memref_slice %arg3[%dma_start3A_497, %dma_start3A_498] : memref<10000x64xbf16, #tpu.memory_space<hbm>> -> memref<10000x64xbf16, #tpu.memory_space<hbm>>
          tpu.enqueue_indirect_dma source(%dma_start3A_499 : memref<10000x64xbf16, #tpu.memory_space<hbm>>) target(%arg16 : memref<100x64xbf16, #tpu.memory_space<vmem>>) offsets(%dma_start3A_496 : memref<100xi32, #tpu.memory_space<vmem>>) semaphore(%arg27 : memref<!tpu.dma_semaphore, #tpu.memory_space<semaphore_mem>>)
        } else {
        }
      } else {
      }
      %mul3A_448 = arith.constant 10 : i32
      %mul3A_449 = arith.muli %mul3A_448, %scan3A_144 : i32
      %add3A_450 = arith.constant 8 : i32
      %add3A_451 = arith.addi %mul3A_449, %add3A_450 : i32
      %dma_wait3A_452 = arith.constant 0 : i32
      %dma_wait3A_453 = tpu.memref_slice %arg8[%add3A_281, %dma_wait3A_452] : memref<200x100xi32, #tpu.memory_space<vmem>> -> memref<1x100xi32, #tpu.memory_space<vmem>>
      %dma_wait3A_454 = tpu.memref_squeeze %dma_wait3A_453 : memref<1x100xi32, #tpu.memory_space<vmem>> -> memref<100xi32, #tpu.memory_space<vmem>>
      %dma_wait3A_455 = arith.constant 0 : i32
      %dma_wait3A_456 = arith.constant 0 : i32
      %dma_wait3A_457 = tpu.memref_slice %arg19[%dma_wait3A_455, %dma_wait3A_456] : memref<10000x64xbf16, #tpu.memory_space<vmem_shared>> -> memref<10000x64xbf16, #tpu.memory_space<vmem_shared>>
      tpu.wait_indirect_dma semaphore(%arg38 : memref<!tpu.dma_semaphore, #tpu.memory_space<semaphore_mem>>) src(%arg17 : memref<100x64xbf16, #tpu.memory_space<vmem>>) dst(%dma_wait3A_457 : memref<10000x64xbf16, #tpu.memory_space<vmem_shared>>)
      %add3A_458 = arith.constant 10 : i32
      %add3A_459 = arith.addi %add3A_451, %add3A_458 : i32
      %lt3A_460 = arith.constant 200 : i32
      %lt3A_461 = arith.cmpi slt, %add3A_459, %lt3A_460 : i32
      %convert_element_type3A_462 = arith.extui %lt3A_461 : i1 to i32
      %cond3A_463 = arith.constant 0 : i32
      %cond3A_464 = arith.cmpi ne, %convert_element_type3A_462, %cond3A_463 : i32
      scf.if %cond3A_464 {
        %add3A_482 = arith.constant 10 : i32
        %add3A_483 = arith.addi %add3A_451, %add3A_482 : i32
        %eq3A_484 = arith.constant 0 : i32
        %eq3A_485 = arith.cmpi eq, %arg0, %eq3A_484 : i32
        %convert_element_type3A_486 = arith.extui %eq3A_485 : i1 to i32
        %cond3A_487 = arith.constant 0 : i32
        %cond3A_488 = arith.cmpi ne, %convert_element_type3A_486, %cond3A_487 : i32
        scf.if %cond3A_488 {
          %dma_start3A_494 = arith.constant 0 : i32
          %dma_start3A_495 = tpu.memref_slice %arg7[%add3A_483, %dma_start3A_494] : memref<200x100xi32, #tpu.memory_space<vmem>> -> memref<1x100xi32, #tpu.memory_space<vmem>>
          %dma_start3A_496 = tpu.memref_squeeze %dma_start3A_495 : memref<1x100xi32, #tpu.memory_space<vmem>> -> memref<100xi32, #tpu.memory_space<vmem>>
          %dma_start3A_497 = arith.constant 0 : i32
          %dma_start3A_498 = arith.constant 0 : i32
          %dma_start3A_499 = tpu.memref_slice %arg2[%dma_start3A_497, %dma_start3A_498] : memref<10000x64xbf16, #tpu.memory_space<hbm>> -> memref<10000x64xbf16, #tpu.memory_space<hbm>>
          tpu.enqueue_indirect_dma source(%dma_start3A_499 : memref<10000x64xbf16, #tpu.memory_space<hbm>>) target(%arg17 : memref<100x64xbf16, #tpu.memory_space<vmem>>) offsets(%dma_start3A_496 : memref<100xi32, #tpu.memory_space<vmem>>) semaphore(%arg28 : memref<!tpu.dma_semaphore, #tpu.memory_space<semaphore_mem>>)
        } else {
        }
        %ne3A_489 = arith.constant 0 : i32
        %ne3A_490 = arith.cmpi ne, %arg0, %ne3A_489 : i32
        %convert_element_type3A_491 = arith.extui %ne3A_490 : i1 to i32
        %cond3A_492 = arith.constant 0 : i32
        %cond3A_493 = arith.cmpi ne, %convert_element_type3A_491, %cond3A_492 : i32
        scf.if %cond3A_493 {
          %dma_start3A_494 = arith.constant 0 : i32
          %dma_start3A_495 = tpu.memref_slice %arg7[%add3A_483, %dma_start3A_494] : memref<200x100xi32, #tpu.memory_space<vmem>> -> memref<1x100xi32, #tpu.memory_space<vmem>>
          %dma_start3A_496 = tpu.memref_squeeze %dma_start3A_495 : memref<1x100xi32, #tpu.memory_space<vmem>> -> memref<100xi32, #tpu.memory_space<vmem>>
          %dma_start3A_497 = arith.constant 0 : i32
          %dma_start3A_498 = arith.constant 0 : i32
          %dma_start3A_499 = tpu.memref_slice %arg3[%dma_start3A_497, %dma_start3A_498] : memref<10000x64xbf16, #tpu.memory_space<hbm>> -> memref<10000x64xbf16, #tpu.memory_space<hbm>>
          tpu.enqueue_indirect_dma source(%dma_start3A_499 : memref<10000x64xbf16, #tpu.memory_space<hbm>>) target(%arg17 : memref<100x64xbf16, #tpu.memory_space<vmem>>) offsets(%dma_start3A_496 : memref<100xi32, #tpu.memory_space<vmem>>) semaphore(%arg28 : memref<!tpu.dma_semaphore, #tpu.memory_space<semaphore_mem>>)
        } else {
        }
      } else {
      }
      %mul3A_465 = arith.constant 10 : i32
      %mul3A_466 = arith.muli %mul3A_465, %scan3A_144 : i32
      %add3A_467 = arith.constant 9 : i32
      %add3A_468 = arith.addi %mul3A_466, %add3A_467 : i32
      %dma_wait3A_469 = arith.constant 0 : i32
      %dma_wait3A_470 = tpu.memref_slice %arg8[%add3A_298, %dma_wait3A_469] : memref<200x100xi32, #tpu.memory_space<vmem>> -> memref<1x100xi32, #tpu.memory_space<vmem>>
      %dma_wait3A_471 = tpu.memref_squeeze %dma_wait3A_470 : memref<1x100xi32, #tpu.memory_space<vmem>> -> memref<100xi32, #tpu.memory_space<vmem>>
      %dma_wait3A_472 = arith.constant 0 : i32
      %dma_wait3A_473 = arith.constant 0 : i32
      %dma_wait3A_474 = tpu.memref_slice %arg19[%dma_wait3A_472, %dma_wait3A_473] : memref<10000x64xbf16, #tpu.memory_space<vmem_shared>> -> memref<10000x64xbf16, #tpu.memory_space<vmem_shared>>
      tpu.wait_indirect_dma semaphore(%arg39 : memref<!tpu.dma_semaphore, #tpu.memory_space<semaphore_mem>>) src(%arg18 : memref<100x64xbf16, #tpu.memory_space<vmem>>) dst(%dma_wait3A_474 : memref<10000x64xbf16, #tpu.memory_space<vmem_shared>>)
      %add3A_475 = arith.constant 10 : i32
      %add3A_476 = arith.addi %add3A_468, %add3A_475 : i32
      %lt3A_477 = arith.constant 200 : i32
      %lt3A_478 = arith.cmpi slt, %add3A_476, %lt3A_477 : i32
      %convert_element_type3A_479 = arith.extui %lt3A_478 : i1 to i32
      %cond3A_480 = arith.constant 0 : i32
      %cond3A_481 = arith.cmpi ne, %convert_element_type3A_479, %cond3A_480 : i32
      scf.if %cond3A_481 {
        %add3A_482 = arith.constant 10 : i32
        %add3A_483 = arith.addi %add3A_468, %add3A_482 : i32
        %eq3A_484 = arith.constant 0 : i32
        %eq3A_485 = arith.cmpi eq, %arg0, %eq3A_484 : i32
        %convert_element_type3A_486 = arith.extui %eq3A_485 : i1 to i32
        %cond3A_487 = arith.constant 0 : i32
        %cond3A_488 = arith.cmpi ne, %convert_element_type3A_486, %cond3A_487 : i32
        scf.if %cond3A_488 {
          %dma_start3A_494 = arith.constant 0 : i32
          %dma_start3A_495 = tpu.memref_slice %arg7[%add3A_483, %dma_start3A_494] : memref<200x100xi32, #tpu.memory_space<vmem>> -> memref<1x100xi32, #tpu.memory_space<vmem>>
          %dma_start3A_496 = tpu.memref_squeeze %dma_start3A_495 : memref<1x100xi32, #tpu.memory_space<vmem>> -> memref<100xi32, #tpu.memory_space<vmem>>
          %dma_start3A_497 = arith.constant 0 : i32
          %dma_start3A_498 = arith.constant 0 : i32
          %dma_start3A_499 = tpu.memref_slice %arg2[%dma_start3A_497, %dma_start3A_498] : memref<10000x64xbf16, #tpu.memory_space<hbm>> -> memref<10000x64xbf16, #tpu.memory_space<hbm>>
          tpu.enqueue_indirect_dma source(%dma_start3A_499 : memref<10000x64xbf16, #tpu.memory_space<hbm>>) target(%arg18 : memref<100x64xbf16, #tpu.memory_space<vmem>>) offsets(%dma_start3A_496 : memref<100xi32, #tpu.memory_space<vmem>>) semaphore(%arg29 : memref<!tpu.dma_semaphore, #tpu.memory_space<semaphore_mem>>)
        } else {
        }
        %ne3A_489 = arith.constant 0 : i32
        %ne3A_490 = arith.cmpi ne, %arg0, %ne3A_489 : i32
        %convert_element_type3A_491 = arith.extui %ne3A_490 : i1 to i32
        %cond3A_492 = arith.constant 0 : i32
        %cond3A_493 = arith.cmpi ne, %convert_element_type3A_491, %cond3A_492 : i32
        scf.if %cond3A_493 {
          %dma_start3A_494 = arith.constant 0 : i32
          %dma_start3A_495 = tpu.memref_slice %arg7[%add3A_483, %dma_start3A_494] : memref<200x100xi32, #tpu.memory_space<vmem>> -> memref<1x100xi32, #tpu.memory_space<vmem>>
          %dma_start3A_496 = tpu.memref_squeeze %dma_start3A_495 : memref<1x100xi32, #tpu.memory_space<vmem>> -> memref<100xi32, #tpu.memory_space<vmem>>
          %dma_start3A_497 = arith.constant 0 : i32
          %dma_start3A_498 = arith.constant 0 : i32
          %dma_start3A_499 = tpu.memref_slice %arg3[%dma_start3A_497, %dma_start3A_498] : memref<10000x64xbf16, #tpu.memory_space<hbm>> -> memref<10000x64xbf16, #tpu.memory_space<hbm>>
          tpu.enqueue_indirect_dma source(%dma_start3A_499 : memref<10000x64xbf16, #tpu.memory_space<hbm>>) target(%arg18 : memref<100x64xbf16, #tpu.memory_space<vmem>>) offsets(%dma_start3A_496 : memref<100xi32, #tpu.memory_space<vmem>>) semaphore(%arg29 : memref<!tpu.dma_semaphore, #tpu.memory_space<semaphore_mem>>)
        } else {
        }
      } else {
      }
    }
    %scan3A_132 = arith.constant 20 : i32
    %barrier3A_133 = arith.constant 0 : index
    tpu.barrier barrier_id(%barrier3A_133)
    %eq3A_134 = arith.constant 0 : i32
    %eq3A_135 = arith.cmpi eq, %arg0, %eq3A_134 : i32
    %convert_element_type3A_136 = arith.extui %eq3A_135 : i1 to i32
    %cond3A_137 = arith.constant 0 : i32
    %cond3A_138 = arith.cmpi ne, %convert_element_type3A_136, %cond3A_137 : i32
    scf.if %cond3A_138 {
      %lt3A_144 = arith.constant 15 : i32
      %lt3A_145 = arith.cmpi slt, %arg1, %lt3A_144 : i32
      %convert_element_type3A_146 = arith.extui %lt3A_145 : i1 to i32
      %cond3A_147 = arith.constant 0 : i32
      %cond3A_148 = arith.cmpi ne, %convert_element_type3A_146, %cond3A_147 : i32
      scf.if %cond3A_148 {
        "tpu.region"() ({
          %run_scoped3A_154 = tpu.sem_alloc : memref<!tpu.dma_semaphore, #tpu.memory_space<semaphore_mem>>
          %dma_start3A = arith.constant 0 : i32
          %dma_start3A_155 = tpu.memref_slice %arg5[%mul3A_0, %dma_start3A] : memref<10000x64xbf16, #tpu.memory_space<hbm>> -> memref<624x64xbf16, #tpu.memory_space<hbm>>
          %dma_start3A_156 = arith.constant 0 : i32
          %dma_start3A_157 = tpu.memref_slice %arg19[%mul3A_0, %dma_start3A_156] : memref<10000x64xbf16, #tpu.memory_space<vmem_shared>> -> memref<624x64xbf16, #tpu.memory_space<vmem_shared>>
          tpu.enqueue_dma source(%dma_start3A_157 : memref<624x64xbf16, #tpu.memory_space<vmem_shared>>) target(%dma_start3A_155 : memref<624x64xbf16, #tpu.memory_space<hbm>>) target_semaphore(%run_scoped3A_154 : memref<!tpu.dma_semaphore, #tpu.memory_space<semaphore_mem>>)
          %dma_wait3A = arith.constant 0 : i32
          %dma_wait3A_158 = tpu.memref_slice %arg5[%mul3A_0, %dma_wait3A] : memref<10000x64xbf16, #tpu.memory_space<hbm>> -> memref<624x64xbf16, #tpu.memory_space<hbm>>
          %dma_wait3A_159 = arith.constant 0 : i32
          %dma_wait3A_160 = tpu.memref_slice %arg19[%mul3A_0, %dma_wait3A_159] : memref<10000x64xbf16, #tpu.memory_space<vmem_shared>> -> memref<624x64xbf16, #tpu.memory_space<vmem_shared>>
          tpu.wait_dma2 semaphore(%run_scoped3A_154 : memref<!tpu.dma_semaphore, #tpu.memory_space<semaphore_mem>>) src(%dma_wait3A_160 : memref<624x64xbf16, #tpu.memory_space<vmem_shared>>) dst(%dma_wait3A_158 : memref<624x64xbf16, #tpu.memory_space<hbm>>)
          tpu.yield
        }) : () -> ()
      } else {
      }
      %eq3A_149 = arith.constant 15 : i32
      %eq3A_150 = arith.cmpi eq, %arg1, %eq3A_149 : i32
      %convert_element_type3A_151 = arith.extui %eq3A_150 : i1 to i32
      %cond3A_152 = arith.constant 0 : i32
      %cond3A_153 = arith.cmpi ne, %convert_element_type3A_151, %cond3A_152 : i32
      scf.if %cond3A_153 {
        "tpu.region"() ({
          %run_scoped3A_154 = tpu.sem_alloc : memref<!tpu.dma_semaphore, #tpu.memory_space<semaphore_mem>>
          %dma_start3A = arith.constant 9360 : i32
          %dma_start3A_155 = arith.constant 0 : i32
          %dma_start3A_156 = tpu.memref_slice %arg5[%dma_start3A, %dma_start3A_155] : memref<10000x64xbf16, #tpu.memory_space<hbm>> -> memref<640x64xbf16, #tpu.memory_space<hbm>>
          %dma_start3A_157 = arith.constant 9360 : i32
          %dma_start3A_158 = arith.constant 0 : i32
          %dma_start3A_159 = tpu.memref_slice %arg19[%dma_start3A_157, %dma_start3A_158] : memref<10000x64xbf16, #tpu.memory_space<vmem_shared>> -> memref<640x64xbf16, #tpu.memory_space<vmem_shared>>
          tpu.enqueue_dma source(%dma_start3A_159 : memref<640x64xbf16, #tpu.memory_space<vmem_shared>>) target(%dma_start3A_156 : memref<640x64xbf16, #tpu.memory_space<hbm>>) target_semaphore(%run_scoped3A_154 : memref<!tpu.dma_semaphore, #tpu.memory_space<semaphore_mem>>)
          %dma_wait3A = arith.constant 9360 : i32
          %dma_wait3A_160 = arith.constant 0 : i32
          %dma_wait3A_161 = tpu.memref_slice %arg5[%dma_wait3A, %dma_wait3A_160] : memref<10000x64xbf16, #tpu.memory_space<hbm>> -> memref<640x64xbf16, #tpu.memory_space<hbm>>
          %dma_wait3A_162 = arith.constant 9360 : i32
          %dma_wait3A_163 = arith.constant 0 : i32
          %dma_wait3A_164 = tpu.memref_slice %arg19[%dma_wait3A_162, %dma_wait3A_163] : memref<10000x64xbf16, #tpu.memory_space<vmem_shared>> -> memref<640x64xbf16, #tpu.memory_space<vmem_shared>>
          tpu.wait_dma2 semaphore(%run_scoped3A_154 : memref<!tpu.dma_semaphore, #tpu.memory_space<semaphore_mem>>) src(%dma_wait3A_164 : memref<640x64xbf16, #tpu.memory_space<vmem_shared>>) dst(%dma_wait3A_161 : memref<640x64xbf16, #tpu.memory_space<hbm>>)
          tpu.yield
        }) : () -> ()
      } else {
      }
    } else {
    }
    %ne3A_139 = arith.constant 0 : i32
    %ne3A_140 = arith.cmpi ne, %arg0, %ne3A_139 : i32
    %convert_element_type3A_141 = arith.extui %ne3A_140 : i1 to i32
    %cond3A_142 = arith.constant 0 : i32
    %cond3A_143 = arith.cmpi ne, %convert_element_type3A_141, %cond3A_142 : i32
    scf.if %cond3A_143 {
      %lt3A_144 = arith.constant 15 : i32
      %lt3A_145 = arith.cmpi slt, %arg1, %lt3A_144 : i32
      %convert_element_type3A_146 = arith.extui %lt3A_145 : i1 to i32
      %cond3A_147 = arith.constant 0 : i32
      %cond3A_148 = arith.cmpi ne, %convert_element_type3A_146, %cond3A_147 : i32
      scf.if %cond3A_148 {
        "tpu.region"() ({
          %run_scoped3A_154 = tpu.sem_alloc : memref<!tpu.dma_semaphore, #tpu.memory_space<semaphore_mem>>
          %dma_start3A = arith.constant 0 : i32
          %dma_start3A_155 = tpu.memref_slice %arg6[%mul3A_0, %dma_start3A] : memref<10000x64xbf16, #tpu.memory_space<hbm>> -> memref<624x64xbf16, #tpu.memory_space<hbm>>
          %dma_start3A_156 = arith.constant 0 : i32
          %dma_start3A_157 = tpu.memref_slice %arg19[%mul3A_0, %dma_start3A_156] : memref<10000x64xbf16, #tpu.memory_space<vmem_shared>> -> memref<624x64xbf16, #tpu.memory_space<vmem_shared>>
          tpu.enqueue_dma source(%dma_start3A_157 : memref<624x64xbf16, #tpu.memory_space<vmem_shared>>) target(%dma_start3A_155 : memref<624x64xbf16, #tpu.memory_space<hbm>>) target_semaphore(%run_scoped3A_154 : memref<!tpu.dma_semaphore, #tpu.memory_space<semaphore_mem>>)
          %dma_wait3A = arith.constant 0 : i32
          %dma_wait3A_158 = tpu.memref_slice %arg6[%mul3A_0, %dma_wait3A] : memref<10000x64xbf16, #tpu.memory_space<hbm>> -> memref<624x64xbf16, #tpu.memory_space<hbm>>
          %dma_wait3A_159 = arith.constant 0 : i32
          %dma_wait3A_160 = tpu.memref_slice %arg19[%mul3A_0, %dma_wait3A_159] : memref<10000x64xbf16, #tpu.memory_space<vmem_shared>> -> memref<624x64xbf16, #tpu.memory_space<vmem_shared>>
          tpu.wait_dma2 semaphore(%run_scoped3A_154 : memref<!tpu.dma_semaphore, #tpu.memory_space<semaphore_mem>>) src(%dma_wait3A_160 : memref<624x64xbf16, #tpu.memory_space<vmem_shared>>) dst(%dma_wait3A_158 : memref<624x64xbf16, #tpu.memory_space<hbm>>)
          tpu.yield
        }) : () -> ()
      } else {
      }
      %eq3A_149 = arith.constant 15 : i32
      %eq3A_150 = arith.cmpi eq, %arg1, %eq3A_149 : i32
      %convert_element_type3A_151 = arith.extui %eq3A_150 : i1 to i32
      %cond3A_152 = arith.constant 0 : i32
      %cond3A_153 = arith.cmpi ne, %convert_element_type3A_151, %cond3A_152 : i32
      scf.if %cond3A_153 {
        "tpu.region"() ({
          %run_scoped3A_154 = tpu.sem_alloc : memref<!tpu.dma_semaphore, #tpu.memory_space<semaphore_mem>>
          %dma_start3A = arith.constant 9360 : i32
          %dma_start3A_155 = arith.constant 0 : i32
          %dma_start3A_156 = tpu.memref_slice %arg6[%dma_start3A, %dma_start3A_155] : memref<10000x64xbf16, #tpu.memory_space<hbm>> -> memref<640x64xbf16, #tpu.memory_space<hbm>>
          %dma_start3A_157 = arith.constant 9360 : i32
          %dma_start3A_158 = arith.constant 0 : i32
          %dma_start3A_159 = tpu.memref_slice %arg19[%dma_start3A_157, %dma_start3A_158] : memref<10000x64xbf16, #tpu.memory_space<vmem_shared>> -> memref<640x64xbf16, #tpu.memory_space<vmem_shared>>
          tpu.enqueue_dma source(%dma_start3A_159 : memref<640x64xbf16, #tpu.memory_space<vmem_shared>>) target(%dma_start3A_156 : memref<640x64xbf16, #tpu.memory_space<hbm>>) target_semaphore(%run_scoped3A_154 : memref<!tpu.dma_semaphore, #tpu.memory_space<semaphore_mem>>)
          %dma_wait3A = arith.constant 9360 : i32
          %dma_wait3A_160 = arith.constant 0 : i32
          %dma_wait3A_161 = tpu.memref_slice %arg6[%dma_wait3A, %dma_wait3A_160] : memref<10000x64xbf16, #tpu.memory_space<hbm>> -> memref<640x64xbf16, #tpu.memory_space<hbm>>
          %dma_wait3A_162 = arith.constant 9360 : i32
          %dma_wait3A_163 = arith.constant 0 : i32
          %dma_wait3A_164 = tpu.memref_slice %arg19[%dma_wait3A_162, %dma_wait3A_163] : memref<10000x64xbf16, #tpu.memory_space<vmem_shared>> -> memref<640x64xbf16, #tpu.memory_space<vmem_shared>>
          tpu.wait_dma2 semaphore(%run_scoped3A_154 : memref<!tpu.dma_semaphore, #tpu.memory_space<semaphore_mem>>) src(%dma_wait3A_164 : memref<640x64xbf16, #tpu.memory_space<vmem_shared>>) dst(%dma_wait3A_161 : memref<640x64xbf16, #tpu.memory_space<hbm>>)
          tpu.yield
        }) : () -> ()
      } else {
      }
    } else {
    }
    return
  }
}

#map = affine_map<(d0, d1) -> (0, 0, 0, 0)>
#map1 = affine_map<(d0, d1) -> (0, 0)>
#map2 = affine_map<(d0, d1) -> (0, 0, 0)>
module attributes {stable_mosaic.version = 14 : i64} {
  func.func @_deg_kernel(%arg0: i32, %arg1: i32, %arg2: memref<2x16x200x100xi32, #tpu.memory_space<hbm>>, %arg3: memref<100x16xf32, #tpu.memory_space<hbm>>, %arg4: memref<640x16xf32, #tpu.memory_space<hbm>>, %arg5: memref<2x10000x16xf32, #tpu.memory_space<hbm>>, %arg6: memref<100x100xi32, #tpu.memory_space<vmem>>, %arg7: memref<100x16xf32, #tpu.memory_space<vmem>>, %arg8: memref<10000x16xf32, #tpu.memory_space<vmem_shared>>, %arg9: memref<!tpu.dma_semaphore, #tpu.memory_space<semaphore_mem>>, %arg10: memref<!tpu.dma_semaphore, #tpu.memory_space<semaphore_mem>>) attributes {dimension_semantics = [#tpu.dimension_semantics<core_parallel>, #tpu.dimension_semantics<subcore_parallel>], iteration_bounds = array<i64: 2, 16>, scalar_prefetch = 0 : i64, scratch_operands = 5 : i64, tpu.core_type = #tpu.core_type<sc_vector_subcore>, window_params = [{transform_indices = #map}, {transform_indices = #map1}, {transform_indices = #map1}, {transform_indices = #map2}]} {
    %mul3A = arith.constant 624 : i32
    %mul3A_0 = arith.muli %arg1, %mul3A : i32
    %mul3A_1 = arith.constant 100 : i32
    %mul3A_2 = arith.muli %arg0, %mul3A_1 : i32
    %run_scoped3A = arith.constant 1 : i32
    "tpu.region"() ({
      %run_scoped3A_25 = tpu.sem_alloc : memref<!tpu.dma_semaphore, #tpu.memory_space<semaphore_mem>>
      %dma_start3A = arith.constant 0 : i32
      %dma_start3A_26 = tpu.memref_slice %arg2[%run_scoped3A, %arg1, %mul3A_2, %dma_start3A] : memref<2x16x200x100xi32, #tpu.memory_space<hbm>> -> memref<1x1x100x100xi32, #tpu.memory_space<hbm>>
      %dma_start3A_27 = tpu.memref_squeeze %dma_start3A_26 : memref<1x1x100x100xi32, #tpu.memory_space<hbm>> -> memref<100x100xi32, #tpu.memory_space<hbm>>
      %dma_start3A_28 = arith.constant 0 : i32
      %dma_start3A_29 = tpu.memref_slice %arg2[%run_scoped3A, %arg1, %mul3A_2, %dma_start3A_28] : memref<2x16x200x100xi32, #tpu.memory_space<hbm>> -> memref<1x1x100x100xi32, #tpu.memory_space<hbm>>
      %dma_start3A_30 = tpu.memref_squeeze %dma_start3A_29 : memref<1x1x100x100xi32, #tpu.memory_space<hbm>> -> memref<100x100xi32, #tpu.memory_space<hbm>>
      tpu.enqueue_dma source(%dma_start3A_30 : memref<100x100xi32, #tpu.memory_space<hbm>>) target(%arg6 : memref<100x100xi32, #tpu.memory_space<vmem>>) target_semaphore(%run_scoped3A_25 : memref<!tpu.dma_semaphore, #tpu.memory_space<semaphore_mem>>)
      %dma_wait3A = arith.constant 0 : i32
      %dma_wait3A_31 = tpu.memref_slice %arg2[%run_scoped3A, %arg1, %mul3A_2, %dma_wait3A] : memref<2x16x200x100xi32, #tpu.memory_space<hbm>> -> memref<1x1x100x100xi32, #tpu.memory_space<hbm>>
      %dma_wait3A_32 = tpu.memref_squeeze %dma_wait3A_31 : memref<1x1x100x100xi32, #tpu.memory_space<hbm>> -> memref<100x100xi32, #tpu.memory_space<hbm>>
      %dma_wait3A_33 = arith.constant 0 : i32
      %dma_wait3A_34 = tpu.memref_slice %arg2[%run_scoped3A, %arg1, %mul3A_2, %dma_wait3A_33] : memref<2x16x200x100xi32, #tpu.memory_space<hbm>> -> memref<1x1x100x100xi32, #tpu.memory_space<hbm>>
      %dma_wait3A_35 = tpu.memref_squeeze %dma_wait3A_34 : memref<1x1x100x100xi32, #tpu.memory_space<hbm>> -> memref<100x100xi32, #tpu.memory_space<hbm>>
      tpu.wait_dma2 semaphore(%run_scoped3A_25 : memref<!tpu.dma_semaphore, #tpu.memory_space<semaphore_mem>>) src(%dma_wait3A_35 : memref<100x100xi32, #tpu.memory_space<hbm>>) dst(%arg6 : memref<100x100xi32, #tpu.memory_space<vmem>>)
      tpu.yield
    }) : () -> ()
    "tpu.region"() ({
      %run_scoped3A_25 = tpu.sem_alloc : memref<!tpu.dma_semaphore, #tpu.memory_space<semaphore_mem>>
      tpu.enqueue_dma source(%arg3 : memref<100x16xf32, #tpu.memory_space<hbm>>) target(%arg7 : memref<100x16xf32, #tpu.memory_space<vmem>>) target_semaphore(%run_scoped3A_25 : memref<!tpu.dma_semaphore, #tpu.memory_space<semaphore_mem>>)
      tpu.wait_dma2 semaphore(%run_scoped3A_25 : memref<!tpu.dma_semaphore, #tpu.memory_space<semaphore_mem>>) src(%arg3 : memref<100x16xf32, #tpu.memory_space<hbm>>) dst(%arg7 : memref<100x16xf32, #tpu.memory_space<vmem>>)
      tpu.yield
    }) : () -> ()
    %lt3A = arith.constant 15 : i32
    %lt3A_3 = arith.cmpi slt, %arg1, %lt3A : i32
    %convert_element_type3A = arith.extui %lt3A_3 : i1 to i32
    %cond3A = arith.constant 0 : i32
    %cond3A_4 = arith.cmpi ne, %convert_element_type3A, %cond3A : i32
    scf.if %cond3A_4 {
      "tpu.region"() ({
        %run_scoped3A_25 = tpu.sem_alloc : memref<!tpu.dma_semaphore, #tpu.memory_space<semaphore_mem>>
        %dma_start3A = arith.constant 0 : i32
        %dma_start3A_26 = tpu.memref_slice %arg8[%mul3A_0, %dma_start3A] : memref<10000x16xf32, #tpu.memory_space<vmem_shared>> -> memref<624x16xf32, #tpu.memory_space<vmem_shared>>
        %dma_start3A_27 = arith.constant 0 : i32
        %dma_start3A_28 = arith.constant 0 : i32
        %dma_start3A_29 = tpu.memref_slice %arg4[%dma_start3A_27, %dma_start3A_28] : memref<640x16xf32, #tpu.memory_space<hbm>> -> memref<624x16xf32, #tpu.memory_space<hbm>>
        tpu.enqueue_dma source(%dma_start3A_29 : memref<624x16xf32, #tpu.memory_space<hbm>>) target(%dma_start3A_26 : memref<624x16xf32, #tpu.memory_space<vmem_shared>>) target_semaphore(%run_scoped3A_25 : memref<!tpu.dma_semaphore, #tpu.memory_space<semaphore_mem>>)
        %dma_wait3A = arith.constant 0 : i32
        %dma_wait3A_30 = tpu.memref_slice %arg8[%mul3A_0, %dma_wait3A] : memref<10000x16xf32, #tpu.memory_space<vmem_shared>> -> memref<624x16xf32, #tpu.memory_space<vmem_shared>>
        %dma_wait3A_31 = arith.constant 0 : i32
        %dma_wait3A_32 = arith.constant 0 : i32
        %dma_wait3A_33 = tpu.memref_slice %arg4[%dma_wait3A_31, %dma_wait3A_32] : memref<640x16xf32, #tpu.memory_space<hbm>> -> memref<624x16xf32, #tpu.memory_space<hbm>>
        tpu.wait_dma2 semaphore(%run_scoped3A_25 : memref<!tpu.dma_semaphore, #tpu.memory_space<semaphore_mem>>) src(%dma_wait3A_33 : memref<624x16xf32, #tpu.memory_space<hbm>>) dst(%dma_wait3A_30 : memref<624x16xf32, #tpu.memory_space<vmem_shared>>)
        tpu.yield
      }) : () -> ()
    } else {
    }
    %eq3A = arith.constant 15 : i32
    %eq3A_5 = arith.cmpi eq, %arg1, %eq3A : i32
    %convert_element_type3A_6 = arith.extui %eq3A_5 : i1 to i32
    %cond3A_7 = arith.constant 0 : i32
    %cond3A_8 = arith.cmpi ne, %convert_element_type3A_6, %cond3A_7 : i32
    scf.if %cond3A_8 {
      "tpu.region"() ({
        %run_scoped3A_25 = tpu.sem_alloc : memref<!tpu.dma_semaphore, #tpu.memory_space<semaphore_mem>>
        %dma_start3A = arith.constant 9360 : i32
        %dma_start3A_26 = arith.constant 0 : i32
        %dma_start3A_27 = tpu.memref_slice %arg8[%dma_start3A, %dma_start3A_26] : memref<10000x16xf32, #tpu.memory_space<vmem_shared>> -> memref<640x16xf32, #tpu.memory_space<vmem_shared>>
        tpu.enqueue_dma source(%arg4 : memref<640x16xf32, #tpu.memory_space<hbm>>) target(%dma_start3A_27 : memref<640x16xf32, #tpu.memory_space<vmem_shared>>) target_semaphore(%run_scoped3A_25 : memref<!tpu.dma_semaphore, #tpu.memory_space<semaphore_mem>>)
        %dma_wait3A = arith.constant 9360 : i32
        %dma_wait3A_28 = arith.constant 0 : i32
        %dma_wait3A_29 = tpu.memref_slice %arg8[%dma_wait3A, %dma_wait3A_28] : memref<10000x16xf32, #tpu.memory_space<vmem_shared>> -> memref<640x16xf32, #tpu.memory_space<vmem_shared>>
        tpu.wait_dma2 semaphore(%run_scoped3A_25 : memref<!tpu.dma_semaphore, #tpu.memory_space<semaphore_mem>>) src(%arg4 : memref<640x16xf32, #tpu.memory_space<hbm>>) dst(%dma_wait3A_29 : memref<640x16xf32, #tpu.memory_space<vmem_shared>>)
        tpu.yield
      }) : () -> ()
    } else {
    }
    %barrier3A = arith.constant 0 : index
    tpu.barrier barrier_id(%barrier3A)
    %scan3A = arith.constant 0 : i32
    %scan3A_9 = arith.constant 0 : i32
    %scan3A_10 = arith.constant 50 : i32
    %scan3A_11 = arith.addi %scan3A_9, %scan3A_10 : i32
    %scan3A_12 = arith.constant 1 : i32
    scf.for %scan3A_25 = %scan3A_9 to %scan3A_11 step %scan3A_12  : i32 {
      %mul3A_26 = arith.constant 2 : i32
      %mul3A_27 = arith.muli %mul3A_26, %scan3A_25 : i32
      %dma_start3A = arith.constant 0 : i32
      %dma_start3A_28 = tpu.memref_slice %arg6[%mul3A_27, %dma_start3A] : memref<100x100xi32, #tpu.memory_space<vmem>> -> memref<1x100xi32, #tpu.memory_space<vmem>>
      %dma_start3A_29 = tpu.memref_squeeze %dma_start3A_28 : memref<1x100xi32, #tpu.memory_space<vmem>> -> memref<100xi32, #tpu.memory_space<vmem>>
      %dma_start3A_30 = arith.constant 0 : i32
      %dma_start3A_31 = arith.constant 0 : i32
      %dma_start3A_32 = tpu.memref_slice %arg8[%dma_start3A_30, %dma_start3A_31] : memref<10000x16xf32, #tpu.memory_space<vmem_shared>> -> memref<10000x16xf32, #tpu.memory_space<vmem_shared>>
      tpu.enqueue_indirect_dma source(%arg7 : memref<100x16xf32, #tpu.memory_space<vmem>>) target(%dma_start3A_32 : memref<10000x16xf32, #tpu.memory_space<vmem_shared>>) offsets(%dma_start3A_29 : memref<100xi32, #tpu.memory_space<vmem>>) semaphore(%arg9 : memref<!tpu.dma_semaphore, #tpu.memory_space<semaphore_mem>>) {add = true}
      %mul3A_33 = arith.constant 2 : i32
      %mul3A_34 = arith.muli %mul3A_33, %scan3A_25 : i32
      %add3A = arith.constant 1 : i32
      %add3A_35 = arith.addi %mul3A_34, %add3A : i32
      %dma_start3A_36 = arith.constant 0 : i32
      %dma_start3A_37 = tpu.memref_slice %arg6[%add3A_35, %dma_start3A_36] : memref<100x100xi32, #tpu.memory_space<vmem>> -> memref<1x100xi32, #tpu.memory_space<vmem>>
      %dma_start3A_38 = tpu.memref_squeeze %dma_start3A_37 : memref<1x100xi32, #tpu.memory_space<vmem>> -> memref<100xi32, #tpu.memory_space<vmem>>
      %dma_start3A_39 = arith.constant 0 : i32
      %dma_start3A_40 = arith.constant 0 : i32
      %dma_start3A_41 = tpu.memref_slice %arg8[%dma_start3A_39, %dma_start3A_40] : memref<10000x16xf32, #tpu.memory_space<vmem_shared>> -> memref<10000x16xf32, #tpu.memory_space<vmem_shared>>
      tpu.enqueue_indirect_dma source(%arg7 : memref<100x16xf32, #tpu.memory_space<vmem>>) target(%dma_start3A_41 : memref<10000x16xf32, #tpu.memory_space<vmem_shared>>) offsets(%dma_start3A_38 : memref<100xi32, #tpu.memory_space<vmem>>) semaphore(%arg10 : memref<!tpu.dma_semaphore, #tpu.memory_space<semaphore_mem>>) {add = true}
      %dma_wait3A = arith.constant 0 : i32
      %dma_wait3A_42 = tpu.memref_slice %arg6[%mul3A_27, %dma_wait3A] : memref<100x100xi32, #tpu.memory_space<vmem>> -> memref<1x100xi32, #tpu.memory_space<vmem>>
      %dma_wait3A_43 = tpu.memref_squeeze %dma_wait3A_42 : memref<1x100xi32, #tpu.memory_space<vmem>> -> memref<100xi32, #tpu.memory_space<vmem>>
      %dma_wait3A_44 = arith.constant 0 : i32
      %dma_wait3A_45 = arith.constant 0 : i32
      %dma_wait3A_46 = tpu.memref_slice %arg8[%dma_wait3A_44, %dma_wait3A_45] : memref<10000x16xf32, #tpu.memory_space<vmem_shared>> -> memref<10000x16xf32, #tpu.memory_space<vmem_shared>>
      tpu.wait_indirect_dma semaphore(%arg9 : memref<!tpu.dma_semaphore, #tpu.memory_space<semaphore_mem>>) src(%arg7 : memref<100x16xf32, #tpu.memory_space<vmem>>) dst(%dma_wait3A_46 : memref<10000x16xf32, #tpu.memory_space<vmem_shared>>)
      %dma_wait3A_47 = arith.constant 0 : i32
      %dma_wait3A_48 = tpu.memref_slice %arg6[%add3A_35, %dma_wait3A_47] : memref<100x100xi32, #tpu.memory_space<vmem>> -> memref<1x100xi32, #tpu.memory_space<vmem>>
      %dma_wait3A_49 = tpu.memref_squeeze %dma_wait3A_48 : memref<1x100xi32, #tpu.memory_space<vmem>> -> memref<100xi32, #tpu.memory_space<vmem>>
      %dma_wait3A_50 = arith.constant 0 : i32
      %dma_wait3A_51 = arith.constant 0 : i32
      %dma_wait3A_52 = tpu.memref_slice %arg8[%dma_wait3A_50, %dma_wait3A_51] : memref<10000x16xf32, #tpu.memory_space<vmem_shared>> -> memref<10000x16xf32, #tpu.memory_space<vmem_shared>>
      tpu.wait_indirect_dma semaphore(%arg10 : memref<!tpu.dma_semaphore, #tpu.memory_space<semaphore_mem>>) src(%arg7 : memref<100x16xf32, #tpu.memory_space<vmem>>) dst(%dma_wait3A_52 : memref<10000x16xf32, #tpu.memory_space<vmem_shared>>)
    }
    %scan3A_13 = arith.constant 50 : i32
    %barrier3A_14 = arith.constant 0 : index
    tpu.barrier barrier_id(%barrier3A_14)
    %lt3A_15 = arith.constant 15 : i32
    %lt3A_16 = arith.cmpi slt, %arg1, %lt3A_15 : i32
    %convert_element_type3A_17 = arith.extui %lt3A_16 : i1 to i32
    %cond3A_18 = arith.constant 0 : i32
    %cond3A_19 = arith.cmpi ne, %convert_element_type3A_17, %cond3A_18 : i32
    scf.if %cond3A_19 {
      "tpu.region"() ({
        %run_scoped3A_25 = tpu.sem_alloc : memref<!tpu.dma_semaphore, #tpu.memory_space<semaphore_mem>>
        %dma_start3A = arith.constant 0 : i32
        %dma_start3A_26 = tpu.memref_slice %arg5[%arg0, %mul3A_0, %dma_start3A] : memref<2x10000x16xf32, #tpu.memory_space<hbm>> -> memref<1x624x16xf32, #tpu.memory_space<hbm>>
        %dma_start3A_27 = tpu.memref_squeeze %dma_start3A_26 : memref<1x624x16xf32, #tpu.memory_space<hbm>> -> memref<624x16xf32, #tpu.memory_space<hbm>>
        %dma_start3A_28 = arith.constant 0 : i32
        %dma_start3A_29 = tpu.memref_slice %arg8[%mul3A_0, %dma_start3A_28] : memref<10000x16xf32, #tpu.memory_space<vmem_shared>> -> memref<624x16xf32, #tpu.memory_space<vmem_shared>>
        tpu.enqueue_dma source(%dma_start3A_29 : memref<624x16xf32, #tpu.memory_space<vmem_shared>>) target(%dma_start3A_27 : memref<624x16xf32, #tpu.memory_space<hbm>>) target_semaphore(%run_scoped3A_25 : memref<!tpu.dma_semaphore, #tpu.memory_space<semaphore_mem>>)
        %dma_wait3A = arith.constant 0 : i32
        %dma_wait3A_30 = tpu.memref_slice %arg5[%arg0, %mul3A_0, %dma_wait3A] : memref<2x10000x16xf32, #tpu.memory_space<hbm>> -> memref<1x624x16xf32, #tpu.memory_space<hbm>>
        %dma_wait3A_31 = tpu.memref_squeeze %dma_wait3A_30 : memref<1x624x16xf32, #tpu.memory_space<hbm>> -> memref<624x16xf32, #tpu.memory_space<hbm>>
        %dma_wait3A_32 = arith.constant 0 : i32
        %dma_wait3A_33 = tpu.memref_slice %arg8[%mul3A_0, %dma_wait3A_32] : memref<10000x16xf32, #tpu.memory_space<vmem_shared>> -> memref<624x16xf32, #tpu.memory_space<vmem_shared>>
        tpu.wait_dma2 semaphore(%run_scoped3A_25 : memref<!tpu.dma_semaphore, #tpu.memory_space<semaphore_mem>>) src(%dma_wait3A_33 : memref<624x16xf32, #tpu.memory_space<vmem_shared>>) dst(%dma_wait3A_31 : memref<624x16xf32, #tpu.memory_space<hbm>>)
        tpu.yield
      }) : () -> ()
    } else {
    }
    %eq3A_20 = arith.constant 15 : i32
    %eq3A_21 = arith.cmpi eq, %arg1, %eq3A_20 : i32
    %convert_element_type3A_22 = arith.extui %eq3A_21 : i1 to i32
    %cond3A_23 = arith.constant 0 : i32
    %cond3A_24 = arith.cmpi ne, %convert_element_type3A_22, %cond3A_23 : i32
    scf.if %cond3A_24 {
      "tpu.region"() ({
        %run_scoped3A_25 = tpu.sem_alloc : memref<!tpu.dma_semaphore, #tpu.memory_space<semaphore_mem>>
        %dma_start3A = arith.constant 9360 : i32
        %dma_start3A_26 = arith.constant 0 : i32
        %dma_start3A_27 = tpu.memref_slice %arg5[%arg0, %dma_start3A, %dma_start3A_26] : memref<2x10000x16xf32, #tpu.memory_space<hbm>> -> memref<1x640x16xf32, #tpu.memory_space<hbm>>
        %dma_start3A_28 = tpu.memref_squeeze %dma_start3A_27 : memref<1x640x16xf32, #tpu.memory_space<hbm>> -> memref<640x16xf32, #tpu.memory_space<hbm>>
        %dma_start3A_29 = arith.constant 9360 : i32
        %dma_start3A_30 = arith.constant 0 : i32
        %dma_start3A_31 = tpu.memref_slice %arg8[%dma_start3A_29, %dma_start3A_30] : memref<10000x16xf32, #tpu.memory_space<vmem_shared>> -> memref<640x16xf32, #tpu.memory_space<vmem_shared>>
        tpu.enqueue_dma source(%dma_start3A_31 : memref<640x16xf32, #tpu.memory_space<vmem_shared>>) target(%dma_start3A_28 : memref<640x16xf32, #tpu.memory_space<hbm>>) target_semaphore(%run_scoped3A_25 : memref<!tpu.dma_semaphore, #tpu.memory_space<semaphore_mem>>)
        %dma_wait3A = arith.constant 9360 : i32
        %dma_wait3A_32 = arith.constant 0 : i32
        %dma_wait3A_33 = tpu.memref_slice %arg5[%arg0, %dma_wait3A, %dma_wait3A_32] : memref<2x10000x16xf32, #tpu.memory_space<hbm>> -> memref<1x640x16xf32, #tpu.memory_space<hbm>>
        %dma_wait3A_34 = tpu.memref_squeeze %dma_wait3A_33 : memref<1x640x16xf32, #tpu.memory_space<hbm>> -> memref<640x16xf32, #tpu.memory_space<hbm>>
        %dma_wait3A_35 = arith.constant 9360 : i32
        %dma_wait3A_36 = arith.constant 0 : i32
        %dma_wait3A_37 = tpu.memref_slice %arg8[%dma_wait3A_35, %dma_wait3A_36] : memref<10000x16xf32, #tpu.memory_space<vmem_shared>> -> memref<640x16xf32, #tpu.memory_space<vmem_shared>>
        tpu.wait_dma2 semaphore(%run_scoped3A_25 : memref<!tpu.dma_semaphore, #tpu.memory_space<semaphore_mem>>) src(%dma_wait3A_37 : memref<640x16xf32, #tpu.memory_space<vmem_shared>>) dst(%dma_wait3A_34 : memref<640x16xf32, #tpu.memory_space<hbm>>)
        tpu.yield
      }) : () -> ()
    } else {
    }
    return
  }
}

module attributes {stable_mosaic.version = 14 : i64} {
  func.func @_mm_body(%arg0: i32, %arg1: memref<2000x128xf32, #tpu.memory_space<vmem>>, %arg2: memref<128x128xf32, #tpu.memory_space<vmem>>, %arg3: memref<2x2000x16xf32, #tpu.memory_space<vmem>>, %arg4: memref<2000x64xbf16, #tpu.memory_space<vmem>>, %arg5: memref<2000x64xbf16, #tpu.memory_space<vmem>>) attributes {dimension_semantics = [#tpu.dimension_semantics<arbitrary>], iteration_bounds = array<i64: 5>, scalar_prefetch = 0 : i64, scratch_operands = 0 : i64, tpu.core_type = #tpu.core_type<tc>, window_params = [{transform_indices = @transform_0, window_bounds = array<i64: 2000, 128>}, {pipeline_mode = #tpu.pipeline_mode<synchronous>, transform_indices = @transform_1, window_bounds = array<i64: 128, 128>}, {transform_indices = @transform_2, window_bounds = array<i64: 2, 2000, 16>}, {transform_indices = @transform_3, window_bounds = array<i64: 2000, 64>}, {transform_indices = @transform_4, window_bounds = array<i64: 2000, 64>}]} {
    %get3A = arith.constant 0 : index
    %get3A_0 = arith.constant 0 : index
    %get3A_1 = arith.constant 0 : index
    %get3A_2 = vector.load %arg3[%get3A, %get3A_0, %get3A_1] : memref<2x2000x16xf32, #tpu.memory_space<vmem>>, vector<1x2000x1xf32>
    %get3A_3 = vector.shape_cast %get3A_2 : vector<1x2000x1xf32> to vector<2000x1xf32>
    %get3A_4 = arith.constant 1 : index
    %get3A_5 = arith.constant 0 : index
    %get3A_6 = arith.constant 0 : index
    %get3A_7 = vector.load %arg3[%get3A_4, %get3A_5, %get3A_6] : memref<2x2000x16xf32, #tpu.memory_space<vmem>>, vector<1x2000x1xf32>
    %get3A_8 = vector.shape_cast %get3A_7 : vector<1x2000x1xf32> to vector<2000x1xf32>
    %add3A = arith.addf %get3A_3, %get3A_8 : vector<2000x1xf32>
    %add3A_9 = arith.constant 1.000000e+00 : f32
    %add3A_10 = vector.broadcast %add3A_9 : f32 to vector<2000x1xf32>
    %add3A_11 = arith.addf %add3A, %add3A_10 : vector<2000x1xf32>
    %rsqrt3A = math.rsqrt %add3A_11 : vector<2000x1xf32>
    %get3A_12 = arith.constant 0 : index
    %get3A_13 = arith.constant 0 : index
    %get3A_14 = vector.load %arg1[%get3A_12, %get3A_13] : memref<2000x128xf32, #tpu.memory_space<vmem>>, vector<2000x128xf32>
    %get3A_15 = arith.constant 0 : index
    %get3A_16 = arith.constant 0 : index
    %get3A_17 = vector.load %arg2[%get3A_15, %get3A_16] : memref<128x128xf32, #tpu.memory_space<vmem>>, vector<128x128xf32>
    %dot_general3A = arith.constant dense<0.000000e+00> : vector<2000x128xf32>
    %dot_general3A_18 = tpu.matmul %get3A_14, %get3A_17, %dot_general3A {dimension_numbers = #tpu.dot_dimension_numbers<[1], [0], [0], [1], [0, 0, 1, 1], [], []>, precision = #tpu.contract_precision<fp32>, transpose_lhs_hint = false} : vector<2000x128xf32>, vector<128x128xf32>, vector<2000x128xf32> -> vector<2000x128xf32>
    %mul3A = vector.broadcast %rsqrt3A : vector<2000x1xf32> to vector<2000x128xf32>
    %mul3A_19 = arith.mulf %dot_general3A_18, %mul3A : vector<2000x128xf32>
    %convert_element_type3A = arith.truncf %mul3A_19 : vector<2000x128xf32> to vector<2000x128xbf16>
    %slice3A = vector.extract_strided_slice %convert_element_type3A {offsets = [0, 0], sizes = [2000, 64], strides = [1, 1]} : vector<2000x128xbf16> to vector<2000x64xbf16>
    %swap3A = arith.constant 0 : index
    %swap3A_20 = arith.constant 0 : index
    %swap3A_21 = vector.load %arg4[%swap3A, %swap3A_20] : memref<2000x64xbf16, #tpu.memory_space<vmem>>, vector<2000x64xbf16>
    tpu.vector_store %arg4[%swap3A, %swap3A_20], %slice3A {strides = array<i32>} : memref<2000x64xbf16, #tpu.memory_space<vmem>>, vector<2000x64xbf16>,
    %slice3A_22 = vector.extract_strided_slice %convert_element_type3A {offsets = [0, 64], sizes = [2000, 64], strides = [1, 1]} : vector<2000x128xbf16> to vector<2000x64xbf16>
    %swap3A_23 = arith.constant 0 : index
    %swap3A_24 = arith.constant 0 : index
    %swap3A_25 = vector.load %arg5[%swap3A_23, %swap3A_24] : memref<2000x64xbf16, #tpu.memory_space<vmem>>, vector<2000x64xbf16>
    tpu.vector_store %arg5[%swap3A_23, %swap3A_24], %slice3A_22 {strides = array<i32>} : memref<2000x64xbf16, #tpu.memory_space<vmem>>, vector<2000x64xbf16>,
    return
  }
  func.func @transform_0(%arg0: i32) -> (i32, i32) {
    %c0_i32 = arith.constant 0 : i32
    %c0_i32_0 = arith.constant 0 : i32
    return %arg0, %c0_i32 : i32, i32
  }
  func.func @transform_1(%arg0: i32) -> (i32, i32) {
    %c0_i32 = arith.constant 0 : i32
    %c0_i32_0 = arith.constant 0 : i32
    %c0_i32_1 = arith.constant 0 : i32
    return %c0_i32, %c0_i32_0 : i32, i32
  }
  func.func @transform_2(%arg0: i32) -> (i32, i32, i32) {
    %c0_i32 = arith.constant 0 : i32
    %c0_i32_0 = arith.constant 0 : i32
    %c0_i32_1 = arith.constant 0 : i32
    return %c0_i32, %arg0, %c0_i32_0 : i32, i32, i32
  }
  func.func @transform_3(%arg0: i32) -> (i32, i32) {
    %c0_i32 = arith.constant 0 : i32
    %c0_i32_0 = arith.constant 0 : i32
    return %arg0, %c0_i32 : i32, i32
  }
  func.func @transform_4(%arg0: i32) -> (i32, i32) {
    %c0_i32 = arith.constant 0 : i32
    %c0_i32_0 = arith.constant 0 : i32
    return %arg0, %c0_i32 : i32, i32
  }
}

module attributes {stable_mosaic.version = 14 : i64} {
  func.func @_head_body(%arg0: i32, %arg1: memref<2000x64xbf16, #tpu.memory_space<vmem>>, %arg2: memref<2000x64xbf16, #tpu.memory_space<vmem>>, %arg3: memref<2x2000x16xf32, #tpu.memory_space<vmem>>, %arg4: memref<1x1x2000xi32, #tpu.memory_space<vmem>>, %arg5: memref<3x128xf32, #tpu.memory_space<vmem>>, %arg6: memref<128x16xf32, #tpu.memory_space<vmem>>, %arg7: memref<1x16xf32, #tpu.memory_space<vmem>>, %arg8: memref<64x16xf32, #tpu.memory_space<vmem>>, %arg9: memref<1x128xf32, #tpu.memory_space<vmem>>, %arg10: memref<1x128xf32, #tpu.memory_space<vmem>>, %arg11: memref<64x128xf32, #tpu.memory_space<vmem>>) attributes {dimension_semantics = [#tpu.dimension_semantics<arbitrary>], iteration_bounds = array<i64: 10>, scalar_prefetch = 0 : i64, scratch_operands = 3 : i64, tpu.core_type = #tpu.core_type<tc>, window_params = [{transform_indices = @transform_0, window_bounds = array<i64: 2000, 64>}, {transform_indices = @transform_1, window_bounds = array<i64: 2000, 64>}, {transform_indices = @transform_2, window_bounds = array<i64: 2, 2000, 16>}, {transform_indices = @transform_3, window_bounds = array<i64: 1, 1, 2000>}, {pipeline_mode = #tpu.pipeline_mode<synchronous>, transform_indices = @transform_4, window_bounds = array<i64: 3, 128>}, {pipeline_mode = #tpu.pipeline_mode<synchronous>, transform_indices = @transform_5, window_bounds = array<i64: 128, 16>}, {pipeline_mode = #tpu.pipeline_mode<synchronous>, transform_indices = @transform_6, window_bounds = array<i64: 1, 16>}, {pipeline_mode = #tpu.pipeline_mode<synchronous>, transform_indices = @transform_7, window_bounds = array<i64: 64, 16>}]} {
    %get3A = arith.constant 0 : index
    %get3A_0 = arith.constant 0 : index
    %get3A_1 = arith.constant 0 : index
    %get3A_2 = vector.load %arg3[%get3A, %get3A_0, %get3A_1] : memref<2x2000x16xf32, #tpu.memory_space<vmem>>, vector<1x2000x1xf32>
    %get3A_3 = vector.shape_cast %get3A_2 : vector<1x2000x1xf32> to vector<2000x1xf32>
    %get3A_4 = arith.constant 1 : index
    %get3A_5 = arith.constant 0 : index
    %get3A_6 = arith.constant 0 : index
    %get3A_7 = vector.load %arg3[%get3A_4, %get3A_5, %get3A_6] : memref<2x2000x16xf32, #tpu.memory_space<vmem>>, vector<1x2000x1xf32>
    %get3A_8 = vector.shape_cast %get3A_7 : vector<1x2000x1xf32> to vector<2000x1xf32>
    %add3A = arith.addf %get3A_3, %get3A_8 : vector<2000x1xf32>
    %add3A_9 = arith.constant 1.000000e+00 : f32
    %add3A_10 = vector.broadcast %add3A_9 : f32 to vector<2000x1xf32>
    %add3A_11 = arith.addf %add3A, %add3A_10 : vector<2000x1xf32>
    %rsqrt3A = math.rsqrt %add3A_11 : vector<2000x1xf32>
    %get3A_12 = arith.constant 0 : index
    %get3A_13 = arith.constant 0 : index
    %get3A_14 = vector.load %arg1[%get3A_12, %get3A_13] : memref<2000x64xbf16, #tpu.memory_space<vmem>>, vector<2000x64xbf16>
    %get3A_15 = arith.constant 0 : index
    %get3A_16 = arith.constant 0 : index
    %get3A_17 = vector.load %arg2[%get3A_15, %get3A_16] : memref<2000x64xbf16, #tpu.memory_space<vmem>>, vector<2000x64xbf16>
    %concatenate3A = tpu.concatenate %get3A_14, %get3A_17 in 1 : vector<2000x64xbf16>, vector<2000x64xbf16> -> vector<2000x128xbf16>
    %convert_element_type3A = arith.extf %concatenate3A : vector<2000x128xbf16> to vector<2000x128xf32>
    %mul3A = vector.broadcast %rsqrt3A : vector<2000x1xf32> to vector<2000x128xf32>
    %mul3A_18 = arith.mulf %mul3A, %convert_element_type3A : vector<2000x128xf32>
    %get3A_19 = arith.constant 0 : index
    %get3A_20 = arith.constant 0 : index
    %get3A_21 = vector.load %arg5[%get3A_19, %get3A_20] : memref<3x128xf32, #tpu.memory_space<vmem>>, vector<1x128xf32>
    %add3A_22 = vector.broadcast %get3A_21 : vector<1x128xf32> to vector<2000x128xf32>
    %add3A_23 = arith.addf %mul3A_18, %add3A_22 : vector<2000x128xf32>
    %eq3A = arith.constant 0 : i32
    %eq3A_24 = arith.cmpi eq, %arg0, %eq3A : i32
    %convert_element_type3A_25 = arith.extui %eq3A_24 : i1 to i32
    %cond3A = arith.constant 0 : i32
    %cond3A_26 = arith.cmpi ne, %convert_element_type3A_25, %cond3A : i32
    scf.if %cond3A_26 {
      %broadcast_in_dim3A = arith.constant 0.000000e+00 : f32
      %broadcast_in_dim3A_40 = vector.broadcast %broadcast_in_dim3A : f32 to vector<1x128xf32>
      %swap3A = arith.constant 0 : index
      %swap3A_41 = arith.constant 0 : index
      %swap3A_42 = vector.load %arg9[%swap3A, %swap3A_41] : memref<1x128xf32, #tpu.memory_space<vmem>>, vector<1x128xf32>
      tpu.vector_store %arg9[%swap3A, %swap3A_41], %broadcast_in_dim3A_40 {strides = array<i32>} : memref<1x128xf32, #tpu.memory_space<vmem>>, vector<1x128xf32>,
      %broadcast_in_dim3A_43 = arith.constant 0.000000e+00 : f32
      %broadcast_in_dim3A_44 = vector.broadcast %broadcast_in_dim3A_43 : f32 to vector<1x128xf32>
      %swap3A_45 = arith.constant 0 : index
      %swap3A_46 = arith.constant 0 : index
      %swap3A_47 = vector.load %arg10[%swap3A_45, %swap3A_46] : memref<1x128xf32, #tpu.memory_space<vmem>>, vector<1x128xf32>
      tpu.vector_store %arg10[%swap3A_45, %swap3A_46], %broadcast_in_dim3A_44 {strides = array<i32>} : memref<1x128xf32, #tpu.memory_space<vmem>>, vector<1x128xf32>,
      %broadcast_in_dim3A_48 = arith.constant 0.000000e+00 : f32
      %broadcast_in_dim3A_49 = vector.broadcast %broadcast_in_dim3A_48 : f32 to vector<64x128xf32>
      %swap3A_50 = arith.constant 0 : index
      %swap3A_51 = arith.constant 0 : index
      %swap3A_52 = vector.load %arg11[%swap3A_50, %swap3A_51] : memref<64x128xf32, #tpu.memory_space<vmem>>, vector<64x128xf32>
      tpu.vector_store %arg11[%swap3A_50, %swap3A_51], %broadcast_in_dim3A_49 {strides = array<i32>} : memref<64x128xf32, #tpu.memory_space<vmem>>, vector<64x128xf32>,
    } else {
    }
    %lt3A = arith.constant 5 : i32
    %lt3A_27 = arith.cmpi slt, %arg0, %lt3A : i32
    %convert_element_type3A_28 = arith.extui %lt3A_27 : i1 to i32
    %cond3A_29 = arith.constant 0 : i32
    %cond3A_30 = arith.cmpi ne, %convert_element_type3A_28, %cond3A_29 : i32
    scf.if %cond3A_30 {
      %get3A_40 = arith.constant 0 : index
      %get3A_41 = arith.constant 0 : index
      %get3A_42 = vector.load %arg9[%get3A_40, %get3A_41] : memref<1x128xf32, #tpu.memory_space<vmem>>, vector<1x128xf32>
      %reduce_sum3A = arith.constant dense<0.000000e+00> : vector<128xf32>
      %reduce_sum3A_43 = vector.multi_reduction <add>, %add3A_23, %reduce_sum3A [0] : vector<2000x128xf32> to vector<128xf32>
      %broadcast_in_dim3A = vector.shape_cast %reduce_sum3A_43 : vector<128xf32> to vector<1x128xf32>
      %add3A_44 = arith.addf %get3A_42, %broadcast_in_dim3A : vector<1x128xf32>
      %swap3A = arith.constant 0 : index
      %swap3A_45 = arith.constant 0 : index
      %swap3A_46 = vector.load %arg9[%swap3A, %swap3A_45] : memref<1x128xf32, #tpu.memory_space<vmem>>, vector<1x128xf32>
      tpu.vector_store %arg9[%swap3A, %swap3A_45], %add3A_44 {strides = array<i32>} : memref<1x128xf32, #tpu.memory_space<vmem>>, vector<1x128xf32>,
      %get3A_47 = arith.constant 0 : index
      %get3A_48 = arith.constant 0 : index
      %get3A_49 = vector.load %arg10[%get3A_47, %get3A_48] : memref<1x128xf32, #tpu.memory_space<vmem>>, vector<1x128xf32>
      %mul3A_50 = arith.mulf %add3A_23, %add3A_23 : vector<2000x128xf32>
      %reduce_sum3A_51 = arith.constant dense<0.000000e+00> : vector<128xf32>
      %reduce_sum3A_52 = vector.multi_reduction <add>, %mul3A_50, %reduce_sum3A_51 [0] : vector<2000x128xf32> to vector<128xf32>
      %broadcast_in_dim3A_53 = vector.shape_cast %reduce_sum3A_52 : vector<128xf32> to vector<1x128xf32>
      %add3A_54 = arith.addf %get3A_49, %broadcast_in_dim3A_53 : vector<1x128xf32>
      %swap3A_55 = arith.constant 0 : index
      %swap3A_56 = arith.constant 0 : index
      %swap3A_57 = vector.load %arg10[%swap3A_55, %swap3A_56] : memref<1x128xf32, #tpu.memory_space<vmem>>, vector<1x128xf32>
      tpu.vector_store %arg10[%swap3A_55, %swap3A_56], %add3A_54 {strides = array<i32>} : memref<1x128xf32, #tpu.memory_space<vmem>>, vector<1x128xf32>,
    } else {
    }
    %ge3A = arith.constant 5 : i32
    %ge3A_31 = arith.cmpi sge, %arg0, %ge3A : i32
    %convert_element_type3A_32 = arith.extui %ge3A_31 : i1 to i32
    %cond3A_33 = arith.constant 0 : i32
    %cond3A_34 = arith.cmpi ne, %convert_element_type3A_32, %cond3A_33 : i32
    scf.if %cond3A_34 {
      %get3A_40 = arith.constant 0 : index
      %get3A_41 = arith.constant 0 : index
      %get3A_42 = vector.load %arg9[%get3A_40, %get3A_41] : memref<1x128xf32, #tpu.memory_space<vmem>>, vector<1x128xf32>
      %mul3A_43 = arith.constant 9.99999974E-5 : f32
      %mul3A_44 = vector.broadcast %mul3A_43 : f32 to vector<1x128xf32>
      %mul3A_45 = arith.mulf %get3A_42, %mul3A_44 : vector<1x128xf32>
      %get3A_46 = arith.constant 0 : index
      %get3A_47 = arith.constant 0 : index
      %get3A_48 = vector.load %arg10[%get3A_46, %get3A_47] : memref<1x128xf32, #tpu.memory_space<vmem>>, vector<1x128xf32>
      %mul3A_49 = arith.constant 9.99999974E-5 : f32
      %mul3A_50 = vector.broadcast %mul3A_49 : f32 to vector<1x128xf32>
      %mul3A_51 = arith.mulf %get3A_48, %mul3A_50 : vector<1x128xf32>
      %mul3A_52 = arith.mulf %mul3A_45, %mul3A_45 : vector<1x128xf32>
      %sub3A = arith.subf %mul3A_51, %mul3A_52 : vector<1x128xf32>
      %sub3A_53 = vector.broadcast %mul3A_45 : vector<1x128xf32> to vector<2000x128xf32>
      %sub3A_54 = arith.subf %add3A_23, %sub3A_53 : vector<2000x128xf32>
      %add3A_55 = arith.constant 9.99999974E-6 : f32
      %add3A_56 = vector.broadcast %add3A_55 : f32 to vector<1x128xf32>
      %add3A_57 = arith.addf %sub3A, %add3A_56 : vector<1x128xf32>
      %rsqrt3A_58 = math.rsqrt %add3A_57 : vector<1x128xf32>
      %mul3A_59 = vector.broadcast %rsqrt3A_58 : vector<1x128xf32> to vector<2000x128xf32>
      %mul3A_60 = arith.mulf %sub3A_54, %mul3A_59 : vector<2000x128xf32>
      %get3A_61 = arith.constant 1 : index
      %get3A_62 = arith.constant 0 : index
      %get3A_63 = vector.load %arg5[%get3A_61, %get3A_62] : memref<3x128xf32, #tpu.memory_space<vmem>>, vector<1x128xf32>
      %mul3A_64 = vector.broadcast %get3A_63 : vector<1x128xf32> to vector<2000x128xf32>
      %mul3A_65 = arith.mulf %mul3A_60, %mul3A_64 : vector<2000x128xf32>
      %get3A_66 = arith.constant 2 : index
      %get3A_67 = arith.constant 0 : index
      %get3A_68 = vector.load %arg5[%get3A_66, %get3A_67] : memref<3x128xf32, #tpu.memory_space<vmem>>, vector<1x128xf32>
      %add3A_69 = vector.broadcast %get3A_68 : vector<1x128xf32> to vector<2000x128xf32>
      %add3A_70 = arith.addf %mul3A_65, %add3A_69 : vector<2000x128xf32>
      %max3A = arith.constant 0.000000e+00 : f32
      %max3A_71 = vector.broadcast %max3A : f32 to vector<2000x128xf32>
      %max3A_72 = arith.maximumf %add3A_70, %max3A_71 : vector<2000x128xf32>
      %iota3A = tpu.iota {dimensions = array<i32: 0>} : vector<64x1xi32>
      %get3A_73 = arith.constant 0 : index
      %get3A_74 = arith.constant 0 : index
      %get3A_75 = arith.constant 0 : index
      %get3A_76 = vector.load %arg4[%get3A_73, %get3A_74, %get3A_75] : memref<1x1x2000xi32, #tpu.memory_space<vmem>>, vector<1x1x2000xi32>
      %get3A_77 = vector.shape_cast %get3A_76 : vector<1x1x2000xi32> to vector<1x2000xi32>
      %eq3A_78 = vector.broadcast %iota3A : vector<64x1xi32> to vector<64x2000xi32>
      %eq3A_79 = vector.broadcast %get3A_77 : vector<1x2000xi32> to vector<64x2000xi32>
      %eq3A_80 = arith.cmpi eq, %eq3A_78, %eq3A_79 : vector<64x2000xi32>
      %convert_element_type3A_81 = arith.extui %eq3A_80 : vector<64x2000xi1> to vector<64x2000xi32>
      %convert_element_type3A_82 = arith.sitofp %convert_element_type3A_81 : vector<64x2000xi32> to vector<64x2000xf32>
      %get3A_83 = arith.constant 0 : index
      %get3A_84 = arith.constant 0 : index
      %get3A_85 = vector.load %arg11[%get3A_83, %get3A_84] : memref<64x128xf32, #tpu.memory_space<vmem>>, vector<64x128xf32>
      %dot_general3A = arith.constant dense<0.000000e+00> : vector<64x128xf32>
      %dot_general3A_86 = tpu.matmul %convert_element_type3A_82, %max3A_72, %dot_general3A {dimension_numbers = #tpu.dot_dimension_numbers<[1], [0], [0], [1], [0, 0, 1, 1], [], []>, precision = #tpu.contract_precision<fp32>, transpose_lhs_hint = false} : vector<64x2000xf32>, vector<2000x128xf32>, vector<64x128xf32> -> vector<64x128xf32>
      %add3A_87 = arith.addf %get3A_85, %dot_general3A_86 : vector<64x128xf32>
      %swap3A = arith.constant 0 : index
      %swap3A_88 = arith.constant 0 : index
      %swap3A_89 = vector.load %arg11[%swap3A, %swap3A_88] : memref<64x128xf32, #tpu.memory_space<vmem>>, vector<64x128xf32>
      tpu.vector_store %arg11[%swap3A, %swap3A_88], %add3A_87 {strides = array<i32>} : memref<64x128xf32, #tpu.memory_space<vmem>>, vector<64x128xf32>,
    } else {
    }
    %eq3A_35 = arith.constant 9 : i32
    %eq3A_36 = arith.cmpi eq, %arg0, %eq3A_35 : i32
    %convert_element_type3A_37 = arith.extui %eq3A_36 : i1 to i32
    %cond3A_38 = arith.constant 0 : i32
    %cond3A_39 = arith.cmpi ne, %convert_element_type3A_37, %cond3A_38 : i32
    scf.if %cond3A_39 {
      %get3A_40 = arith.constant 0 : index
      %get3A_41 = arith.constant 0 : index
      %get3A_42 = vector.load %arg11[%get3A_40, %get3A_41] : memref<64x128xf32, #tpu.memory_space<vmem>>, vector<64x128xf32>
      %get3A_43 = arith.constant 0 : index
      %get3A_44 = arith.constant 0 : index
      %get3A_45 = vector.load %arg6[%get3A_43, %get3A_44] : memref<128x16xf32, #tpu.memory_space<vmem>>, vector<128x16xf32>
      %dot_general3A = arith.constant dense<0.000000e+00> : vector<64x16xf32>
      %dot_general3A_46 = tpu.matmul %get3A_42, %get3A_45, %dot_general3A {dimension_numbers = #tpu.dot_dimension_numbers<[1], [0], [0], [1], [0, 0, 1, 1], [], []>, precision = #tpu.contract_precision<fp32>, transpose_lhs_hint = false} : vector<64x128xf32>, vector<128x16xf32>, vector<64x16xf32> -> vector<64x16xf32>
      %get3A_47 = arith.constant 0 : index
      %get3A_48 = arith.constant 0 : index
      %get3A_49 = vector.load %arg7[%get3A_47, %get3A_48] : memref<1x16xf32, #tpu.memory_space<vmem>>, vector<1x16xf32>
      %add3A_50 = vector.broadcast %get3A_49 : vector<1x16xf32> to vector<64x16xf32>
      %add3A_51 = arith.addf %dot_general3A_46, %add3A_50 : vector<64x16xf32>
      %swap3A = arith.constant 0 : index
      %swap3A_52 = arith.constant 0 : index
      %swap3A_53 = vector.load %arg8[%swap3A, %swap3A_52] : memref<64x16xf32, #tpu.memory_space<vmem>>, vector<64x16xf32>
      tpu.vector_store %arg8[%swap3A, %swap3A_52], %add3A_51 {strides = array<i32>} : memref<64x16xf32, #tpu.memory_space<vmem>>, vector<64x16xf32>,
    } else {
    }
    return
  }
  func.func @transform_0(%arg0: i32) -> (i32, i32) {
    %jit3A = arith.constant 5 : i32
    %eq3A = arith.constant 0 : i32
    %eq3A_0 = arith.cmpi eq, %jit3A, %eq3A : i32
    %jit3A_1 = arith.constant 1 : i32
    %select_n3A = arith.select %eq3A_0, %jit3A_1, %jit3A : i32
    %rem3A = arith.remsi %arg0, %select_n3A : i32
    %ne3A = arith.constant 0 : i32
    %ne3A_2 = arith.cmpi ne, %rem3A, %ne3A : i32
    %lt3A = arith.constant 0 : i32
    %lt3A_3 = arith.cmpi slt, %rem3A, %lt3A : i32
    %lt3A_4 = arith.constant 0 : i32
    %lt3A_5 = arith.cmpi slt, %select_n3A, %lt3A_4 : i32
    %ne3A_6 = arith.xori %lt3A_3, %lt3A_5 : i1
    %and3A = arith.andi %ne3A_6, %ne3A_2 : i1
    %add3A = arith.addi %rem3A, %select_n3A : i32
    %select_n3A_7 = arith.select %and3A, %add3A, %rem3A : i32
    %c0_i32 = arith.constant 0 : i32
    %c0_i32_8 = arith.constant 0 : i32
    return %select_n3A_7, %c0_i32 : i32, i32
  }
  func.func @transform_1(%arg0: i32) -> (i32, i32) {
    %jit3A = arith.constant 5 : i32
    %eq3A = arith.constant 0 : i32
    %eq3A_0 = arith.cmpi eq, %jit3A, %eq3A : i32
    %jit3A_1 = arith.constant 1 : i32
    %select_n3A = arith.select %eq3A_0, %jit3A_1, %jit3A : i32
    %rem3A = arith.remsi %arg0, %select_n3A : i32
    %ne3A = arith.constant 0 : i32
    %ne3A_2 = arith.cmpi ne, %rem3A, %ne3A : i32
    %lt3A = arith.constant 0 : i32
    %lt3A_3 = arith.cmpi slt, %rem3A, %lt3A : i32
    %lt3A_4 = arith.constant 0 : i32
    %lt3A_5 = arith.cmpi slt, %select_n3A, %lt3A_4 : i32
    %ne3A_6 = arith.xori %lt3A_3, %lt3A_5 : i1
    %and3A = arith.andi %ne3A_6, %ne3A_2 : i1
    %add3A = arith.addi %rem3A, %select_n3A : i32
    %select_n3A_7 = arith.select %and3A, %add3A, %rem3A : i32
    %c0_i32 = arith.constant 0 : i32
    %c0_i32_8 = arith.constant 0 : i32
    return %select_n3A_7, %c0_i32 : i32, i32
  }
  func.func @transform_2(%arg0: i32) -> (i32, i32, i32) {
    %jit3A = arith.constant 5 : i32
    %eq3A = arith.constant 0 : i32
    %eq3A_0 = arith.cmpi eq, %jit3A, %eq3A : i32
    %jit3A_1 = arith.constant 1 : i32
    %select_n3A = arith.select %eq3A_0, %jit3A_1, %jit3A : i32
    %rem3A = arith.remsi %arg0, %select_n3A : i32
    %ne3A = arith.constant 0 : i32
    %ne3A_2 = arith.cmpi ne, %rem3A, %ne3A : i32
    %lt3A = arith.constant 0 : i32
    %lt3A_3 = arith.cmpi slt, %rem3A, %lt3A : i32
    %lt3A_4 = arith.constant 0 : i32
    %lt3A_5 = arith.cmpi slt, %select_n3A, %lt3A_4 : i32
    %ne3A_6 = arith.xori %lt3A_3, %lt3A_5 : i1
    %and3A = arith.andi %ne3A_6, %ne3A_2 : i1
    %add3A = arith.addi %rem3A, %select_n3A : i32
    %select_n3A_7 = arith.select %and3A, %add3A, %rem3A : i32
    %c0_i32 = arith.constant 0 : i32
    %c0_i32_8 = arith.constant 0 : i32
    %c0_i32_9 = arith.constant 0 : i32
    return %c0_i32, %select_n3A_7, %c0_i32_8 : i32, i32, i32
  }
  func.func @transform_3(%arg0: i32) -> (i32, i32, i32) {
    %jit3A = arith.constant 5 : i32
    %eq3A = arith.constant 0 : i32
    %eq3A_0 = arith.cmpi eq, %jit3A, %eq3A : i32
    %jit3A_1 = arith.constant 1 : i32
    %select_n3A = arith.select %eq3A_0, %jit3A_1, %jit3A : i32
    %rem3A = arith.remsi %arg0, %select_n3A : i32
    %ne3A = arith.constant 0 : i32
    %ne3A_2 = arith.cmpi ne, %rem3A, %ne3A : i32
    %lt3A = arith.constant 0 : i32
    %lt3A_3 = arith.cmpi slt, %rem3A, %lt3A : i32
    %lt3A_4 = arith.constant 0 : i32
    %lt3A_5 = arith.cmpi slt, %select_n3A, %lt3A_4 : i32
    %ne3A_6 = arith.xori %lt3A_3, %lt3A_5 : i1
    %and3A = arith.andi %ne3A_6, %ne3A_2 : i1
    %add3A = arith.addi %rem3A, %select_n3A : i32
    %select_n3A_7 = arith.select %and3A, %add3A, %rem3A : i32
    %c0_i32 = arith.constant 0 : i32
    %c0_i32_8 = arith.constant 0 : i32
    %c0_i32_9 = arith.constant 0 : i32
    return %select_n3A_7, %c0_i32, %c0_i32_8 : i32, i32, i32
  }
  func.func @transform_4(%arg0: i32) -> (i32, i32) {
    %c0_i32 = arith.constant 0 : i32
    %c0_i32_0 = arith.constant 0 : i32
    %c0_i32_1 = arith.constant 0 : i32
    return %c0_i32, %c0_i32_0 : i32, i32
  }
  func.func @transform_5(%arg0: i32) -> (i32, i32) {
    %c0_i32 = arith.constant 0 : i32
    %c0_i32_0 = arith.constant 0 : i32
    %c0_i32_1 = arith.constant 0 : i32
    return %c0_i32, %c0_i32_0 : i32, i32
  }
  func.func @transform_6(%arg0: i32) -> (i32, i32) {
    %c0_i32 = arith.constant 0 : i32
    %c0_i32_0 = arith.constant 0 : i32
    %c0_i32_1 = arith.constant 0 : i32
    return %c0_i32, %c0_i32_0 : i32, i32
  }
  func.func @transform_7(%arg0: i32) -> (i32, i32) {
    %c0_i32 = arith.constant 0 : i32
    %c0_i32_0 = arith.constant 0 : i32
    %c0_i32_1 = arith.constant 0 : i32
    return %c0_i32, %c0_i32_0 : i32, i32
  }
}

</mosaic_0001>

<sc_bundles>
// kernel: kernel.6.cloned.1.call-start
scs
__scs_entry_jumppad:
0x0: {  	(pc) =	sbr.rel $0x88, $3  }
0x1: {  	(tag) =	ssettag $0x0;
	lr =	simm.s32 $0x1  }
0x2: {  	[smem:$0x3F98] =	sst lr;
	_ =	strace $0xD0000000  }
0x3: {  	_ = 	snop  }
0x4: {  	_ = 	snop  }
0x5: {  	_ = 	snop  }
0x6: {  	_ = 	snop  }
0x7: {  	_ = 	snop  }
__scs_overlays_trampoline_lowered:
0x8: {  	[smem:$0x3FA7] =	sst s0  }
0x9: {  	[smem:$0x3FA8] =	sst s1  }
0xa: {  	[smem:$0x3FA9] =	sst s2  }
0xb: {  	[smem:$0x3FAA] =	sst s3  }
0xc: {  	[smem:$0x3FAB] =	sst s4  }
0xd: {  	[smem:$0x3FAC] =	sst s5  }
0xe: {  	[smem:$0x3FAD] =	sst s6  }
0xf: {  	[smem:$0x3FAE] =	sst s7  }
0x10: {  	[smem:$0x3FAF] =	sst s8  }
0x11: {  	[smem:$0x3FB0] =	sst s9;
	s0 =	simm.s32 @!p0 $0x0  }
0x12: {  	s1 =	sld [smem:$0x3F96];
	s0 =	simm.s32 @p0 $0x1  }
0x13: {  	[smem:$0x3FB1] =	sst s0;
	s0 =	simm.s32 @!p1 $0x0  }
0x14: {  	s2 =	sld [smem:$0x3F95];
	s0 =	simm.s32 @p1 $0x1  }
0x15: {  	[smem:$0x3FB2] =	sst s0;
	s0 =	simm.s32 @!p2 $0x0  }
0x16: {  	s3 =	sld [smem:$0x3FDB];
	s0 =	simm.s32 @p2 $0x1  }
0x17: {  	s4 =	simm.s32 $0x1BF5;
	[smem:$0x3FB4] =	sst s0  }
0x18: {  	s0 =	sld [smem:$0x3F97];
	_ =	swait.ge [sflag:s4], $0x0  }
0x19: {  	s7 =	sld [smem:$0x3F98]  }
0x1a: {  	s8 =	sadd.s32 $0xFFFFE003, lr  }
0x1b: {  	s9 =	sadd.s32 $0xFFFFFEF7, lr;
	s5 =	simm.s32 $0xFFFFFFFF;
	p2 =	slt.u32 s8, $0xFFFFF086  }
0x1c: {  	p1 =	slt.u32 s9, $0xF7A;
	s5 =	simm.s32 @!p2 $0x0  }
0x1d: {  	s5 =	simm.s32 @p1 $0x1;
	p0 =	seq.s32 s7, s2  }
0x1e: {  	s7 =	smul.u32 @!p0 $0xF7A, s2;
	p2 =	seq.s32 @!p0 s5, $0x0  }
0x1f: {  	s9 =	smul.u32 $0xF7A, s1;
	s8 =	simm.s32 @!p0 $0x1BF5;
	p2 =	por !p2, p0  }
0x20: {  	[sflag:s8] =	ssyncset.s32 @!p0 $0xFFFFF086;
	s6 =	sadd.s32 @!p0 s3, s7;
	s7 =	simm.s32 @!p0 $0x108  }
0x21: {  	s3 =	sadd.s32 s3, s9;
	s6 =	sadd.s32 @!p0 $0x88, s6;
	s7 =	simm.s32 @p2 $0x1082  }
0x22: {  	[simem:s7], [sflag:s8] =	dma.local @!p0 [hbm:s6], $0xF7A  }
0x23: {  	s9 =	sor.u32 $0xD0000000, s2;
	s6 =	simm.s32 $0x108;
	_ =	swait.ge @!p0 [sflag:s8], $0x0  }
0x24: {  	s3 =	sadd.s32 $0x88, s3;
	s6 =	simm.s32 @!p1 $0x1082;
	[sflag:s4] =	ssyncset.s32 $0xFFFFF086  }
0x25: {  	[simem:s6], [sflag:s4] =	dma.local [hbm:s3], $0xF7A  }
0x26: {  	[smem:$0x3F98] =	sst s1;
	(tag) =	ssettag s2;
	_ =	strace s9  }
0x27: {  	s1 =	sld [smem:$0x3FA8]  }
0x28: {  	s2 =	sld [smem:$0x3FA9]  }
0x29: {  	s4 =	sld [smem:$0x3FAB]  }
0x2a: {  	p0 =	seq.s32 s5, $0x0;
	s5 =	sld [smem:$0x3FAC]  }
0x2b: {  	s6 =	sld [smem:$0x3FAD]  }
0x2c: {  	s7 =	sld [smem:$0x3FAE]  }
0x2d: {  	s3 =	simm.s32 $0x108;
	s8 =	sld [smem:$0x3FAF]  }
0x2e: {  	s3 =	simm.s32 @!p0 $0x1082;
	s9 =	sld [smem:$0x3FB0]  }
0x2f: {  	lr =	sadd.s32 s0, s3;
	s0 =	sld [smem:$0x3FA7]  }
0x30: {  	s3 =	sld [smem:$0x3FAA]  }
0x31: {  	[smem:$0x3FB3] =	sst s10  }
0x32: {  	s10 =	sld [smem:$0x3FB1];
	_ =	sdelay $0x3  }
0x33: {  	p0 =	seq.s32 s10, $0x1;
	s10 =	sld [smem:$0x3FB3];
	_ =	sdelay $0x3  }
0x34: {  	[smem:$0x3FB3] =	sst s10  }
0x35: {  	s10 =	sld [smem:$0x3FB2];
	_ =	sdelay $0x3  }
0x36: {  	p1 =	seq.s32 s10, $0x1;
	s10 =	sld [smem:$0x3FB3];
	_ =	sdelay $0x3  }
0x37: {  	[smem:$0x3FB3] =	sst s10  }
0x38: {  	s10 =	sld [smem:$0x3FB4]  }
0x39: {  	_ = 	snop;
	(pc) =	sbr.ind lr, $3  }
0x3a: {  	_ = 	snop  }
0x3b: {  	_ = 	snop  }
0x3c: {  	p2 =	seq.s32 s10, $0x1;
	s10 =	sld [smem:$0x3FB3]  }
0x3d: {  	_ =	shalt  }
0x3e: {  	_ =	shalt  }
0x3f: {  	_ =	shalt  }
0x40: {  	_ =	shalt  }
0x41: {  	_ =	shalt  }
0x42: {  	_ =	shalt  }
0x43: {  	_ =	shalt  }
0x44: {  	_ =	shalt  }
0x45: {  	_ =	shalt  }
0x46: {  	_ =	shalt  }
0x47: {  	_ =	shalt  }
0x48: {  	_ =	shalt  }
0x49: {  	_ =	shalt  }
0x4a: {  	_ =	shalt  }
0x4b: {  	_ =	shalt  }
0x4c: {  	_ =	shalt  }
0x4d: {  	_ =	shalt  }
0x4e: {  	_ =	shalt  }
0x4f: {  	_ =	shalt  }
0x50: {  	_ =	shalt  }
0x51: {  	_ =	shalt  }
0x52: {  	_ =	shalt  }
0x53: {  	_ =	shalt  }
0x54: {  	_ =	shalt  }
0x55: {  	_ =	shalt  }
0x56: {  	_ =	shalt  }
0x57: {  	_ =	shalt  }
0x58: {  	_ =	shalt  }
0x59: {  	_ =	shalt  }
0x5a: {  	_ =	shalt  }
0x5b: {  	_ =	shalt  }
0x5c: {  	_ =	shalt  }
0x5d: {  	_ =	shalt  }
0x5e: {  	_ =	shalt  }
0x5f: {  	_ =	shalt  }
0x60: {  	_ =	shalt  }
0x61: {  	_ =	shalt  }
0x62: {  	_ =	shalt  }
0x63: {  	_ =	shalt  }
0x64: {  	_ =	shalt  }
0x65: {  	_ =	shalt  }
0x66: {  	_ =	shalt  }
0x67: {  	_ =	shalt  }
0x68: {  	_ =	shalt  }
0x69: {  	_ =	shalt  }
0x6a: {  	_ =	shalt  }
0x6b: {  	_ =	shalt  }
0x6c: {  	_ =	shalt  }
0x6d: {  	_ =	shalt  }
0x6e: {  	_ =	shalt  }
0x6f: {  	_ =	shalt  }
0x70: {  	_ =	shalt  }
0x71: {  	_ =	shalt  }
0x72: {  	_ =	shalt  }
0x73: {  	_ =	shalt  }
0x74: {  	_ =	shalt  }
0x75: {  	_ =	shalt  }
0x76: {  	_ =	shalt  }
0x77: {  	_ =	shalt  }
0x78: {  	_ =	shalt  }
0x79: {  	_ =	shalt  }
0x7a: {  	_ =	shalt  }
0x7b: {  	_ =	shalt  }
0x7c: {  	_ =	shalt  }
0x7d: {  	_ =	shalt  }
0x7e: {  	_ =	shalt  }
0x7f: {  	_ =	shalt  }
0x80: {  	_ =	shalt  }
0x81: {  	_ =	shalt  }
0x82: {  	_ =	shalt  }
0x83: {  	_ =	shalt  }
0x84: {  	_ =	shalt  }
0x85: {  	_ =	shalt  }
0x86: {  	_ =	shalt  }
0x87: {  	_ =	shalt  }
.Lfunc_end0:
.L_simem_size_0:
called_computation_lowered:
.L_overlay_start_0:
0x88: {  	s2 =	sld [smem:$0x3FD9]  }
0x89: {  	s3 =	sld [smem:$0x3FFE];
	_ =	sdelay $0x1  }
0x8a: {  	s1 =	srdreg.scid  }
0x8b: {  	s0 =	sand.u32 $0x1, s1  }
0x8c: {  	s17 =	sshll.u32 s0, $0xA;
	s2 =	sadd.s32 s3, s2  }
0x8d: {  	s2 =	sadd.s32 s2, s17  }
0x8e: {  	[smem:$0x3FBF] =	sst s2  }
0x8f: {  	_ = 	snop  }
0x90: {  	s2 =	sld [smem:$0x3FD0];
	(tm) =	ssettm $0x1  }
0x91: {  	s18 =	sld [smem:$0x3FFB];
	_ =	sdelay $0x3  }
0x92: {  	_ =	strace s18  }
0x93: {  	s3 =	sld [smem:$0x3FFC];
	_ =	sdelay $0x3  }
0x94: {  	_ =	strace s3  }
0x95: {  	s3 =	sld [smem:$0x3FFD];
	_ =	sdelay $0x3  }
0x96: {  	_ =	strace s3  }
0x97: {  	_ =	strace $0x8FFFFFFF  }
0x98: {  	s19 =	sld [smem:$0x3FDB];
	_ =	sdelay $0x1  }
0x99: {  	s4 =	simm.s32 $_scs_section_size  }
0x9a: {  	s5 =	simm.s32 $_size__tile_overlayer_lowered;
	s6 =	simm.s32 $_tile_overlayer_lowered  }
0x9b: {  	s22 =	simm.s32 $0x1BFF;
	s21 =	sshll.u32 s6, $0x1;
	s3 =	sadd.s32 s4, s19  }
0x9c: {  	s7 =	simm.s32 $0x0;
	s20 =	sshll.u32 s5, $0x1;
	s5 =	sadd.s32 s21, s3  }
0x9d: {  	[timem:s7], [sflag:s22] =	dma.local [hbm:s5], s20  }
0x9e: {  	_ =	swait.ge [sflag:s22], s20  }
0x9f: {  	s4 =	ssub.s32 $0x0, s20;
	[sflag:s22] =	ssyncset.done $0x0  }
0xa0: {  	[sflag:s22] =	ssyncadd.s32 s4;
	_ =	sdelay $0x1  }
0xa1: {  	s23 =	simm.s32 $0x1B8B  }
0xa2: {  	_ =	swait.ge [sflag:s23], $0x1  }
0xa3: {  	[sflag:s23] =	ssyncset.done $0x0  }
0xa4: {  	s25 =	simm.s32 $0x1B8E;
	s24 =	sld [smem:$0x3FFE];
	[sflag:s23] =	ssyncadd.s32 $0xFFFFFFFF  }
0xa5: {  	s26 =	simm.s32 $execute0_lowered;
	[smem:$0x3FD2] =	sst s25  }
0xa6: {  	s5 =	sshll.u32 s26, $0x1;
	_ =	strace $0x80000046;
	[dreg:$0x1] =	wrdreg $0xFFFFFFFF  }
0xa7: {  	s28 =	simm.s32 $_size_execute0_lowered;
	s3 =	sadd.s32 s3, s5;
	[dreg:$0x0] =	wrdreg $0x0  }
0xa8: {  	s5 =	sshll.u32 s28, $0x1;
	[dreg:$0x2] =	wrdreg s3  }
0xa9: {  	[dreg:$0x3] =	wrdreg s5  }
0xaa: {  	[dreg:$0x4] =	wrdreg $0xC0  }
0xab: {  	_ =	task [dreg:s7], $0x5FFFF  }
0xac: {  	[dreg:$0x1] =	wrdreg $0xFFFFFFFF  }
0xad: {  	[dreg:$0x0] =	wrdreg $0x60  }
0xae: {  	[dreg:$0x2] =	wrdreg s24  }
0xaf: {  	[dreg:$0x3] =	wrdreg s2  }
0xb0: {  	[dreg:$0x4] =	wrdreg $0x2EE00  }
0xb1: {  	[dreg:$0x5] =	wrdreg $0x9  }
0xb2: {  	_ =	task.clear_ibuf [dreg:s7], $0x6FFFF;
	_ =	strace $0x90000046  }
0xb3: {  	s29 =	simm.s32 $0x9;
	_ =	strace $0x80000048  }
0xb4: {  	_ =	swait.ge [sflag:s29], $0x1  }
0xb5: {  	[sflag:s29] =	ssyncadd.s32 $0xFFFFFFFF  }
0xb6: {  	_ =	strace $0x90000048  }
0xb7: {  	_ =	sfence  }
0xb8: {  	s30 =	sld [smem:$0x0];
	_ =	sdelay $0x2  }
0xb9: {  	s31 =	sshll.u32 s1, $0xD;
	s1 =	sshrl.u32 s1, $0x2  }
0xba: {  	s3 =	sand.u32 $0x4000, s31;
	s1 =	sadd.s32 s1, s30  }
0xbb: {  	s0 =	sor.u32 s3, s0;
	s1 =	sshll.u32 s1, $0x11  }
0xbc: {  	s0 =	sor.u32 s1, s0  }
0xbd: {  	s0 =	sadd.s32 $0x8F2B, s0  }
0xbe: {  	[sflag:s0] =	ssyncadd.remote.s32 $0x1  }
0xbf: {  	_ =	sfence.sel $0xFFFF  }
0xc0: {  	[dreg:$0x0] =	wrdreg $0xFFFFFFFF;
	(pc) =	sbr.abs _section_cstart, $3  }
0xc1: {  	[dreg:$0x1] =	wrdreg $0xFFFFFFFF  }
0xc2: {  	_ =	task.clear_ibuf [dreg:s7], $0x2FFFF;
	_ =	strace $0x9FFFFFFF  }
0xc3: {  	(tm) =	ssettm $0x7FFFFFFF  }
tec
execute0_lowered:
.L_overlay_start_1:
0x0: {  	(tag) =	ssettag $0x1  }
0x1: {  	s6 =	rddreg [dreg:$0x0]  }
0x2: {  	s2 =	rddreg [dreg:$0x1]  }
0x3: {  	s3 =	rddreg [dreg:$0x2]  }
0x4: {  	s0 =	rddreg [dreg:$0x3];
	s5 =	srdreg.scid  }
0x5: {  	s1 =	stileid.u32;
	s4 =	simm.s32 $0x0;
	s16 =	simm.s32 $0x1  }
0x6: {  	s17 =	simm.s32 $0x2;
	s19 =	simm.s32 $0x0;
	s8 =	smul.u32 $0x5140, s1  }
0x7: {  	s7 =	sand.u32 $0x1, s5;
	[smem:$0x7FF] =	sst s4;
	s10 =	smul.u32 $0x9C00, s1  }
0x8: {  	s5 =	sadd.s32 $0x16C00, s6;
	s12 =	smul.u32 $0x2700, s1;
	s13 =	sadd.s32 $0x17200, s6  }
0x9: {  	s15 =	sadd.s32 $0x24900, s3;
	p0 =	seq.s32 s1, $0xF;
	s9 =	smul.u32 $0x28A0, s7  }
0xa: {  	_ =	strace $0x80000047;
	s11 =	ssub.s32 $0x2, s7;
	s7 =	smul.u32 $0x27100, s7  }
0xb: {  	s25 =	sshrl.u32 s11, $0x1;
	s26 =	sshrl.u32 s10, $0x2;
	s18 =	sadd.s32 s12, s3  }
0xc: {  	s10 =	simm.s32 $0x3;
	s8 =	sadd.s32 s8, s9;
	s9 =	ssub.s32 s11, s25  }
0xd: {  	s28 =	sadd.s32 s12, s7;
	s14 =	sadd.s32 s26, s3;
	s30 =	sshrl.u32 s7, $0x3  }
0xe: {  	s11 =	simm.s32 $0x28A0;
	s12 =	sshrl.u32 @p0 s15, $0x3;
	s15 =	simm.s32 $0x64  }
0xf: {  	s18 =	sshrl.u32 @!p0 s18, $0x3;
	s8 =	sshrl.u32 s8, $0x3;
	s29 =	sshrl.u32 s28, $0x3  }
0x10: {  	s31 =	sadd.s32 s13, s30;
	s9 =	smax.u32 s9, $0x1;
	s14 =	sshrl.u32 @!p0 s14, $0x3  }
0x11: {  	s6 =	sadd.s32 s6, s8;
	s7 =	sadd.s32 s13, s29;
	s13 =	sshll.u32 @!p0 s1, $0x6  }
0x12: {  	s8 =	sadd.s32 $0x4920, s31;
	s6 =	sadd.s32 $0xC880, s6;
	s13 =	sor.u32 @!p0 $0x1C03, s13  }
.LBB2_1:
0x13: {  	[tilespmem:s4], [sflag:$0x3] =	stream.linear.gather [hbm4b:s6+s4], $0x28A0, $0x38;
	[tilespmem:$0x55F0] =	vst v63  }
0x14: {  	_ =	swait.ge [sflag:s10], $0x28A0  }
0x15: {  	[sflag:s10] =	ssyncset.done $0x0  }
0x16: {  	[sflag:s10] =	ssyncadd.s32 $0xFFFFD760  }
0x17: {  	[tilespmem:s11], [sflag:$0x3] =	stream.linear.gather [hbm4b:s2+s4], $0x640, $0x38;
	[tilespmem:$0x55F0] =	vst v63  }
0x18: {  	_ =	swait.ge [sflag:s10], $0x640  }
0x19: {  	[sflag:s10] =	ssyncset.done $0x0  }
0x1a: {  	s20 =	simm.s32 @p0 $0x1FC3;
	[sflag:s10] =	ssyncadd.s32 $0xFFFFF9C0  }
0x1b: {  	[spmem:s12], [sflag:s20] =	dma.local @p0 [hbm:s5], $0x500  }
0x1c: {  	s20 =	simm.s32 @p0 $0x3  }
0x1d: {  	_ =	swait.ge @p0 [sflag:s20], $0x500  }
0x1e: {  	[sflag:s20] =	ssyncset.done @p0 $0x0  }
0x1f: {  	[sflag:s20] =	ssyncadd.s32 @p0 $0xFFFFFB00;
	s20 =	simm.s32 @!p0 $0x3  }
0x20: {  	[spmem:s14], [sflag:s13] =	dma.local @!p0 [hbm:s5], $0x4E0  }
0x21: {  	_ =	swait.ge @!p0 [sflag:s20], $0x4E0  }
0x22: {  	[sflag:s20] =	ssyncset.done @!p0 $0x0  }
0x23: {  	[sflag:s20] =	ssyncadd.s32 @!p0 $0xFFFFFB20  }
0x24: {  	s30 =	simm.s32 $0x0;
	[bflag:$0x0] =	sbarrier.arrive $0xFFFF  }
0x25: {  	[spmem:s3] =	stream.indirect.scatter.add.f32 [tilespmem:s11], [sflag:$0x1], $0x10, s30, s15, $0xb8;
	[tilespmem:$0x55F0] =	vst v63  }
0x26: {  	s31 =	simm.s32 $0x68  }
0x27: {  	[spmem:s3] =	stream.indirect.scatter.add.f32 [tilespmem:s11], [sflag:$0x2], $0x10, s31, s15, $0xb8;
	[tilespmem:$0x55F0] =	vst v63  }
0x28: {  	_ =	swait.ge [sflag:s16], $0x640  }
0x29: {  	[sflag:s16] =	ssyncset.done $0x0  }
0x2a: {  	[sflag:s16] =	ssyncadd.s32 $0xFFFFF9C0  }
0x2b: {  	_ =	swait.ge [sflag:s17], $0x640  }
0x2c: {  	s21 =	simm.s32 $0x680;
	s20 =	simm.s32 $0x340;
	[sflag:s17] =	ssyncset.done $0x0  }
.LBB2_2:
0x2d: {  	s22 =	sshra.s32 s20, $0x2  }
0x2e: {  	[sflag:s17] =	ssyncadd.s32 $0xFFFFF9C0;
	s20 =	smov.u32 s21;
	s23 =	sadd.s32 $0x340, s21  }
0x2f: {  	[spmem:s3] =	stream.indirect.scatter.add.f32 [tilespmem:s11], [sflag:$0x1], $0x10, s22, s15, $0xb8;
	[tilespmem:$0x55F0] =	vst v63  }
0x30: {  	p1 =	sne.s32 s21, $0x9F40;
	s21 =	sadd.s32 $0x68, s22  }
0x31: {  	[spmem:s3] =	stream.indirect.scatter.add.f32 [tilespmem:s11], [sflag:$0x2], $0x10, s21, s15, $0xb8;
	[tilespmem:$0x55F0] =	vst v63  }
.Ltmp0:
0x32: {  	_ =	swait.ge [sflag:s16], $0x640;
	(pc) =	sbr.rel @p1 .LBB2_2-.Ltmp0, $4  }
0x33: {  	[sflag:s16] =	ssyncset.done $0x0  }
0x34: {  	[sflag:s16] =	ssyncadd.s32 $0xFFFFF9C0  }
0x35: {  	_ =	swait.ge [sflag:s17], $0x640  }
0x36: {  	s21 =	smov.u32 s23;
	[sflag:s17] =	ssyncset.done $0x0  }
0x37: {  	s20 =	sshra.s32 s20, $0x2;
	[sflag:s17] =	ssyncadd.s32 $0xFFFFF9C0  }
0x38: {  	[spmem:s3] =	stream.indirect.scatter.add.f32 [tilespmem:s11], [sflag:$0x1], $0x10, s20, s15, $0xb8;
	[tilespmem:$0x55F0] =	vst v63  }
0x39: {  	s20 =	sadd.s32 $0x68, s20  }
0x3a: {  	[spmem:s3] =	stream.indirect.scatter.add.f32 [tilespmem:s11], [sflag:$0x2], $0x10, s20, s15, $0xb8;
	[tilespmem:$0x55F0] =	vst v63  }
0x3b: {  	_ =	swait.ge [sflag:s16], $0x640  }
0x3c: {  	[sflag:s16] =	ssyncset.done $0x0  }
0x3d: {  	[sflag:s16] =	ssyncadd.s32 $0xFFFFF9C0  }
0x3e: {  	_ =	swait.ge [sflag:s17], $0x640  }
0x3f: {  	[sflag:s17] =	ssyncset.done $0x0  }
0x40: {  	[sflag:s17] =	ssyncadd.s32 $0xFFFFF9C0  }
0x41: {  	s20 =	simm.s32 @p0 $0x1FC3;
	[bflag:$0x0] =	sbarrier.arrive $0xFFFF  }
0x42: {  	[hbm:s8], [sflag:s20] =	dma.local @p0 [spmem:s12], $0x500  }
0x43: {  	s20 =	simm.s32 @p0 $0x3  }
0x44: {  	s19 =	sadd.s32 $0x1, s19;
	_ =	swait.ge @p0 [sflag:s20], $0x500  }
0x45: {  	p1 =	sne.s32 s19, s9;
	[sflag:s20] =	ssyncset.done @p0 $0x0  }
.Ltmp1:
0x46: {  	[sflag:s20] =	ssyncadd.s32 @p0 $0xFFFFFB00;
	s20 =	simm.s32 @!p0 $0x3;
	(pc) =	sbr.rel @p1 .LBB2_1-.Ltmp1, $4  }
0x47: {  	[hbm:s7], [sflag:s13] =	dma.local @!p0 [spmem:s18], $0x4E0  }
0x48: {  	_ =	swait.ge @!p0 [sflag:s20], $0x4E0  }
0x49: {  	[sflag:s20] =	ssyncset.done @!p0 $0x0  }
0x4a: {  	[sflag:s20] =	ssyncadd.s32 @!p0 $0xFFFFFB20  }
0x4b: {  	_ =	sfence.sel $0x180000  }
0x4c: {  	[bflag:$0x0] =	sbarrier.arrive $0xFFFF  }
0x4d: {  	p0 =	sne.s32 s1, $0x0;
	_ =	strace $0x90000047  }
0x4e: {  	s0 =	sadd.s32 @!p0 $0x100000, s0;
	[bflag:$0x2] =	sbarrier.arrive $0xFFFF  }
0x4f: {  	[sflag:s0] =	ssyncadd.tile.s32 @!p0 $0x1;
	_ =	shalt  }
.Lfunc_end2:
_tile_overlayer_lowered:
.L_overlay_start_2:
0x50: {  	(tag) =	ssettag $0x2  }
0x51: {  	s0 =	rddreg [dreg:$0x0];
	s2 =	stileid.u32  }
0x52: {  	s1 =	rddreg [dreg:$0x1];
	p0 =	sne.s32 s2, $0x0  }
0x53: {  	s3 =	rddreg [dreg:$0x2];
	[bflag:$0x3] =	sbarrier.arrive $0xFFFF;
	s2 =	simm.s32 @!p0 $0x1C03  }
0x54: {  	[timem:s3], [sflag:s2] =	dma.local @!p0 [hbm:s0], s1  }
0x55: {  	s0 =	simm.s32 @!p0 $0x3  }
0x56: {  	_ =	swait.ge @!p0 [sflag:s0], s1  }
0x57: {  	s1 =	ssub.s32 @!p0 $0x0, s1;
	[sflag:s0] =	ssyncset.done @!p0 $0x0  }
0x58: {  	[sflag:s0] =	ssyncadd.s32 @!p0 s1  }
0x59: {  	[bflag:$0x3] =	sbarrier.arrive $0xFFFF  }
0x5a: {  	_ =	shalt  }

// kernel: kernel.9.cloned.1.call-start
scs
__scs_entry_jumppad:
0x0: {  	(pc) =	sbr.rel $0x88, $3  }
0x1: {  	(tag) =	ssettag $0x0;
	lr =	simm.s32 $0x1  }
0x2: {  	[smem:$0x3F98] =	sst lr;
	_ =	strace $0xD0000000  }
0x3: {  	_ = 	snop  }
0x4: {  	_ = 	snop  }
0x5: {  	_ = 	snop  }
0x6: {  	_ = 	snop  }
0x7: {  	_ = 	snop  }
__scs_overlays_trampoline_lowered:
0x8: {  	[smem:$0x3FA7] =	sst s0  }
0x9: {  	[smem:$0x3FA8] =	sst s1  }
0xa: {  	[smem:$0x3FA9] =	sst s2  }
0xb: {  	[smem:$0x3FAA] =	sst s3  }
0xc: {  	[smem:$0x3FAB] =	sst s4  }
0xd: {  	[smem:$0x3FAC] =	sst s5  }
0xe: {  	[smem:$0x3FAD] =	sst s6  }
0xf: {  	[smem:$0x3FAE] =	sst s7  }
0x10: {  	[smem:$0x3FAF] =	sst s8  }
0x11: {  	[smem:$0x3FB0] =	sst s9;
	s0 =	simm.s32 @!p0 $0x0  }
0x12: {  	s1 =	sld [smem:$0x3F96];
	s0 =	simm.s32 @p0 $0x1  }
0x13: {  	[smem:$0x3FB1] =	sst s0;
	s0 =	simm.s32 @!p1 $0x0  }
0x14: {  	s2 =	sld [smem:$0x3F95];
	s0 =	simm.s32 @p1 $0x1  }
0x15: {  	[smem:$0x3FB2] =	sst s0;
	s0 =	simm.s32 @!p2 $0x0  }
0x16: {  	s3 =	sld [smem:$0x3FDB];
	s0 =	simm.s32 @p2 $0x1  }
0x17: {  	s4 =	simm.s32 $0x1BF5;
	[smem:$0x3FB4] =	sst s0  }
0x18: {  	s0 =	sld [smem:$0x3F97];
	_ =	swait.ge [sflag:s4], $0x0  }
0x19: {  	s7 =	sld [smem:$0x3F98]  }
0x1a: {  	s8 =	sadd.s32 $0xFFFFE003, lr  }
0x1b: {  	s9 =	sadd.s32 $0xFFFFFEF7, lr;
	s5 =	simm.s32 $0xFFFFFFFF;
	p2 =	slt.u32 s8, $0xFFFFF086  }
0x1c: {  	p1 =	slt.u32 s9, $0xF7A;
	s5 =	simm.s32 @!p2 $0x0  }
0x1d: {  	s5 =	simm.s32 @p1 $0x1;
	p0 =	seq.s32 s7, s2  }
0x1e: {  	s7 =	smul.u32 @!p0 $0xF7A, s2;
	p2 =	seq.s32 @!p0 s5, $0x0  }
0x1f: {  	s9 =	smul.u32 $0xF7A, s1;
	s8 =	simm.s32 @!p0 $0x1BF5;
	p2 =	por !p2, p0  }
0x20: {  	[sflag:s8] =	ssyncset.s32 @!p0 $0xFFFFF086;
	s6 =	sadd.s32 @!p0 s3, s7;
	s7 =	simm.s32 @!p0 $0x108  }
0x21: {  	s3 =	sadd.s32 s3, s9;
	s6 =	sadd.s32 @!p0 $0x88, s6;
	s7 =	simm.s32 @p2 $0x1082  }
0x22: {  	[simem:s7], [sflag:s8] =	dma.local @!p0 [hbm:s6], $0xF7A  }
0x23: {  	s9 =	sor.u32 $0xD0000000, s2;
	s6 =	simm.s32 $0x108;
	_ =	swait.ge @!p0 [sflag:s8], $0x0  }
0x24: {  	s3 =	sadd.s32 $0x88, s3;
	s6 =	simm.s32 @!p1 $0x1082;
	[sflag:s4] =	ssyncset.s32 $0xFFFFF086  }
0x25: {  	[simem:s6], [sflag:s4] =	dma.local [hbm:s3], $0xF7A  }
0x26: {  	[smem:$0x3F98] =	sst s1;
	(tag) =	ssettag s2;
	_ =	strace s9  }
0x27: {  	s1 =	sld [smem:$0x3FA8]  }
0x28: {  	s2 =	sld [smem:$0x3FA9]  }
0x29: {  	s4 =	sld [smem:$0x3FAB]  }
0x2a: {  	p0 =	seq.s32 s5, $0x0;
	s5 =	sld [smem:$0x3FAC]  }
0x2b: {  	s6 =	sld [smem:$0x3FAD]  }
0x2c: {  	s7 =	sld [smem:$0x3FAE]  }
0x2d: {  	s3 =	simm.s32 $0x108;
	s8 =	sld [smem:$0x3FAF]  }
0x2e: {  	s3 =	simm.s32 @!p0 $0x1082;
	s9 =	sld [smem:$0x3FB0]  }
0x2f: {  	lr =	sadd.s32 s0, s3;
	s0 =	sld [smem:$0x3FA7]  }
0x30: {  	s3 =	sld [smem:$0x3FAA]  }
0x31: {  	[smem:$0x3FB3] =	sst s10  }
0x32: {  	s10 =	sld [smem:$0x3FB1];
	_ =	sdelay $0x3  }
0x33: {  	p0 =	seq.s32 s10, $0x1;
	s10 =	sld [smem:$0x3FB3];
	_ =	sdelay $0x3  }
0x34: {  	[smem:$0x3FB3] =	sst s10  }
0x35: {  	s10 =	sld [smem:$0x3FB2];
	_ =	sdelay $0x3  }
0x36: {  	p1 =	seq.s32 s10, $0x1;
	s10 =	sld [smem:$0x3FB3];
	_ =	sdelay $0x3  }
0x37: {  	[smem:$0x3FB3] =	sst s10  }
0x38: {  	s10 =	sld [smem:$0x3FB4]  }
0x39: {  	_ = 	snop;
	(pc) =	sbr.ind lr, $3  }
0x3a: {  	_ = 	snop  }
0x3b: {  	_ = 	snop  }
0x3c: {  	p2 =	seq.s32 s10, $0x1;
	s10 =	sld [smem:$0x3FB3]  }
0x3d: {  	_ =	shalt  }
0x3e: {  	_ =	shalt  }
0x3f: {  	_ =	shalt  }
0x40: {  	_ =	shalt  }
0x41: {  	_ =	shalt  }
0x42: {  	_ =	shalt  }
0x43: {  	_ =	shalt  }
0x44: {  	_ =	shalt  }
0x45: {  	_ =	shalt  }
0x46: {  	_ =	shalt  }
0x47: {  	_ =	shalt  }
0x48: {  	_ =	shalt  }
0x49: {  	_ =	shalt  }
0x4a: {  	_ =	shalt  }
0x4b: {  	_ =	shalt  }
0x4c: {  	_ =	shalt  }
0x4d: {  	_ =	shalt  }
0x4e: {  	_ =	shalt  }
0x4f: {  	_ =	shalt  }
0x50: {  	_ =	shalt  }
0x51: {  	_ =	shalt  }
0x52: {  	_ =	shalt  }
0x53: {  	_ =	shalt  }
0x54: {  	_ =	shalt  }
0x55: {  	_ =	shalt  }
0x56: {  	_ =	shalt  }
0x57: {  	_ =	shalt  }
0x58: {  	_ =	shalt  }
0x59: {  	_ =	shalt  }
0x5a: {  	_ =	shalt  }
0x5b: {  	_ =	shalt  }
0x5c: {  	_ =	shalt  }
0x5d: {  	_ =	shalt  }
0x5e: {  	_ =	shalt  }
0x5f: {  	_ =	shalt  }
0x60: {  	_ =	shalt  }
0x61: {  	_ =	shalt  }
0x62: {  	_ =	shalt  }
0x63: {  	_ =	shalt  }
0x64: {  	_ =	shalt  }
0x65: {  	_ =	shalt  }
0x66: {  	_ =	shalt  }
0x67: {  	_ =	shalt  }
0x68: {  	_ =	shalt  }
0x69: {  	_ =	shalt  }
0x6a: {  	_ =	shalt  }
0x6b: {  	_ =	shalt  }
0x6c: {  	_ =	shalt  }
0x6d: {  	_ =	shalt  }
0x6e: {  	_ =	shalt  }
0x6f: {  	_ =	shalt  }
0x70: {  	_ =	shalt  }
0x71: {  	_ =	shalt  }
0x72: {  	_ =	shalt  }
0x73: {  	_ =	shalt  }
0x74: {  	_ =	shalt  }
0x75: {  	_ =	shalt  }
0x76: {  	_ =	shalt  }
0x77: {  	_ =	shalt  }
0x78: {  	_ =	shalt  }
0x79: {  	_ =	shalt  }
0x7a: {  	_ =	shalt  }
0x7b: {  	_ =	shalt  }
0x7c: {  	_ =	shalt  }
0x7d: {  	_ =	shalt  }
0x7e: {  	_ =	shalt  }
0x7f: {  	_ =	shalt  }
0x80: {  	_ =	shalt  }
0x81: {  	_ =	shalt  }
0x82: {  	_ =	shalt  }
0x83: {  	_ =	shalt  }
0x84: {  	_ =	shalt  }
0x85: {  	_ =	shalt  }
0x86: {  	_ =	shalt  }
0x87: {  	_ =	shalt  }
.Lfunc_end0:
.L_simem_size_0:
called_computation.1_lowered:
.L_overlay_start_0:
0x88: {  	s2 =	sld [smem:$0x3FD9]  }
0x89: {  	s3 =	sld [smem:$0x3FFE];
	_ =	sdelay $0x1  }
0x8a: {  	s1 =	srdreg.scid  }
0x8b: {  	s0 =	sand.u32 $0x1, s1  }
0x8c: {  	s16 =	sshll.u32 s0, $0xA;
	s2 =	sadd.s32 s3, s2  }
0x8d: {  	s2 =	sadd.s32 s2, s16  }
0x8e: {  	[smem:$0x3FBF] =	sst s2  }
0x8f: {  	_ = 	snop  }
0x90: {  	(tm) =	ssettm $0x1  }
0x91: {  	s17 =	sld [smem:$0x3FFB];
	_ =	sdelay $0x3  }
0x92: {  	_ =	strace s17  }
0x93: {  	s2 =	sld [smem:$0x3FFC];
	_ =	sdelay $0x3  }
0x94: {  	_ =	strace s2  }
0x95: {  	s2 =	sld [smem:$0x3FFD];
	_ =	sdelay $0x3  }
0x96: {  	_ =	strace s2  }
0x97: {  	_ =	strace $0x8FFFFFFF  }
0x98: {  	s18 =	sld [smem:$0x3FDB];
	_ =	sdelay $0x1  }
0x99: {  	s19 =	simm.s32 $_scs_section_size  }
0x9a: {  	s4 =	simm.s32 $_size__tile_overlayer_lowered;
	s5 =	simm.s32 $_tile_overlayer_lowered  }
0x9b: {  	s22 =	simm.s32 $0x1BFF;
	s21 =	sshll.u32 s5, $0x1;
	s2 =	sadd.s32 s19, s18  }
0x9c: {  	s6 =	simm.s32 $0x0;
	s20 =	sshll.u32 s4, $0x1;
	s4 =	sadd.s32 s21, s2  }
0x9d: {  	[timem:s6], [sflag:s22] =	dma.local [hbm:s4], s20  }
0x9e: {  	_ =	swait.ge [sflag:s22], s20  }
0x9f: {  	s3 =	ssub.s32 $0x0, s20;
	[sflag:s22] =	ssyncset.done $0x0  }
0xa0: {  	[sflag:s22] =	ssyncadd.s32 s3;
	_ =	sdelay $0x1  }
0xa1: {  	s23 =	simm.s32 $0x1B8B  }
0xa2: {  	_ =	swait.ge [sflag:s23], $0x1  }
0xa3: {  	[sflag:s23] =	ssyncset.done $0x0  }
0xa4: {  	s25 =	simm.s32 $0x1B8E;
	s24 =	sld [smem:$0x3FFE];
	[sflag:s23] =	ssyncadd.s32 $0xFFFFFFFF  }
0xa5: {  	s26 =	simm.s32 $execute0_lowered;
	[smem:$0x3FD2] =	sst s25  }
0xa6: {  	s4 =	sshll.u32 s26, $0x1;
	_ =	strace $0x80000049;
	[dreg:$0x1] =	wrdreg $0xFFFFFFFF  }
0xa7: {  	s28 =	simm.s32 $_size_execute0_lowered;
	s2 =	sadd.s32 s2, s4;
	[dreg:$0x0] =	wrdreg $0x0  }
0xa8: {  	s4 =	sshll.u32 s28, $0x1;
	[dreg:$0x2] =	wrdreg s2  }
0xa9: {  	[dreg:$0x3] =	wrdreg s4  }
0xaa: {  	[dreg:$0x4] =	wrdreg $0xC0  }
0xab: {  	_ =	task [dreg:s6], $0x5FFFF  }
0xac: {  	[dreg:$0x1] =	wrdreg $0xFFFFFFFF  }
0xad: {  	[dreg:$0x0] =	wrdreg $0x60  }
0xae: {  	[dreg:$0x2] =	wrdreg s24  }
0xaf: {  	[dreg:$0x3] =	wrdreg $0x11F800  }
0xb0: {  	[dreg:$0x4] =	wrdreg $0x9  }
0xb1: {  	_ =	task.clear_ibuf [dreg:s6], $0x5FFFF;
	_ =	strace $0x90000049  }
0xb2: {  	s29 =	simm.s32 $0x9;
	_ =	strace $0x8000004B  }
0xb3: {  	_ =	swait.ge [sflag:s29], $0x1  }
0xb4: {  	[sflag:s29] =	ssyncadd.s32 $0xFFFFFFFF  }
0xb5: {  	_ =	strace $0x9000004B  }
0xb6: {  	_ =	sfence  }
0xb7: {  	s30 =	sld [smem:$0x0];
	_ =	sdelay $0x2  }
0xb8: {  	s31 =	sshll.u32 s1, $0xD;
	s1 =	sshrl.u32 s1, $0x2  }
0xb9: {  	s3 =	sand.u32 $0x4000, s31;
	s1 =	sadd.s32 s1, s30  }
0xba: {  	s0 =	sor.u32 s3, s0;
	s1 =	sshll.u32 s1, $0x11  }
0xbb: {  	s0 =	sor.u32 s1, s0  }
0xbc: {  	s0 =	sadd.s32 $0x8F2B, s0  }
0xbd: {  	[sflag:s0] =	ssyncadd.remote.s32 $0x1  }
0xbe: {  	_ =	sfence.sel $0xFFFF  }
0xbf: {  	[dreg:$0x0] =	wrdreg $0xFFFFFFFF;
	(pc) =	sbr.abs _section_cstart, $3  }
0xc0: {  	[dreg:$0x1] =	wrdreg $0xFFFFFFFF  }
0xc1: {  	_ =	task.clear_ibuf [dreg:s6], $0x2FFFF;
	_ =	strace $0x9FFFFFFF  }
0xc2: {  	(tm) =	ssettm $0x7FFFFFFF  }
0xc3: {  	_ =	shalt  }
tec
execute0_lowered:
.L_overlay_start_1:
0x0: {  	(tag) =	ssettag $0x1  }
0x1: {  	s0 =	rddreg [dreg:$0x0]  }
0x2: {  	s2 =	rddreg [dreg:$0x1]  }
0x3: {  	s26 =	simm.s32 $0x0;
	s11 =	stileid.u32;
	s6 =	srdreg.scid  }
0x4: {  	s30 =	simm.s32 $0x15;
	s31 =	simm.s32 $0xA280;
	s12 =	simm.s32 $0xED80  }
0x5: {  	s29 =	simm.s32 $0x2;
	s25 =	simm.s32 $0x0;
	s1 =	smul.u32 $0x5140, s11  }
0x6: {  	[smem:$0x7FF] =	sst s26;
	s3 =	smul.u32 $0x9C00, s11;
	s4 =	sadd.s32 $0x16C00, s0  }
0x7: {  	s5 =	sadd.s32 $0x20A00, s0;
	s6 =	sand.u32 $0x1, s6;
	p1 =	sne.s32 s11, $0xF  }
0x8: {  	p3 =	seq.s32 s11, $0xF;
	s28 =	sadd.s32 $0x49200, s2;
	s14 =	sadd.s32 $0x1FE40, s0  }
0x9: {  	s18 =	sadd.s32 $0x29C40, s0;
	_ =	strace $0x8000004A;
	[dreg:$0x6] =	wrdreg s14  }
0xa: {  	s20 =	sadd.s32 $0x3D840, s0;
	s23 =	sshll.u32 s11, $0x6;
	[dreg:$0xa] =	wrdreg s18  }
0xb: {  	s11 =	simm.s32 $0xF;
	s8 =	ssub.s32 $0x2, s6;
	[dreg:$0xc] =	wrdreg s20  }
0xc: {  	p0 =	seq.s32 s6, $0x0;
	[dreg:$0x12] =	wrdreg s6;
	p5 =	sne.s32 s6, $0x0  }
0xd: {  	s14 =	simm.s32 $0x4;
	s18 =	simm.s32 $0xA;
	[dreg:$0x13] =	wrdreg s25  }
0xe: {  	s20 =	simm.s32 $0x14;
	[dreg:$0x5] =	wrdreg s28;
	s1 =	sshrl.u32 s1, $0x3  }
0xf: {  	s7 =	sshrl.u32 s3, $0x4;
	s10 =	sshrl.u32 s8, $0x1;
	p2 =	por !p0, !p1  }
0x10: {  	p0 =	por !p0, !p3;
	s15 =	sshrl.u32 s3, $0x1;
	s1 =	sadd.s32 s1, s0  }
0x11: {  	s9 =	sadd.s32 s7, s0;
	s8 =	ssub.s32 s8, s10;
	s16 =	sadd.s32 s4, s7  }
0x12: {  	p2 =	por !p2, !p2;
	s17 =	sadd.s32 s5, s7;
	[dreg:$0x8] =	wrdreg s16  }
0x13: {  	p0 =	por !p0, !p0;
	s0 =	sadd.s32 $0x33A40, s0;
	[dreg:$0x9] =	wrdreg s17  }
0x14: {  	s10 =	simm.s32 $0xFA00;
	s13 =	sadd.s32 $0x2600, s1;
	[dreg:$0xe] =	wrdreg s0  }
0x15: {  	s7 =	simm.s32 $0x5;
	s1 =	sadd.s32 $0xC880, s1;
	[dreg:$0x3] =	wrdreg s13  }
0x16: {  	s19 =	sadd.s32 $0x34600, s9;
	s21 =	sadd.s32 $0x2A800, s9;
	[dreg:$0x4] =	wrdreg s1  }
0x17: {  	s22 =	smax.u32 s8, $0x1;
	s0 =	sor.u32 $0x1C15, s23;
	[dreg:$0xb] =	wrdreg s19  }
0x18: {  	s23 =	simm.s32 $0x1;
	s8 =	simm.s32 $0x6;
	[dreg:$0xd] =	wrdreg s21  }
0x19: {  	s16 =	simm.s32 $0x8;
	s1 =	simm.s32 @!p2 $0x0;
	[dreg:$0xf] =	wrdreg s22  }
0x1a: {  	s17 =	simm.s32 $0x9;
	[dreg:$0x10] =	wrdreg s0;
	s1 =	simm.s32 @p2 $0x1  }
0x1b: {  	s9 =	simm.s32 $0x11;
	[smem:$0x7FA] =	sst s1;
	s1 =	simm.s32 @!p3 $0x0  }
0x1c: {  	s22 =	simm.s32 $0xE100;
	s13 =	simm.s32 $0x3;
	s1 =	simm.s32 @p3 $0x1  }
0x1d: {  	s19 =	simm.s32 $0xB;
	[smem:$0x7FB] =	sst s1;
	s1 =	simm.s32 @!p0 $0x0  }
0x1e: {  	s1 =	simm.s32 @p0 $0x1;
	p0 =	seq.s32 s6, $0x1;
	s6 =	simm.s32 $0x10680  }
.Ltmp0:
0x1f: {  	[smem:$0x7FC] =	sst s1;
	s3 =	simm.s32 @!p0 $0x0;
	(pc) =	sbr.rel .LBB2_1-.Ltmp0, $4  }
0x20: {  	s1 =	sadd.s32 s15, s2;
	s15 =	simm.s32 $0x7;
	s3 =	simm.s32 @p0 $0x1  }
0x21: {  	p0 =	por !p1, !p0;
	[dreg:$0x7] =	wrdreg s1;
	s24 =	sshrl.u32 s1, $0x3  }
0x22: {  	s1 =	simm.s32 $0x13;
	[smem:$0x7FD] =	sst s3;
	p4 =	por !p0, !p0  }
0x23: {  	[dreg:$0x11] =	wrdreg s24;
	s24 =	simm.s32 $0x64;
	s3 =	simm.s32 $0xD  }
.LBB2_15:
0x24: {  	_ =	swait.ge [sflag:s20], $0xC80  }
0x25: {  	s26 =	stileid.u32;
	[sflag:s20] =	ssyncset.done $0x0  }
0x26: {  	p0 =	seq.s32 @!p5 s26, $0xF;
	[sflag:s20] =	ssyncadd.s32 $0xFFFFF380  }
0x27: {  	p0 =	por p0, p5;
	[bflag:$0x0] =	sbarrier.arrive $0xFFFF  }
0x28: {  	s0 =	sshll.u32 @!p0 s26, $0x6;
	s25 =	rddreg [dreg:$0x7]  }
0x29: {  	s0 =	sor.u32 @!p0 $0x1C15, s0;
	s28 =	rddreg [dreg:$0xb];
	s21 =	sshrl.u32 @!p0 s25, $0x3  }
0x2a: {  	[hbm:s28], [sflag:s0] =	dma.local @!p0 [spmem:s21], $0x9C0  }
0x2b: {  	s0 =	simm.s32 @!p0 $0x15  }
0x2c: {  	_ =	swait.ge @!p0 [sflag:s0], $0x9C0  }
0x2d: {  	p1 =	por !p6, p5;
	s28 =	rddreg [dreg:$0x5]  }
0x2e: {  	s21 =	sshll.u32 @!p1 s26, $0x6;
	[sflag:s0] =	ssyncset.done @!p0 $0x0;
	s30 =	rddreg [dreg:$0xc]  }
0x2f: {  	[sflag:s0] =	ssyncadd.s32 @!p0 $0xFFFFF640;
	s0 =	sor.u32 @!p1 $0x1C15, s21;
	s21 =	sshrl.u32 @!p1 s28, $0x3  }
0x30: {  	[hbm:s30], [sflag:s0] =	dma.local @!p1 [spmem:s21], $0xA00  }
0x31: {  	s0 =	simm.s32 @!p1 $0x15  }
0x32: {  	p0 =	seq.s32 @p2 s26, $0xF;
	_ =	swait.ge @!p1 [sflag:s0], $0xA00  }
0x33: {  	p0 =	por p0, !p2;
	[sflag:s0] =	ssyncset.done @!p1 $0x0  }
0x34: {  	s21 =	sshll.u32 @!p0 s26, $0x6;
	[sflag:s0] =	ssyncadd.s32 @!p1 $0xFFFFF600  }
0x35: {  	s0 =	sor.u32 @!p0 $0x1C15, s21;
	s21 =	sshrl.u32 @!p0 s25, $0x3;
	s25 =	rddreg [dreg:$0xd]  }
0x36: {  	[hbm:s25], [sflag:s0] =	dma.local @!p0 [spmem:s21], $0x9C0  }
0x37: {  	s0 =	simm.s32 @!p0 $0x15  }
0x38: {  	p1 =	por !p6, !p2;
	_ =	swait.ge @!p0 [sflag:s0], $0x9C0  }
0x39: {  	s21 =	sshll.u32 @!p1 s26, $0x6;
	[sflag:s0] =	ssyncset.done @!p0 $0x0;
	s26 =	rddreg [dreg:$0xe]  }
0x3a: {  	[sflag:s0] =	ssyncadd.s32 @!p0 $0xFFFFF640;
	s0 =	sor.u32 @!p1 $0x1C15, s21;
	s21 =	sshrl.u32 @!p1 s28, $0x3  }
0x3b: {  	[hbm:s26], [sflag:s0] =	dma.local @!p1 [spmem:s21], $0xA00  }
0x3c: {  	s0 =	simm.s32 @!p1 $0x15  }
0x3d: {  	_ =	swait.ge @!p1 [sflag:s0], $0xA00  }
0x3e: {  	s21 =	rddreg [dreg:$0x13]  }
0x3f: {  	s26 =	sadd.s32 $0x1, s21;
	s21 =	rddreg [dreg:$0xf]  }
0x40: {  	p0 =	sne.s32 s26, s21  }
.Ltmp1:
0x41: {  	_ = 	snop;
	(pc) =	sbr.rel @!p0 .LBB2_16-.Ltmp1, $4  }
0x42: {  	_ = 	snop  }
0x43: {  	s31 =	simm.s32 $0xA280  }
0x44: {  	s30 =	simm.s32 $0x15;
	s25 =	stileid.u32;
	[sflag:s0] =	ssyncset.done @!p1 $0x0  }
0x45: {  	[sflag:s0] =	ssyncadd.s32 @!p1 $0xFFFFF600;
	[dreg:$0x13] =	wrdreg s26;
	s26 =	simm.s32 $0x0  }
.LBB2_1:
0x46: {  	s0 =	rddreg [dreg:$0x3]  }
0x47: {  	[tilespmem:s26], [sflag:$0x15] =	stream.linear.gather [hbm4b:s0+s26], $0x5140, $0x38;
	[tilespmem:$0x16DA0] =	vst v63  }
0x48: {  	_ =	swait.ge [sflag:s30], $0x5140  }
0x49: {  	[sflag:s30] =	ssyncset.done $0x0  }
0x4a: {  	s21 =	simm.s32 $0x5140;
	s25 =	rddreg [dreg:$0x4];
	[sflag:s30] =	ssyncadd.s32 $0xFFFFAEC0  }
0x4b: {  	[tilespmem:s21], [sflag:$0x15] =	stream.linear.gather [hbm4b:s25+s26], $0x5140, $0x38;
	[tilespmem:$0x16DA0] =	vst v63  }
0x4c: {  	_ =	swait.ge [sflag:s30], $0x5140  }
0x4d: {  	s25 =	sld [smem:$0x7FA];
	_ =	sdelay $0x2  }
0x4e: {  	p0 =	seq.s32 s25, $0x1  }
.Ltmp2:
0x4f: {  	_ = 	snop;
	(pc) =	sbr.rel @!p0 .LBB2_6-.Ltmp2, $3  }
0x50: {  	_ =	sdelay $0x1  }
0x51: {  	[sflag:s30] =	ssyncset.done $0x0  }
0x52: {  	[sflag:s30] =	ssyncadd.s32 $0xFFFFAEC0  }
0x53: {  	s0 =	rddreg [dreg:$0x8]  }
0x54: {  	s21 =	rddreg [dreg:$0x10]  }
.Ltmp3:
0x55: {  	s25 =	rddreg [dreg:$0x11];
	(pc) =	sbr.rel .LBB2_3-.Ltmp3, $4  }
0x56: {  	[spmem:s25], [sflag:s21] =	dma.local [hbm:s0], $0x9C0  }
0x57: {  	_ =	swait.ge [sflag:s30], $0x9C0  }
0x58: {  	[sflag:s30] =	ssyncset.done $0x0  }
0x59: {  	p6 =	por $0x0, $0x0;
	[sflag:s30] =	ssyncadd.s32 $0xFFFFF640  }
.LBB2_6:
0x5a: {  	s25 =	sld [smem:$0x7FC];
	_ =	sdelay $0x2  }
0x5b: {  	p0 =	seq.s32 s25, $0x1  }
.Ltmp4:
0x5c: {  	_ = 	snop;
	(pc) =	sbr.rel @!p0 .LBB2_3-.Ltmp4, $2  }
0x5d: {  	s0 =	sld [smem:$0x7FB];
	_ =	sdelay $0x2  }
0x5e: {  	p6 =	seq.s32 s0, $0x1  }
0x5f: {  	s0 =	sshrl.u32 s28, $0x3;
	s21 =	rddreg [dreg:$0x6];
	s25 =	simm.s32 $0x1FD5  }
0x60: {  	[spmem:s0], [sflag:s25] =	dma.local [hbm:s21], $0xA00  }
.Ltmp5:
0x61: {  	_ =	swait.ge [sflag:s30], $0xA00;
	(pc) =	sbr.rel .LBB2_8-.Ltmp5, $4  }
0x62: {  	[sflag:s30] =	ssyncset.done $0x0  }
0x63: {  	[sflag:s30] =	ssyncadd.s32 $0xFFFFF600  }
0x64: {  	p6 =	por $0x1, $0x1;
	[bflag:$0x0] =	sbarrier.arrive $0xFFFF  }
0x65: {  	[tilespmem:s31], [sflag:$0x1] =	stream.indirect.gather [hbm4b:s4+s24], $0x20, s26, s24, $0xb8;
	[tilespmem:$0x16DA0] =	vst v63  }
.LBB2_3:
0x66: {  	s25 =	stileid.u32  }
0x67: {  	s21 =	rddreg [dreg:$0x7];
	s0 =	sshll.u32 @p4 s25, $0x6  }
0x68: {  	s30 =	rddreg [dreg:$0x9];
	s21 =	sshrl.u32 @p4 s21, $0x3;
	s0 =	sor.u32 @p4 $0x1C15, s0  }
0x69: {  	[spmem:s21], [sflag:s0] =	dma.local @p4 [hbm:s30], $0x9C0  }
0x6a: {  	s0 =	sld [smem:$0x7FD];
	_ =	sdelay $0x2  }
0x6b: {  	p0 =	por @p4 $0x1, $0x1;
	p1 =	seq.s32 s0, $0x1  }
0x6c: {  	s0 =	simm.s32 @p4 $0x15;
	p0 =	por @!p4 p1, p1  }
0x6d: {  	_ =	swait.ge @p4 [sflag:s0], $0x9C0;
	p1 =	por !p0, !p6  }
0x6e: {  	[sflag:s0] =	ssyncset.done @p4 $0x0;
	p1 =	por !p1, !p1  }
0x6f: {  	[sflag:s0] =	ssyncadd.s32 @p4 $0xFFFFF640;
	s21 =	sshll.u32 @p1 s25, $0x6  }
0x70: {  	s25 =	rddreg [dreg:$0xa];
	s0 =	sor.u32 @p1 $0x1C15, s21;
	s21 =	sshrl.u32 @p1 s28, $0x3  }
0x71: {  	[spmem:s21], [sflag:s0] =	dma.local @p1 [hbm:s25], $0xA00  }
0x72: {  	s0 =	simm.s32 @p1 $0x15  }
.Ltmp6:
0x73: {  	_ =	swait.ge @p1 [sflag:s0], $0xA00;
	(pc) =	sbr.rel @p5 .LBB2_9-.Ltmp6, $3  }
0x74: {  	[sflag:s0] =	ssyncset.done @p1 $0x0  }
0x75: {  	[sflag:s0] =	ssyncadd.s32 @p1 $0xFFFFF600  }
0x76: {  	[bflag:$0x0] =	sbarrier.arrive $0xFFFF;
	_ =	sdelay $0x1  }
.Ltmp7:
0x77: {  	(pc) =	sbr.rel @!p0 .LBB2_8-.Ltmp7, $2  }
0x78: {  	_ =	sdelay $0x2  }
0x79: {  	[tilespmem:s31], [sflag:$0x1] =	stream.indirect.gather [hbm4b:s4+s24], $0x20, s26, s24, $0xb8;
	[tilespmem:$0x16DA0] =	vst v63  }
0x7a: {  	[tilespmem:s31], [sflag:$0x1] =	stream.indirect.gather [hbm4b:s5+s24], $0x20, s26, s24, $0xb8;
	[tilespmem:$0x16DA0] =	vst v63  }
0x7b: {  	s0 =	simm.s32 $0x68;
	s21 =	simm.s32 $0xAF00  }
0x7c: {  	[tilespmem:s21], [sflag:$0x2] =	stream.indirect.gather [hbm4b:s4+s24], $0x20, s0, s24, $0xb8;
	[tilespmem:$0x16DA0] =	vst v63  }
0x7d: {  	_ = 	snop  }
0x7e: {  	[tilespmem:s21], [sflag:$0x2] =	stream.indirect.gather [hbm4b:s5+s24], $0x20, s0, s24, $0xb8;
	[tilespmem:$0x16DA0] =	vst v63  }
0x7f: {  	s26 =	simm.s32 $0xD0;
	s28 =	simm.s32 $0xBB80  }
0x80: {  	[tilespmem:s28], [sflag:$0x3] =	stream.indirect.gather [hbm4b:s4+s24], $0x20, s26, s24, $0xb8;
	[tilespmem:$0x16DA0] =	vst v63  }
0x81: {  	_ = 	snop  }
0x82: {  	[tilespmem:s28], [sflag:$0x3] =	stream.indirect.gather [hbm4b:s5+s24], $0x20, s26, s24, $0xb8;
	[tilespmem:$0x16DA0] =	vst v63  }
0x83: {  	s30 =	simm.s32 $0x138;
	s6 =	simm.s32 $0xC800  }
0x84: {  	[tilespmem:s6], [sflag:$0x4] =	stream.indirect.gather [hbm4b:s4+s24], $0x20, s30, s24, $0xb8;
	[tilespmem:$0x16DA0] =	vst v63  }
0x85: {  	_ = 	snop  }
0x86: {  	[tilespmem:s6], [sflag:$0x4] =	stream.indirect.gather [hbm4b:s5+s24], $0x20, s30, s24, $0xb8;
	[tilespmem:$0x16DA0] =	vst v63  }
0x87: {  	s10 =	simm.s32 $0x1A0;
	s12 =	simm.s32 $0xD480  }
0x88: {  	[tilespmem:s12], [sflag:$0x5] =	stream.indirect.gather [hbm4b:s4+s24], $0x20, s10, s24, $0xb8;
	[tilespmem:$0x16DA0] =	vst v63  }
0x89: {  	_ = 	snop  }
0x8a: {  	[tilespmem:s12], [sflag:$0x5] =	stream.indirect.gather [hbm4b:s5+s24], $0x20, s10, s24, $0xb8;
	[tilespmem:$0x16DA0] =	vst v63  }
0x8b: {  	s25 =	simm.s32 $0xE100;
	s21 =	simm.s32 $0x208  }
0x8c: {  	[tilespmem:s25], [sflag:$0x6] =	stream.indirect.gather [hbm4b:s4+s24], $0x20, s21, s24, $0xb8;
	[tilespmem:$0x16DA0] =	vst v63  }
0x8d: {  	_ = 	snop  }
0x8e: {  	[tilespmem:s25], [sflag:$0x6] =	stream.indirect.gather [hbm4b:s5+s24], $0x20, s21, s24, $0xb8;
	[tilespmem:$0x16DA0] =	vst v63  }
0x8f: {  	s26 =	simm.s32 $0x270;
	s28 =	simm.s32 $0xED80  }
0x90: {  	[tilespmem:s28], [sflag:$0x7] =	stream.indirect.gather [hbm4b:s4+s24], $0x20, s26, s24, $0xb8;
	[tilespmem:$0x16DA0] =	vst v63  }
0x91: {  	_ = 	snop  }
0x92: {  	[tilespmem:s28], [sflag:$0x7] =	stream.indirect.gather [hbm4b:s5+s24], $0x20, s26, s24, $0xb8;
	[tilespmem:$0x16DA0] =	vst v63  }
0x93: {  	s30 =	simm.s32 $0x2D8;
	s6 =	simm.s32 $0xFA00  }
0x94: {  	[tilespmem:s6], [sflag:$0x8] =	stream.indirect.gather [hbm4b:s4+s24], $0x20, s30, s24, $0xb8;
	[tilespmem:$0x16DA0] =	vst v63  }
0x95: {  	_ = 	snop  }
0x96: {  	[tilespmem:s6], [sflag:$0x8] =	stream.indirect.gather [hbm4b:s5+s24], $0x20, s30, s24, $0xb8;
	[tilespmem:$0x16DA0] =	vst v63  }
0x97: {  	s25 =	simm.s32 $0x340;
	s26 =	simm.s32 $0x10680  }
0x98: {  	[tilespmem:s26], [sflag:$0x9] =	stream.indirect.gather [hbm4b:s4+s24], $0x20, s25, s24, $0xb8;
	[tilespmem:$0x16DA0] =	vst v63  }
.Ltmp8:
0x99: {  	s22 =	simm.s32 $0xE100;
	p2 =	por $0x1, $0x1;
	(pc) =	sbr.rel .LBB2_11-.Ltmp8, $4  }
0x9a: {  	s0 =	smov.u32 s5;
	s12 =	simm.s32 $0xED80;
	s10 =	simm.s32 $0xFA00  }
0x9b: {  	[tilespmem:s26], [sflag:$0x9] =	stream.indirect.gather [hbm4b:s5+s24], $0x20, s25, s24, $0xb8;
	[tilespmem:$0x16DA0] =	vst v63  }
0x9c: {  	s28 =	simm.s32 $0x3A8;
	s6 =	simm.s32 $0x10680;
	s30 =	simm.s32 $0x11300  }
0x9d: {  	[tilespmem:s30], [sflag:$0xA] =	stream.indirect.gather [hbm4b:s4+s24], $0x20, s28, s24, $0xb8;
	[tilespmem:$0x16DA0] =	vst v63  }
.LBB2_8:
0x9e: {  	s0 =	simm.s32 $0x68;
	s21 =	simm.s32 $0xAF00  }
0x9f: {  	[tilespmem:s21], [sflag:$0x2] =	stream.indirect.gather [hbm4b:s4+s24], $0x20, s0, s24, $0xb8;
	[tilespmem:$0x16DA0] =	vst v63  }
0xa0: {  	s28 =	simm.s32 $0xD0;
	s30 =	simm.s32 $0xBB80  }
0xa1: {  	[tilespmem:s30], [sflag:$0x3] =	stream.indirect.gather [hbm4b:s4+s24], $0x20, s28, s24, $0xb8;
	[tilespmem:$0x16DA0] =	vst v63  }
0xa2: {  	s25 =	simm.s32 $0x138;
	s26 =	simm.s32 $0xC800  }
0xa3: {  	[tilespmem:s26], [sflag:$0x4] =	stream.indirect.gather [hbm4b:s4+s24], $0x20, s25, s24, $0xb8;
	[tilespmem:$0x16DA0] =	vst v63  }
0xa4: {  	s28 =	simm.s32 $0x1A0;
	s30 =	simm.s32 $0xD480  }
0xa5: {  	[tilespmem:s30], [sflag:$0x5] =	stream.indirect.gather [hbm4b:s4+s24], $0x20, s28, s24, $0xb8;
	[tilespmem:$0x16DA0] =	vst v63  }
0xa6: {  	s25 =	simm.s32 $0x208  }
0xa7: {  	[tilespmem:s22], [sflag:$0x6] =	stream.indirect.gather [hbm4b:s4+s24], $0x20, s25, s24, $0xb8;
	[tilespmem:$0x16DA0] =	vst v63  }
0xa8: {  	s26 =	simm.s32 $0x270  }
0xa9: {  	[tilespmem:s12], [sflag:$0x7] =	stream.indirect.gather [hbm4b:s4+s24], $0x20, s26, s24, $0xb8;
	[tilespmem:$0x16DA0] =	vst v63  }
.Ltmp9:
0xaa: {  	_ = 	snop;
	(pc) =	sbr.rel .LBB2_11-.Ltmp9, $4  }
0xab: {  	s28 =	simm.s32 $0x2D8  }
0xac: {  	[tilespmem:s10], [sflag:$0x8] =	stream.indirect.gather [hbm4b:s4+s24], $0x20, s28, s24, $0xb8;
	[tilespmem:$0x16DA0] =	vst v63  }
0xad: {  	p2 =	por $0x0, $0x0;
	s0 =	smov.u32 s4;
	s30 =	simm.s32 $0x340  }
0xae: {  	[tilespmem:s6], [sflag:$0x9] =	stream.indirect.gather [hbm4b:s4+s24], $0x20, s30, s24, $0xb8;
	[tilespmem:$0x16DA0] =	vst v63  }
.LBB2_9:
.Ltmp10:
0xaf: {  	(pc) =	sbr.rel @!p0 .LBB2_12-.Ltmp10, $2  }
0xb0: {  	_ =	sdelay $0x2  }
0xb1: {  	p2 =	por $0x0, $0x0  }
0xb2: {  	[tilespmem:s31], [sflag:$0x1] =	stream.indirect.gather [hbm4b:s5+s24], $0x20, s26, s24, $0xb8;
	[tilespmem:$0x16DA0] =	vst v63  }
0xb3: {  	s0 =	simm.s32 $0x68;
	s21 =	simm.s32 $0xAF00  }
0xb4: {  	[tilespmem:s21], [sflag:$0x2] =	stream.indirect.gather [hbm4b:s5+s24], $0x20, s0, s24, $0xb8;
	[tilespmem:$0x16DA0] =	vst v63  }
0xb5: {  	s28 =	simm.s32 $0xD0;
	s30 =	simm.s32 $0xBB80  }
0xb6: {  	[tilespmem:s30], [sflag:$0x3] =	stream.indirect.gather [hbm4b:s5+s24], $0x20, s28, s24, $0xb8;
	[tilespmem:$0x16DA0] =	vst v63  }
0xb7: {  	s25 =	simm.s32 $0x138;
	s26 =	simm.s32 $0xC800  }
0xb8: {  	[tilespmem:s26], [sflag:$0x4] =	stream.indirect.gather [hbm4b:s5+s24], $0x20, s25, s24, $0xb8;
	[tilespmem:$0x16DA0] =	vst v63  }
0xb9: {  	s28 =	simm.s32 $0x1A0;
	s30 =	simm.s32 $0xD480  }
0xba: {  	[tilespmem:s30], [sflag:$0x5] =	stream.indirect.gather [hbm4b:s5+s24], $0x20, s28, s24, $0xb8;
	[tilespmem:$0x16DA0] =	vst v63  }
0xbb: {  	s25 =	simm.s32 $0x208  }
0xbc: {  	[tilespmem:s22], [sflag:$0x6] =	stream.indirect.gather [hbm4b:s5+s24], $0x20, s25, s24, $0xb8;
	[tilespmem:$0x16DA0] =	vst v63  }
0xbd: {  	s26 =	simm.s32 $0x270  }
0xbe: {  	[tilespmem:s12], [sflag:$0x7] =	stream.indirect.gather [hbm4b:s5+s24], $0x20, s26, s24, $0xb8;
	[tilespmem:$0x16DA0] =	vst v63  }
0xbf: {  	s28 =	simm.s32 $0x2D8  }
0xc0: {  	[tilespmem:s10], [sflag:$0x8] =	stream.indirect.gather [hbm4b:s5+s24], $0x20, s28, s24, $0xb8;
	[tilespmem:$0x16DA0] =	vst v63  }
0xc1: {  	p2 =	por $0x1, $0x1;
	s0 =	smov.u32 s5;
	s30 =	simm.s32 $0x340  }
0xc2: {  	[tilespmem:s6], [sflag:$0x9] =	stream.indirect.gather [hbm4b:s5+s24], $0x20, s30, s24, $0xb8;
	[tilespmem:$0x16DA0] =	vst v63  }
.LBB2_11:
0xc3: {  	s21 =	simm.s32 $0x3A8;
	s25 =	simm.s32 $0x11300  }
0xc4: {  	[tilespmem:s25], [sflag:$0xA] =	stream.indirect.gather [hbm4b:s0+s24], $0x20, s21, s24, $0xb8;
	[tilespmem:$0x16DA0] =	vst v63  }
.LBB2_12:
0xc5: {  	s25 =	simm.s32 $0x0  }
.LBB2_13:
0xc6: {  	_ =	swait.ge [sflag:s23], $0xC80  }
0xc7: {  	s0 =	sshra.s32 s25, $0x2;
	[sflag:s23] =	ssyncset.done $0x0  }
0xc8: {  	s21 =	sadd.s32 $0x5140, s0;
	[sflag:s23] =	ssyncadd.s32 $0xFFFFF380  }
0xc9: {  	[spmem:s2] =	stream.indirect.scatter.add.bf16 [tilespmem:s31], [sflag:$0xB], $0x20, s21, s24, $0xb8;
	[tilespmem:$0x16DA0] =	vst v63  }
0xca: {  	_ =	swait.ge [sflag:s29], $0xC80  }
0xcb: {  	[sflag:s29] =	ssyncset.done $0x0  }
0xcc: {  	s26 =	simm.s32 $0xAF00;
	s31 =	sadd.s32 $0x51A8, s0;
	[sflag:s29] =	ssyncadd.s32 $0xFFFFF380  }
0xcd: {  	[spmem:s2] =	stream.indirect.scatter.add.bf16 [tilespmem:s26], [sflag:$0xC], $0x20, s31, s24, $0xb8;
	[tilespmem:$0x16DA0] =	vst v63  }
0xce: {  	_ =	swait.ge [sflag:s13], $0xC80  }
0xcf: {  	[sflag:s13] =	ssyncset.done $0x0  }
0xd0: {  	s28 =	simm.s32 $0xBB80;
	s26 =	sadd.s32 $0x5210, s0;
	[sflag:s13] =	ssyncadd.s32 $0xFFFFF380  }
0xd1: {  	[spmem:s2] =	stream.indirect.scatter.add.bf16 [tilespmem:s28], [sflag:$0xD], $0x20, s26, s24, $0xb8;
	[tilespmem:$0x16DA0] =	vst v63  }
0xd2: {  	_ =	swait.ge [sflag:s14], $0xC80  }
0xd3: {  	[sflag:s14] =	ssyncset.done $0x0  }
0xd4: {  	s30 =	sadd.s32 $0x5278, s0;
	s31 =	simm.s32 $0xC800;
	[sflag:s14] =	ssyncadd.s32 $0xFFFFF380  }
0xd5: {  	[spmem:s2] =	stream.indirect.scatter.add.bf16 [tilespmem:s31], [sflag:$0xE], $0x20, s30, s24, $0xb8;
	[tilespmem:$0x16DA0] =	vst v63  }
0xd6: {  	_ =	swait.ge [sflag:s7], $0xC80  }
0xd7: {  	[sflag:s7] =	ssyncset.done $0x0  }
0xd8: {  	s28 =	sadd.s32 $0x52E0, s0;
	s30 =	simm.s32 $0xD480;
	[sflag:s7] =	ssyncadd.s32 $0xFFFFF380  }
0xd9: {  	[spmem:s2] =	stream.indirect.scatter.add.bf16 [tilespmem:s30], [sflag:$0xF], $0x20, s28, s24, $0xb8;
	[tilespmem:$0x16DA0] =	vst v63  }
0xda: {  	_ =	swait.ge [sflag:s8], $0xC80  }
0xdb: {  	[sflag:s8] =	ssyncset.done $0x0  }
0xdc: {  	s31 =	sadd.s32 $0x5348, s0;
	[sflag:s8] =	ssyncadd.s32 $0xFFFFF380  }
0xdd: {  	[spmem:s2] =	stream.indirect.scatter.add.bf16 [tilespmem:s22], [sflag:$0x10], $0x20, s31, s24, $0xb8;
	[tilespmem:$0x16DA0] =	vst v63  }
0xde: {  	_ =	swait.ge [sflag:s15], $0xC80  }
0xdf: {  	[sflag:s15] =	ssyncset.done $0x0  }
0xe0: {  	s26 =	sadd.s32 $0x53B0, s0;
	[sflag:s15] =	ssyncadd.s32 $0xFFFFF380  }
0xe1: {  	[spmem:s2] =	stream.indirect.scatter.add.bf16 [tilespmem:s12], [sflag:$0x11], $0x20, s26, s24, $0xb8;
	[tilespmem:$0x16DA0] =	vst v63  }
0xe2: {  	_ =	swait.ge [sflag:s16], $0xC80  }
0xe3: {  	[sflag:s16] =	ssyncset.done $0x0  }
0xe4: {  	s28 =	sadd.s32 $0x5418, s0;
	[sflag:s16] =	ssyncadd.s32 $0xFFFFF380  }
0xe5: {  	[spmem:s2] =	stream.indirect.scatter.add.bf16 [tilespmem:s10], [sflag:$0x12], $0x20, s28, s24, $0xb8;
	[tilespmem:$0x16DA0] =	vst v63  }
0xe6: {  	_ =	swait.ge [sflag:s17], $0xC80  }
0xe7: {  	[sflag:s17] =	ssyncset.done $0x0  }
0xe8: {  	s30 =	sadd.s32 $0x5480, s0;
	[sflag:s17] =	ssyncadd.s32 $0xFFFFF380  }
0xe9: {  	[spmem:s2] =	stream.indirect.scatter.add.bf16 [tilespmem:s6], [sflag:$0x13], $0x20, s30, s24, $0xb8;
	[tilespmem:$0x16DA0] =	vst v63  }
0xea: {  	_ =	swait.ge [sflag:s18], $0xC80  }
0xeb: {  	[sflag:s18] =	ssyncset.done $0x0  }
0xec: {  	s0 =	sadd.s32 $0x54E8, s0;
	s31 =	simm.s32 $0x11300;
	[sflag:s18] =	ssyncadd.s32 $0xFFFFF380  }
0xed: {  	[spmem:s2] =	stream.indirect.scatter.add.bf16 [tilespmem:s31], [sflag:$0x14], $0x20, s0, s24, $0xb8;
	[tilespmem:$0x16DA0] =	vst v63  }
0xee: {  	_ =	swait.ge [sflag:s19], $0xC80  }
0xef: {  	p0 =	seq.s32 s25, $0x134C0;
	[sflag:s19] =	ssyncset.done $0x0  }
0xf0: {  	s0 =	simm.s32 @p0 $0xC;
	[sflag:s19] =	ssyncadd.s32 $0xFFFFF380  }
0xf1: {  	_ =	swait.ge @p0 [sflag:s0], $0xC80  }
0xf2: {  	s21 =	rddreg [dreg:$0x12]  }
0xf3: {  	p1 =	sne.s32 @!p0 s21, $0x0  }
0xf4: {  	[sflag:s0] =	ssyncset.done @p0 $0x0;
	p3 =	por p1, p0  }
0xf5: {  	[sflag:s0] =	ssyncadd.s32 @p0 $0xFFFFF380;
	p1 =	por !p2, p0;
	s28 =	sshra.s32 @!p3 s25, $0x2  }
0xf6: {  	s30 =	simm.s32 @!p3 $0x64;
	s21 =	simm.s32 @!p3 $0xA280;
	s0 =	sadd.s32 @!p3 $0x410, s28  }
0xf7: {  	[tilespmem:s21], [sflag:$0x1] =	stream.indirect.gather @!p3 [hbm4b:s4+s30], $0x20, s0, s30, $0xb8;
	[tilespmem:$0x16DA0] =	vst v63  }
0xf8: {  	s0 =	sshra.s32 @!p1 s25, $0x2  }
0xf9: {  	s31 =	simm.s32 @!p1 $0xA280;
	s21 =	simm.s32 @!p1 $0x64;
	s26 =	sadd.s32 @!p1 $0x410, s0  }
0xfa: {  	[tilespmem:s31], [sflag:$0x1] =	stream.indirect.gather @!p1 [hbm4b:s5+s21], $0x20, s26, s21, $0xb8;
	[tilespmem:$0x16DA0] =	vst v63  }
0xfb: {  	s26 =	simm.s32 @!p0 $0xC  }
0xfc: {  	_ =	swait.ge @!p0 [sflag:s26], $0xC80  }
0xfd: {  	[sflag:s26] =	ssyncset.done @!p0 $0x0  }
0xfe: {  	s31 =	simm.s32 @!p3 $0xAF00;
	[sflag:s26] =	ssyncadd.s32 @!p0 $0xFFFFF380;
	s26 =	sadd.s32 @!p3 $0x478, s28  }
0xff: {  	[tilespmem:s31], [sflag:$0x2] =	stream.indirect.gather @!p3 [hbm4b:s4+s30], $0x20, s26, s30, $0xb8;
	[tilespmem:$0x16DA0] =	vst v63  }
0x100: {  	s26 =	sadd.s32 @!p1 $0x478, s0;
	s31 =	simm.s32 @!p1 $0xAF00  }
0x101: {  	[tilespmem:s31], [sflag:$0x2] =	stream.indirect.gather @!p1 [hbm4b:s5+s21], $0x20, s26, s21, $0xb8;
	[tilespmem:$0x16DA0] =	vst v63  }
0x102: {  	_ =	swait.ge [sflag:s3], $0xC80  }
0x103: {  	[sflag:s3] =	ssyncset.done $0x0  }
0x104: {  	s26 =	simm.s32 @p0 $0xE;
	[sflag:s3] =	ssyncadd.s32 $0xFFFFF380  }
0x105: {  	_ =	swait.ge @p0 [sflag:s26], $0xC80  }
0x106: {  	[sflag:s26] =	ssyncset.done @p0 $0x0  }
0x107: {  	s31 =	simm.s32 @!p3 $0xBB80;
	[sflag:s26] =	ssyncadd.s32 @p0 $0xFFFFF380;
	s26 =	sadd.s32 @!p3 $0x4E0, s28  }
0x108: {  	[tilespmem:s31], [sflag:$0x3] =	stream.indirect.gather @!p3 [hbm4b:s4+s30], $0x20, s26, s30, $0xb8;
	[tilespmem:$0x16DA0] =	vst v63  }
0x109: {  	s26 =	sadd.s32 @!p1 $0x4E0, s0;
	s31 =	simm.s32 @!p1 $0xBB80  }
0x10a: {  	[tilespmem:s31], [sflag:$0x3] =	stream.indirect.gather @!p1 [hbm4b:s5+s21], $0x20, s26, s21, $0xb8;
	[tilespmem:$0x16DA0] =	vst v63  }
0x10b: {  	s26 =	simm.s32 @!p0 $0xE  }
0x10c: {  	_ =	swait.ge @!p0 [sflag:s26], $0xC80  }
0x10d: {  	[sflag:s26] =	ssyncset.done @!p0 $0x0  }
0x10e: {  	s31 =	simm.s32 @!p3 $0xC800;
	[sflag:s26] =	ssyncadd.s32 @!p0 $0xFFFFF380;
	s26 =	sadd.s32 @!p3 $0x548, s28  }
0x10f: {  	[tilespmem:s31], [sflag:$0x4] =	stream.indirect.gather @!p3 [hbm4b:s4+s30], $0x20, s26, s30, $0xb8;
	[tilespmem:$0x16DA0] =	vst v63  }
0x110: {  	s26 =	sadd.s32 @!p1 $0x548, s0;
	s31 =	simm.s32 @!p1 $0xC800  }
0x111: {  	[tilespmem:s31], [sflag:$0x4] =	stream.indirect.gather @!p1 [hbm4b:s5+s21], $0x20, s26, s21, $0xb8;
	[tilespmem:$0x16DA0] =	vst v63  }
0x112: {  	_ =	swait.ge [sflag:s11], $0xC80  }
0x113: {  	[sflag:s11] =	ssyncset.done $0x0  }
0x114: {  	s26 =	simm.s32 @p0 $0x10;
	[sflag:s11] =	ssyncadd.s32 $0xFFFFF380  }
0x115: {  	_ =	swait.ge @p0 [sflag:s26], $0xC80  }
0x116: {  	[sflag:s26] =	ssyncset.done @p0 $0x0  }
0x117: {  	s31 =	simm.s32 @!p3 $0xD480;
	[sflag:s26] =	ssyncadd.s32 @p0 $0xFFFFF380;
	s26 =	sadd.s32 @!p3 $0x5B0, s28  }
0x118: {  	[tilespmem:s31], [sflag:$0x5] =	stream.indirect.gather @!p3 [hbm4b:s4+s30], $0x20, s26, s30, $0xb8;
	[tilespmem:$0x16DA0] =	vst v63  }
0x119: {  	s26 =	sadd.s32 @!p1 $0x5B0, s0;
	s31 =	simm.s32 @!p1 $0xD480  }
0x11a: {  	[tilespmem:s31], [sflag:$0x5] =	stream.indirect.gather @!p1 [hbm4b:s5+s21], $0x20, s26, s21, $0xb8;
	[tilespmem:$0x16DA0] =	vst v63  }
0x11b: {  	s26 =	simm.s32 @!p0 $0x10  }
0x11c: {  	_ =	swait.ge @!p0 [sflag:s26], $0xC80  }
0x11d: {  	[sflag:s26] =	ssyncset.done @!p0 $0x0  }
0x11e: {  	s31 =	simm.s32 @!p3 $0xE100;
	[sflag:s26] =	ssyncadd.s32 @!p0 $0xFFFFF380;
	s26 =	sadd.s32 @!p3 $0x618, s28  }
0x11f: {  	[tilespmem:s31], [sflag:$0x6] =	stream.indirect.gather @!p3 [hbm4b:s4+s30], $0x20, s26, s30, $0xb8;
	[tilespmem:$0x16DA0] =	vst v63  }
0x120: {  	s26 =	sadd.s32 @!p1 $0x618, s0;
	s31 =	simm.s32 @!p1 $0xE100  }
0x121: {  	[tilespmem:s31], [sflag:$0x6] =	stream.indirect.gather @!p1 [hbm4b:s5+s21], $0x20, s26, s21, $0xb8;
	[tilespmem:$0x16DA0] =	vst v63  }
0x122: {  	_ =	swait.ge [sflag:s9], $0xC80  }
0x123: {  	[sflag:s9] =	ssyncset.done $0x0  }
0x124: {  	s26 =	simm.s32 @p0 $0x12;
	[sflag:s9] =	ssyncadd.s32 $0xFFFFF380  }
0x125: {  	_ =	swait.ge @p0 [sflag:s26], $0xC80  }
0x126: {  	[sflag:s26] =	ssyncset.done @p0 $0x0  }
0x127: {  	s31 =	simm.s32 @!p3 $0xED80;
	[sflag:s26] =	ssyncadd.s32 @p0 $0xFFFFF380;
	s26 =	sadd.s32 @!p3 $0x680, s28  }
0x128: {  	[tilespmem:s31], [sflag:$0x7] =	stream.indirect.gather @!p3 [hbm4b:s4+s30], $0x20, s26, s30, $0xb8;
	[tilespmem:$0x16DA0] =	vst v63  }
0x129: {  	s26 =	sadd.s32 @!p1 $0x680, s0;
	s31 =	simm.s32 @!p1 $0xED80  }
0x12a: {  	[tilespmem:s31], [sflag:$0x7] =	stream.indirect.gather @!p1 [hbm4b:s5+s21], $0x20, s26, s21, $0xb8;
	[tilespmem:$0x16DA0] =	vst v63  }
0x12b: {  	s26 =	simm.s32 @!p0 $0x12  }
0x12c: {  	_ =	swait.ge @!p0 [sflag:s26], $0xC80  }
0x12d: {  	[sflag:s26] =	ssyncset.done @!p0 $0x0  }
0x12e: {  	[sflag:s26] =	ssyncadd.s32 @!p0 $0xFFFFF380;
	s26 =	sadd.s32 @!p3 $0x6E8, s28;
	s28 =	simm.s32 @!p3 $0xFA00  }
0x12f: {  	[tilespmem:s28], [sflag:$0x8] =	stream.indirect.gather @!p3 [hbm4b:s4+s30], $0x20, s26, s30, $0xb8;
	[tilespmem:$0x16DA0] =	vst v63  }
.Ltmp11:
0x130: {  	s0 =	sadd.s32 @!p1 $0x6E8, s0;
	s26 =	simm.s32 @!p1 $0xFA00;
	(pc) =	sbr.rel @p0 .LBB2_15-.Ltmp11, $4  }
0x131: {  	[tilespmem:s26], [sflag:$0x8] =	stream.indirect.gather @!p1 [hbm4b:s5+s21], $0x20, s0, s21, $0xb8;
	[tilespmem:$0x16DA0] =	vst v63  }
0x132: {  	_ =	swait.ge [sflag:s1], $0xC80  }
0x133: {  	[sflag:s1] =	ssyncset.done $0x0  }
0x134: {  	[sflag:s1] =	ssyncadd.s32 $0xFFFFF380  }
0x135: {  	s0 =	sshra.s32 @!p5 s25, $0x2  }
0x136: {  	s26 =	simm.s32 @!p5 $0x64;
	s28 =	simm.s32 @!p5 $0x10680;
	s21 =	sadd.s32 @!p5 $0x750, s0  }
0x137: {  	[tilespmem:s28], [sflag:$0x9] =	stream.indirect.gather @!p5 [hbm4b:s4+s26], $0x20, s21, s26, $0xb8;
	[tilespmem:$0x16DA0] =	vst v63  }
0x138: {  	s21 =	sshra.s32 @p2 s25, $0x2  }
0x139: {  	s30 =	simm.s32 @p2 $0x64;
	s31 =	simm.s32 @p2 $0x10680;
	s28 =	sadd.s32 @p2 $0x750, s21  }
0x13a: {  	[tilespmem:s31], [sflag:$0x9] =	stream.indirect.gather @p2 [hbm4b:s5+s30], $0x20, s28, s30, $0xb8;
	[tilespmem:$0x16DA0] =	vst v63  }
0x13b: {  	_ =	swait.ge [sflag:s20], $0xC80  }
.Ltmp12:
0x13c: {  	s0 =	sadd.s32 @!p5 $0x7B8, s0;
	[sflag:s20] =	ssyncset.done $0x0;
	(pc) =	sbr.rel .LBB2_13-.Ltmp12, $4  }
0x13d: {  	s25 =	sadd.s32 $0x1040, s25;
	s28 =	simm.s32 @!p5 $0x11300;
	[sflag:s20] =	ssyncadd.s32 $0xFFFFF380  }
0x13e: {  	[tilespmem:s28], [sflag:$0xA] =	stream.indirect.gather @!p5 [hbm4b:s4+s26], $0x20, s0, s26, $0xb8;
	[tilespmem:$0x16DA0] =	vst v63  }
0x13f: {  	s31 =	simm.s32 $0xA280;
	s0 =	sadd.s32 @p2 $0x7B8, s21;
	s21 =	simm.s32 @p2 $0x11300  }
0x140: {  	[tilespmem:s21], [sflag:$0xA] =	stream.indirect.gather @p2 [hbm4b:s5+s30], $0x20, s0, s30, $0xb8;
	[tilespmem:$0x16DA0] =	vst v63  }
.LBB2_16:
0x141: {  	_ =	sfence.sel $0x180000  }
0x142: {  	[bflag:$0x0] =	sbarrier.arrive $0xFFFF  }
0x143: {  	_ =	strace $0x9000004A  }
0x144: {  	[bflag:$0x2] =	sbarrier.arrive $0xFFFF  }
0x145: {  	p0 =	sne.s32 s25, $0x0;
	s0 =	rddreg [dreg:$0x2]  }
0x146: {  	s0 =	sadd.s32 @!p0 $0x100000, s0  }
0x147: {  	[sflag:s0] =	ssyncadd.tile.s32 @!p0 $0x1;
	_ =	shalt  }
.Lfunc_end2:
_tile_overlayer_lowered:
.L_overlay_start_2:
0x148: {  	(tag) =	ssettag $0x2  }
0x149: {  	s0 =	rddreg [dreg:$0x0];
	s2 =	stileid.u32  }
0x14a: {  	s1 =	rddreg [dreg:$0x1];
	p0 =	sne.s32 s2, $0x0  }
0x14b: {  	s3 =	rddreg [dreg:$0x2];
	[bflag:$0x3] =	sbarrier.arrive $0xFFFF;
	s2 =	simm.s32 @!p0 $0x1C15  }
0x14c: {  	[timem:s3], [sflag:s2] =	dma.local @!p0 [hbm:s0], s1  }
0x14d: {  	s0 =	simm.s32 @!p0 $0x15  }
0x14e: {  	_ =	swait.ge @!p0 [sflag:s0], s1  }
0x14f: {  	s1 =	ssub.s32 @!p0 $0x0, s1;
	[sflag:s0] =	ssyncset.done @!p0 $0x0  }
0x150: {  	[sflag:s0] =	ssyncadd.s32 @!p0 s1  }
0x151: {  	[bflag:$0x3] =	sbarrier.arrive $0xFFFF  }
0x152: {  	_ =	shalt  }

</sc_bundles>
